<compile_context>
chip_gen: v7x
topology: tpu7x:2x2x1
jax: 0.10.2.dev20260603
libtpu: 0.0.44.dev20260713+nightly
codegen_flags: <defaults>
</compile_context>

<pallas_src>
import jax
import jax.numpy as jnp
from jax import lax
from jax.experimental import pallas as pl
from jax.experimental.pallas import tpu as pltpu
from jax.experimental.pallas import tpu_sc as plsc

BATCH = 16384
HIST = 50
DIM = 128
OUT = 512

NC = 2
NS = 16
LANES = 16
NW = NC * NS
CHUNKS = 1
CB = BATCH // CHUNKS
SPW = CB // NW
CH = 4
ROUNDS = SPW // CH
NV = DIM // LANES


CHH = CH * HIST
NBUF = 4


def _sc_pool_body(idx_hbm, table_hbm, out_hbm,
                  idx0, idx1, idx2, idx3, rows0, rows1, rows2, rows3,
                  acc0, acc1, acc2, acc3, sem0, sem1, sem2, sem3,
                  osem0, osem1, osem2, osem3, isem0, isem1, isem2, isem3):
    c = lax.axis_index("c")
    s = lax.axis_index("s")
    wid = c * NS + s
    base = wid * SPW
    idxs = (idx0, idx1, idx2, idx3)
    rows = (rows0, rows1, rows2, rows3)
    accs = (acc0, acc1, acc2, acc3)
    sems = (sem0, sem1, sem2, sem3)
    osems = (osem0, osem1, osem2, osem3)
    isems = (isem0, isem1, isem2, isem3)

    def idxcopy(r, bi):
        return pltpu.make_async_copy(
            idx_hbm.at[pl.ds((base + r * CH) * HIST, CHH)], idxs[bi], isems[bi]
        )

    SPLITS = ((0, 104), (104, 96))

    def gather_parts(bi):
        return [
            pltpu.make_async_copy(
                table_hbm.at[idxs[bi].at[pl.ds(o, n)]],
                rows[bi].at[pl.ds(o, n)],
                sems[bi],
            )
            for (o, n) in SPLITS
        ]

    def gather_start(bi):
        for p in gather_parts(bi):
            p.start()

    def gather_wait(bi):
        for p in gather_parts(bi):
            p.wait()

    def outcopy(r, bi):
        return pltpu.make_async_copy(
            accs[bi], out_hbm.at[pl.ds(base + r * CH, CH)], osems[bi]
        )

    for _bi in range(NBUF):
        idxcopy(_bi, _bi).start()
    for _bi in range(NBUF):
        idxcopy(_bi, _bi).wait()
        gather_start(_bi)

    def pair_body(t, _):
        for bi in range(NBUF):
            r = t * NBUF + bi
            gather_wait(bi)
            @pl.when(r + NBUF < ROUNDS)
            def _():
                idxcopy(r + NBUF, bi).start()

            @pl.when(r >= NBUF)
            def _():
                outcopy(r - NBUF, bi).wait()

            def sample_body(i, _):
                j0 = i * HIST
                UNROLL = 5

                def row_body(l, carry):
                    j = j0 + UNROLL * l
                    acc = list(carry)
                    for u in range(UNROLL):
                        for k in range(NV):
                            acc[k] = acc[k] + rows[bi][j + u, pl.ds(k * LANES, LANES)]
                    return tuple(acc)

                carry0 = tuple(jnp.zeros((LANES,), jnp.float32) for _ in range(NV))
                acc = lax.fori_loop(0, HIST // UNROLL, row_body, carry0)
                for k in range(NV):
                    accs[bi][i, pl.ds(k * LANES, LANES)] = acc[k]
                return 0

            lax.fori_loop(0, CH, sample_body, 0)

            @pl.when(r + NBUF < ROUNDS)
            def _():
                idxcopy(r + NBUF, bi).wait()
                gather_start(bi)

            outcopy(r, bi).start()
        return 0

    lax.fori_loop(0, ROUNDS // NBUF, pair_body, 0)

    for _bi in range(NBUF):
        outcopy(ROUNDS - NBUF + _bi, _bi).wait()


def _sc_pool(idx_flat, table):
    mesh = plsc.VectorSubcoreMesh(core_axis_name="c", subcore_axis_name="s")
    return pl.kernel(
        _sc_pool_body,
        out_type=jax.ShapeDtypeStruct((CB, DIM), jnp.float32),
        mesh=mesh,
        scratch_types=[
            pltpu.VMEM((CHH,), jnp.int32),
            pltpu.VMEM((CHH,), jnp.int32),
            pltpu.VMEM((CHH,), jnp.int32),
            pltpu.VMEM((CHH,), jnp.int32),
            pltpu.VMEM((CHH, DIM), jnp.float32),
            pltpu.VMEM((CHH, DIM), jnp.float32),
            pltpu.VMEM((CHH, DIM), jnp.float32),
            pltpu.VMEM((CHH, DIM), jnp.float32),
            pltpu.VMEM((CH, DIM), jnp.float32),
            pltpu.VMEM((CH, DIM), jnp.float32),
            pltpu.VMEM((CH, DIM), jnp.float32),
            pltpu.VMEM((CH, DIM), jnp.float32),
            pltpu.SemaphoreType.DMA,
            pltpu.SemaphoreType.DMA,
            pltpu.SemaphoreType.DMA,
            pltpu.SemaphoreType.DMA,
            pltpu.SemaphoreType.DMA,
            pltpu.SemaphoreType.DMA,
            pltpu.SemaphoreType.DMA,
            pltpu.SemaphoreType.DMA,
            pltpu.SemaphoreType.DMA,
            pltpu.SemaphoreType.DMA,
            pltpu.SemaphoreType.DMA,
            pltpu.SemaphoreType.DMA,
        ],
    )(idx_flat, table)


def _mm_body(x_ref, w_ref, b_ref, o_ref):
    w = w_ref[...] * (1.0 / HIST)
    o_ref[...] = jnp.tanh(
        jnp.dot(x_ref[...], w, preferred_element_type=jnp.float32) + b_ref[...]
    )


def _project(sums, W, b2d):
    BM = 4096
    return pl.pallas_call(
        _mm_body,
        grid=(CB // BM,),
        in_specs=[
            pl.BlockSpec((BM, DIM), lambda i: (i, 0)),
            pl.BlockSpec((DIM, OUT), lambda i: (0, 0)),
            pl.BlockSpec((1, OUT), lambda i: (0, 0)),
        ],
        out_specs=pl.BlockSpec((BM, OUT), lambda i: (i, 0)),
        out_shape=jax.ShapeDtypeStruct((CB, OUT), jnp.float32),
    )(sums, W, b2d)


def kernel(indices, table, W, b):
    idx_flat = indices.reshape(-1)
    b2d = b.reshape(1, OUT)
    outs = []
    for ci in range(CHUNKS):
        sums = _sc_pool(
            lax.slice(idx_flat, (ci * CB * HIST,), ((ci + 1) * CB * HIST,)), table
        )
        outs.append(_project(sums, W, b2d))
    if CHUNKS == 1:
        return outs[0]
    return jnp.concatenate(outs, axis=0)

# --- scband reference (transcript-rebuilt; emitter-appended) ---
"""Pipeline reference for scband-d2-a-12816182411741 (READ-ONLY COPY).

The authoritative reference and input builder live on the scoring server;
editing this copy changes nothing except your own understanding.
"""

import jax, jax.numpy as jnp
import numpy as np

BATCH = 16384
HIST = 50
VOCAB = 100000
DIM = 128
OUT = 4 * DIM

def setup_inputs(seed: int = 0) -> dict:
    key = jax.random.key(seed)
    k1, k2, k3 = jax.random.split(key, 3)
    indices = jax.random.randint(k1, (BATCH, HIST), 0, VOCAB, dtype=jnp.int32)
    table = jax.random.normal(k2, (VOCAB, DIM), dtype=jnp.float32) * 0.02
    W = jax.random.normal(k3, (DIM, OUT), dtype=jnp.float32) * 0.05
    b = jnp.zeros((OUT,), dtype=jnp.float32)
    return {"indices": indices, "table": table, "W": W, "b": b}

def reference(indices, table, W, b):
    # D2A entity embedding path: gather token embeddings for each entity's
    # surface-form tokens, mean-pool over tokens, then tanh(W_entities(.)).
    emb = jnp.take(table, indices, axis=0)          # [B, L, D] gather (SparseCore)
    pooled = jnp.mean(emb, axis=1)                  # [B, D] mean over tokens
    out = jnp.tanh(pooled @ W + b)                  # [B, 4D] F.tanh(self.W_entities(...))
    return out

if __name__ == "__main__":
    import jax
    _d = setup_inputs()
    print(jax.jit(kernel)(*tuple(_d.values())))

</pallas_src>

<mosaic_0001>
#map = affine_map<(d0, d1) -> (0)>
#map1 = affine_map<(d0, d1) -> (0, 0)>
module attributes {stable_mosaic.version = 14 : i64} {
  func.func @_sc_pool_body(%arg0: i32, %arg1: i32, %arg2: memref<819200xi32, #tpu.memory_space<hbm>>, %arg3: memref<100000x128xf32, #tpu.memory_space<hbm>>, %arg4: memref<16384x128xf32, #tpu.memory_space<hbm>>, %arg5: memref<200xi32, #tpu.memory_space<vmem>>, %arg6: memref<200xi32, #tpu.memory_space<vmem>>, %arg7: memref<200xi32, #tpu.memory_space<vmem>>, %arg8: memref<200xi32, #tpu.memory_space<vmem>>, %arg9: memref<200x128xf32, #tpu.memory_space<vmem>>, %arg10: memref<200x128xf32, #tpu.memory_space<vmem>>, %arg11: memref<200x128xf32, #tpu.memory_space<vmem>>, %arg12: memref<200x128xf32, #tpu.memory_space<vmem>>, %arg13: memref<4x128xf32, #tpu.memory_space<vmem>>, %arg14: memref<4x128xf32, #tpu.memory_space<vmem>>, %arg15: memref<4x128xf32, #tpu.memory_space<vmem>>, %arg16: memref<4x128xf32, #tpu.memory_space<vmem>>, %arg17: memref<!tpu.dma_semaphore, #tpu.memory_space<semaphore_mem>>, %arg18: memref<!tpu.dma_semaphore, #tpu.memory_space<semaphore_mem>>, %arg19: memref<!tpu.dma_semaphore, #tpu.memory_space<semaphore_mem>>, %arg20: memref<!tpu.dma_semaphore, #tpu.memory_space<semaphore_mem>>, %arg21: memref<!tpu.dma_semaphore, #tpu.memory_space<semaphore_mem>>, %arg22: memref<!tpu.dma_semaphore, #tpu.memory_space<semaphore_mem>>, %arg23: memref<!tpu.dma_semaphore, #tpu.memory_space<semaphore_mem>>, %arg24: memref<!tpu.dma_semaphore, #tpu.memory_space<semaphore_mem>>, %arg25: memref<!tpu.dma_semaphore, #tpu.memory_space<semaphore_mem>>, %arg26: memref<!tpu.dma_semaphore, #tpu.memory_space<semaphore_mem>>, %arg27: memref<!tpu.dma_semaphore, #tpu.memory_space<semaphore_mem>>, %arg28: memref<!tpu.dma_semaphore, #tpu.memory_space<semaphore_mem>>) attributes {dimension_semantics = [#tpu.dimension_semantics<core_parallel>, #tpu.dimension_semantics<subcore_parallel>], iteration_bounds = array<i64: 2, 16>, scalar_prefetch = 0 : i64, scratch_operands = 24 : i64, tpu.core_type = #tpu.core_type<sc_vector_subcore>, window_params = [{transform_indices = #map}, {transform_indices = #map1}, {transform_indices = #map1}]} {
    %mul3A = arith.constant 16 : i32
    %mul3A_0 = arith.muli %arg0, %mul3A : i32
    %add3A = arith.addi %mul3A_0, %arg1 : i32
    %mul3A_1 = arith.constant 512 : i32
    %mul3A_2 = arith.muli %add3A, %mul3A_1 : i32
    %add3A_3 = arith.constant 0 : i32
    %add3A_4 = arith.addi %mul3A_2, %add3A_3 : i32
    %mul3A_5 = arith.constant 50 : i32
    %mul3A_6 = arith.muli %add3A_4, %mul3A_5 : i32
    %dma_start3A = tpu.memref_slice %arg2[%mul3A_6] : memref<819200xi32, #tpu.memory_space<hbm>> -> memref<200xi32, #tpu.memory_space<hbm>>
    %dma_start3A_7 = tpu.memref_slice %arg2[%mul3A_6] : memref<819200xi32, #tpu.memory_space<hbm>> -> memref<200xi32, #tpu.memory_space<hbm>>
    tpu.enqueue_dma source(%dma_start3A_7 : memref<200xi32, #tpu.memory_space<hbm>>) target(%arg5 : memref<200xi32, #tpu.memory_space<vmem>>) target_semaphore(%arg25 : memref<!tpu.dma_semaphore, #tpu.memory_space<semaphore_mem>>)
    %add3A_8 = arith.constant 4 : i32
    %add3A_9 = arith.addi %mul3A_2, %add3A_8 : i32
    %mul3A_10 = arith.constant 50 : i32
    %mul3A_11 = arith.muli %add3A_9, %mul3A_10 : i32
    %dma_start3A_12 = tpu.memref_slice %arg2[%mul3A_11] : memref<819200xi32, #tpu.memory_space<hbm>> -> memref<200xi32, #tpu.memory_space<hbm>>
    %dma_start3A_13 = tpu.memref_slice %arg2[%mul3A_11] : memref<819200xi32, #tpu.memory_space<hbm>> -> memref<200xi32, #tpu.memory_space<hbm>>
    tpu.enqueue_dma source(%dma_start3A_13 : memref<200xi32, #tpu.memory_space<hbm>>) target(%arg6 : memref<200xi32, #tpu.memory_space<vmem>>) target_semaphore(%arg26 : memref<!tpu.dma_semaphore, #tpu.memory_space<semaphore_mem>>)
    %add3A_14 = arith.constant 8 : i32
    %add3A_15 = arith.addi %mul3A_2, %add3A_14 : i32
    %mul3A_16 = arith.constant 50 : i32
    %mul3A_17 = arith.muli %add3A_15, %mul3A_16 : i32
    %dma_start3A_18 = tpu.memref_slice %arg2[%mul3A_17] : memref<819200xi32, #tpu.memory_space<hbm>> -> memref<200xi32, #tpu.memory_space<hbm>>
    %dma_start3A_19 = tpu.memref_slice %arg2[%mul3A_17] : memref<819200xi32, #tpu.memory_space<hbm>> -> memref<200xi32, #tpu.memory_space<hbm>>
    tpu.enqueue_dma source(%dma_start3A_19 : memref<200xi32, #tpu.memory_space<hbm>>) target(%arg7 : memref<200xi32, #tpu.memory_space<vmem>>) target_semaphore(%arg27 : memref<!tpu.dma_semaphore, #tpu.memory_space<semaphore_mem>>)
    %add3A_20 = arith.constant 12 : i32
    %add3A_21 = arith.addi %mul3A_2, %add3A_20 : i32
    %mul3A_22 = arith.constant 50 : i32
    %mul3A_23 = arith.muli %add3A_21, %mul3A_22 : i32
    %dma_start3A_24 = tpu.memref_slice %arg2[%mul3A_23] : memref<819200xi32, #tpu.memory_space<hbm>> -> memref<200xi32, #tpu.memory_space<hbm>>
    %dma_start3A_25 = tpu.memref_slice %arg2[%mul3A_23] : memref<819200xi32, #tpu.memory_space<hbm>> -> memref<200xi32, #tpu.memory_space<hbm>>
    tpu.enqueue_dma source(%dma_start3A_25 : memref<200xi32, #tpu.memory_space<hbm>>) target(%arg8 : memref<200xi32, #tpu.memory_space<vmem>>) target_semaphore(%arg28 : memref<!tpu.dma_semaphore, #tpu.memory_space<semaphore_mem>>)
    %add3A_26 = arith.constant 0 : i32
    %add3A_27 = arith.addi %mul3A_2, %add3A_26 : i32
    %mul3A_28 = arith.constant 50 : i32
    %mul3A_29 = arith.muli %add3A_27, %mul3A_28 : i32
    %dma_wait3A = tpu.memref_slice %arg2[%mul3A_29] : memref<819200xi32, #tpu.memory_space<hbm>> -> memref<200xi32, #tpu.memory_space<hbm>>
    %dma_wait3A_30 = tpu.memref_slice %arg2[%mul3A_29] : memref<819200xi32, #tpu.memory_space<hbm>> -> memref<200xi32, #tpu.memory_space<hbm>>
    tpu.wait_dma2 semaphore(%arg25 : memref<!tpu.dma_semaphore, #tpu.memory_space<semaphore_mem>>) src(%dma_wait3A_30 : memref<200xi32, #tpu.memory_space<hbm>>) dst(%arg5 : memref<200xi32, #tpu.memory_space<vmem>>)
    %dma_start3A_31 = arith.constant 0 : i32
    %dma_start3A_32 = arith.constant 0 : i32
    %dma_start3A_33 = tpu.memref_slice %arg9[%dma_start3A_31, %dma_start3A_32] : memref<200x128xf32, #tpu.memory_space<vmem>> -> memref<104x128xf32, #tpu.memory_space<vmem>>
    %dma_start3A_34 = arith.constant 0 : i32
    %dma_start3A_35 = tpu.memref_slice %arg5[%dma_start3A_34] : memref<200xi32, #tpu.memory_space<vmem>> -> memref<104xi32, #tpu.memory_space<vmem>>
    %dma_start3A_36 = arith.constant 0 : i32
    %dma_start3A_37 = arith.constant 0 : i32
    %dma_start3A_38 = tpu.memref_slice %arg3[%dma_start3A_36, %dma_start3A_37] : memref<100000x128xf32, #tpu.memory_space<hbm>> -> memref<100000x128xf32, #tpu.memory_space<hbm>>
    tpu.enqueue_indirect_dma source(%dma_start3A_38 : memref<100000x128xf32, #tpu.memory_space<hbm>>) target(%dma_start3A_33 : memref<104x128xf32, #tpu.memory_space<vmem>>) offsets(%dma_start3A_35 : memref<104xi32, #tpu.memory_space<vmem>>) semaphore(%arg17 : memref<!tpu.dma_semaphore, #tpu.memory_space<semaphore_mem>>)
    %dma_start3A_39 = arith.constant 104 : i32
    %dma_start3A_40 = arith.constant 0 : i32
    %dma_start3A_41 = tpu.memref_slice %arg9[%dma_start3A_39, %dma_start3A_40] : memref<200x128xf32, #tpu.memory_space<vmem>> -> memref<96x128xf32, #tpu.memory_space<vmem>>
    %dma_start3A_42 = arith.constant 104 : i32
    %dma_start3A_43 = tpu.memref_slice %arg5[%dma_start3A_42] : memref<200xi32, #tpu.memory_space<vmem>> -> memref<96xi32, #tpu.memory_space<vmem>>
    %dma_start3A_44 = arith.constant 0 : i32
    %dma_start3A_45 = arith.constant 0 : i32
    %dma_start3A_46 = tpu.memref_slice %arg3[%dma_start3A_44, %dma_start3A_45] : memref<100000x128xf32, #tpu.memory_space<hbm>> -> memref<100000x128xf32, #tpu.memory_space<hbm>>
    tpu.enqueue_indirect_dma source(%dma_start3A_46 : memref<100000x128xf32, #tpu.memory_space<hbm>>) target(%dma_start3A_41 : memref<96x128xf32, #tpu.memory_space<vmem>>) offsets(%dma_start3A_43 : memref<96xi32, #tpu.memory_space<vmem>>) semaphore(%arg17 : memref<!tpu.dma_semaphore, #tpu.memory_space<semaphore_mem>>)
    %add3A_47 = arith.constant 4 : i32
    %add3A_48 = arith.addi %mul3A_2, %add3A_47 : i32
    %mul3A_49 = arith.constant 50 : i32
    %mul3A_50 = arith.muli %add3A_48, %mul3A_49 : i32
    %dma_wait3A_51 = tpu.memref_slice %arg2[%mul3A_50] : memref<819200xi32, #tpu.memory_space<hbm>> -> memref<200xi32, #tpu.memory_space<hbm>>
    %dma_wait3A_52 = tpu.memref_slice %arg2[%mul3A_50] : memref<819200xi32, #tpu.memory_space<hbm>> -> memref<200xi32, #tpu.memory_space<hbm>>
    tpu.wait_dma2 semaphore(%arg26 : memref<!tpu.dma_semaphore, #tpu.memory_space<semaphore_mem>>) src(%dma_wait3A_52 : memref<200xi32, #tpu.memory_space<hbm>>) dst(%arg6 : memref<200xi32, #tpu.memory_space<vmem>>)
    %dma_start3A_53 = arith.constant 0 : i32
    %dma_start3A_54 = arith.constant 0 : i32
    %dma_start3A_55 = tpu.memref_slice %arg10[%dma_start3A_53, %dma_start3A_54] : memref<200x128xf32, #tpu.memory_space<vmem>> -> memref<104x128xf32, #tpu.memory_space<vmem>>
    %dma_start3A_56 = arith.constant 0 : i32
    %dma_start3A_57 = tpu.memref_slice %arg6[%dma_start3A_56] : memref<200xi32, #tpu.memory_space<vmem>> -> memref<104xi32, #tpu.memory_space<vmem>>
    %dma_start3A_58 = arith.constant 0 : i32
    %dma_start3A_59 = arith.constant 0 : i32
    %dma_start3A_60 = tpu.memref_slice %arg3[%dma_start3A_58, %dma_start3A_59] : memref<100000x128xf32, #tpu.memory_space<hbm>> -> memref<100000x128xf32, #tpu.memory_space<hbm>>
    tpu.enqueue_indirect_dma source(%dma_start3A_60 : memref<100000x128xf32, #tpu.memory_space<hbm>>) target(%dma_start3A_55 : memref<104x128xf32, #tpu.memory_space<vmem>>) offsets(%dma_start3A_57 : memref<104xi32, #tpu.memory_space<vmem>>) semaphore(%arg18 : memref<!tpu.dma_semaphore, #tpu.memory_space<semaphore_mem>>)
    %dma_start3A_61 = arith.constant 104 : i32
    %dma_start3A_62 = arith.constant 0 : i32
    %dma_start3A_63 = tpu.memref_slice %arg10[%dma_start3A_61, %dma_start3A_62] : memref<200x128xf32, #tpu.memory_space<vmem>> -> memref<96x128xf32, #tpu.memory_space<vmem>>
    %dma_start3A_64 = arith.constant 104 : i32
    %dma_start3A_65 = tpu.memref_slice %arg6[%dma_start3A_64] : memref<200xi32, #tpu.memory_space<vmem>> -> memref<96xi32, #tpu.memory_space<vmem>>
    %dma_start3A_66 = arith.constant 0 : i32
    %dma_start3A_67 = arith.constant 0 : i32
    %dma_start3A_68 = tpu.memref_slice %arg3[%dma_start3A_66, %dma_start3A_67] : memref<100000x128xf32, #tpu.memory_space<hbm>> -> memref<100000x128xf32, #tpu.memory_space<hbm>>
    tpu.enqueue_indirect_dma source(%dma_start3A_68 : memref<100000x128xf32, #tpu.memory_space<hbm>>) target(%dma_start3A_63 : memref<96x128xf32, #tpu.memory_space<vmem>>) offsets(%dma_start3A_65 : memref<96xi32, #tpu.memory_space<vmem>>) semaphore(%arg18 : memref<!tpu.dma_semaphore, #tpu.memory_space<semaphore_mem>>)
    %add3A_69 = arith.constant 8 : i32
    %add3A_70 = arith.addi %mul3A_2, %add3A_69 : i32
    %mul3A_71 = arith.constant 50 : i32
    %mul3A_72 = arith.muli %add3A_70, %mul3A_71 : i32
    %dma_wait3A_73 = tpu.memref_slice %arg2[%mul3A_72] : memref<819200xi32, #tpu.memory_space<hbm>> -> memref<200xi32, #tpu.memory_space<hbm>>
    %dma_wait3A_74 = tpu.memref_slice %arg2[%mul3A_72] : memref<819200xi32, #tpu.memory_space<hbm>> -> memref<200xi32, #tpu.memory_space<hbm>>
    tpu.wait_dma2 semaphore(%arg27 : memref<!tpu.dma_semaphore, #tpu.memory_space<semaphore_mem>>) src(%dma_wait3A_74 : memref<200xi32, #tpu.memory_space<hbm>>) dst(%arg7 : memref<200xi32, #tpu.memory_space<vmem>>)
    %dma_start3A_75 = arith.constant 0 : i32
    %dma_start3A_76 = arith.constant 0 : i32
    %dma_start3A_77 = tpu.memref_slice %arg11[%dma_start3A_75, %dma_start3A_76] : memref<200x128xf32, #tpu.memory_space<vmem>> -> memref<104x128xf32, #tpu.memory_space<vmem>>
    %dma_start3A_78 = arith.constant 0 : i32
    %dma_start3A_79 = tpu.memref_slice %arg7[%dma_start3A_78] : memref<200xi32, #tpu.memory_space<vmem>> -> memref<104xi32, #tpu.memory_space<vmem>>
    %dma_start3A_80 = arith.constant 0 : i32
    %dma_start3A_81 = arith.constant 0 : i32
    %dma_start3A_82 = tpu.memref_slice %arg3[%dma_start3A_80, %dma_start3A_81] : memref<100000x128xf32, #tpu.memory_space<hbm>> -> memref<100000x128xf32, #tpu.memory_space<hbm>>
    tpu.enqueue_indirect_dma source(%dma_start3A_82 : memref<100000x128xf32, #tpu.memory_space<hbm>>) target(%dma_start3A_77 : memref<104x128xf32, #tpu.memory_space<vmem>>) offsets(%dma_start3A_79 : memref<104xi32, #tpu.memory_space<vmem>>) semaphore(%arg19 : memref<!tpu.dma_semaphore, #tpu.memory_space<semaphore_mem>>)
    %dma_start3A_83 = arith.constant 104 : i32
    %dma_start3A_84 = arith.constant 0 : i32
    %dma_start3A_85 = tpu.memref_slice %arg11[%dma_start3A_83, %dma_start3A_84] : memref<200x128xf32, #tpu.memory_space<vmem>> -> memref<96x128xf32, #tpu.memory_space<vmem>>
    %dma_start3A_86 = arith.constant 104 : i32
    %dma_start3A_87 = tpu.memref_slice %arg7[%dma_start3A_86] : memref<200xi32, #tpu.memory_space<vmem>> -> memref<96xi32, #tpu.memory_space<vmem>>
    %dma_start3A_88 = arith.constant 0 : i32
    %dma_start3A_89 = arith.constant 0 : i32
    %dma_start3A_90 = tpu.memref_slice %arg3[%dma_start3A_88, %dma_start3A_89] : memref<100000x128xf32, #tpu.memory_space<hbm>> -> memref<100000x128xf32, #tpu.memory_space<hbm>>
    tpu.enqueue_indirect_dma source(%dma_start3A_90 : memref<100000x128xf32, #tpu.memory_space<hbm>>) target(%dma_start3A_85 : memref<96x128xf32, #tpu.memory_space<vmem>>) offsets(%dma_start3A_87 : memref<96xi32, #tpu.memory_space<vmem>>) semaphore(%arg19 : memref<!tpu.dma_semaphore, #tpu.memory_space<semaphore_mem>>)
    %add3A_91 = arith.constant 12 : i32
    %add3A_92 = arith.addi %mul3A_2, %add3A_91 : i32
    %mul3A_93 = arith.constant 50 : i32
    %mul3A_94 = arith.muli %add3A_92, %mul3A_93 : i32
    %dma_wait3A_95 = tpu.memref_slice %arg2[%mul3A_94] : memref<819200xi32, #tpu.memory_space<hbm>> -> memref<200xi32, #tpu.memory_space<hbm>>
    %dma_wait3A_96 = tpu.memref_slice %arg2[%mul3A_94] : memref<819200xi32, #tpu.memory_space<hbm>> -> memref<200xi32, #tpu.memory_space<hbm>>
    tpu.wait_dma2 semaphore(%arg28 : memref<!tpu.dma_semaphore, #tpu.memory_space<semaphore_mem>>) src(%dma_wait3A_96 : memref<200xi32, #tpu.memory_space<hbm>>) dst(%arg8 : memref<200xi32, #tpu.memory_space<vmem>>)
    %dma_start3A_97 = arith.constant 0 : i32
    %dma_start3A_98 = arith.constant 0 : i32
    %dma_start3A_99 = tpu.memref_slice %arg12[%dma_start3A_97, %dma_start3A_98] : memref<200x128xf32, #tpu.memory_space<vmem>> -> memref<104x128xf32, #tpu.memory_space<vmem>>
    %dma_start3A_100 = arith.constant 0 : i32
    %dma_start3A_101 = tpu.memref_slice %arg8[%dma_start3A_100] : memref<200xi32, #tpu.memory_space<vmem>> -> memref<104xi32, #tpu.memory_space<vmem>>
    %dma_start3A_102 = arith.constant 0 : i32
    %dma_start3A_103 = arith.constant 0 : i32
    %dma_start3A_104 = tpu.memref_slice %arg3[%dma_start3A_102, %dma_start3A_103] : memref<100000x128xf32, #tpu.memory_space<hbm>> -> memref<100000x128xf32, #tpu.memory_space<hbm>>
    tpu.enqueue_indirect_dma source(%dma_start3A_104 : memref<100000x128xf32, #tpu.memory_space<hbm>>) target(%dma_start3A_99 : memref<104x128xf32, #tpu.memory_space<vmem>>) offsets(%dma_start3A_101 : memref<104xi32, #tpu.memory_space<vmem>>) semaphore(%arg20 : memref<!tpu.dma_semaphore, #tpu.memory_space<semaphore_mem>>)
    %dma_start3A_105 = arith.constant 104 : i32
    %dma_start3A_106 = arith.constant 0 : i32
    %dma_start3A_107 = tpu.memref_slice %arg12[%dma_start3A_105, %dma_start3A_106] : memref<200x128xf32, #tpu.memory_space<vmem>> -> memref<96x128xf32, #tpu.memory_space<vmem>>
    %dma_start3A_108 = arith.constant 104 : i32
    %dma_start3A_109 = tpu.memref_slice %arg8[%dma_start3A_108] : memref<200xi32, #tpu.memory_space<vmem>> -> memref<96xi32, #tpu.memory_space<vmem>>
    %dma_start3A_110 = arith.constant 0 : i32
    %dma_start3A_111 = arith.constant 0 : i32
    %dma_start3A_112 = tpu.memref_slice %arg3[%dma_start3A_110, %dma_start3A_111] : memref<100000x128xf32, #tpu.memory_space<hbm>> -> memref<100000x128xf32, #tpu.memory_space<hbm>>
    tpu.enqueue_indirect_dma source(%dma_start3A_112 : memref<100000x128xf32, #tpu.memory_space<hbm>>) target(%dma_start3A_107 : memref<96x128xf32, #tpu.memory_space<vmem>>) offsets(%dma_start3A_109 : memref<96xi32, #tpu.memory_space<vmem>>) semaphore(%arg20 : memref<!tpu.dma_semaphore, #tpu.memory_space<semaphore_mem>>)
    %scan3A = arith.constant 0 : i32
    %scan3A_113 = arith.constant 0 : i32
    %scan3A_114 = arith.constant 32 : i32
    %scan3A_115 = arith.addi %scan3A_113, %scan3A_114 : i32
    %scan3A_116 = arith.constant 1 : i32
    %scan3A_117 = scf.for %scan3A_143 = %scan3A_113 to %scan3A_115 step %scan3A_116 iter_args(%scan3A_144 = %scan3A) -> (i32)  : i32 {
      %mul3A_145 = arith.constant 4 : i32
      %mul3A_146 = arith.muli %scan3A_143, %mul3A_145 : i32
      %add3A_147 = arith.constant 0 : i32
      %add3A_148 = arith.addi %mul3A_146, %add3A_147 : i32
      %dma_wait3A_149 = arith.constant 0 : i32
      %dma_wait3A_150 = arith.constant 0 : i32
      %dma_wait3A_151 = tpu.memref_slice %arg9[%dma_wait3A_149, %dma_wait3A_150] : memref<200x128xf32, #tpu.memory_space<vmem>> -> memref<104x128xf32, #tpu.memory_space<vmem>>
      %dma_wait3A_152 = arith.constant 0 : i32
      %dma_wait3A_153 = tpu.memref_slice %arg5[%dma_wait3A_152] : memref<200xi32, #tpu.memory_space<vmem>> -> memref<104xi32, #tpu.memory_space<vmem>>
      %dma_wait3A_154 = arith.constant 0 : i32
      %dma_wait3A_155 = arith.constant 0 : i32
      %dma_wait3A_156 = tpu.memref_slice %arg3[%dma_wait3A_154, %dma_wait3A_155] : memref<100000x128xf32, #tpu.memory_space<hbm>> -> memref<100000x128xf32, #tpu.memory_space<hbm>>
      tpu.wait_indirect_dma semaphore(%arg17 : memref<!tpu.dma_semaphore, #tpu.memory_space<semaphore_mem>>) src(%dma_wait3A_156 : memref<100000x128xf32, #tpu.memory_space<hbm>>) dst(%dma_wait3A_151 : memref<104x128xf32, #tpu.memory_space<vmem>>)
      %dma_wait3A_157 = arith.constant 104 : i32
      %dma_wait3A_158 = arith.constant 0 : i32
      %dma_wait3A_159 = tpu.memref_slice %arg9[%dma_wait3A_157, %dma_wait3A_158] : memref<200x128xf32, #tpu.memory_space<vmem>> -> memref<96x128xf32, #tpu.memory_space<vmem>>
      %dma_wait3A_160 = arith.constant 104 : i32
      %dma_wait3A_161 = tpu.memref_slice %arg5[%dma_wait3A_160] : memref<200xi32, #tpu.memory_space<vmem>> -> memref<96xi32, #tpu.memory_space<vmem>>
      %dma_wait3A_162 = arith.constant 0 : i32
      %dma_wait3A_163 = arith.constant 0 : i32
      %dma_wait3A_164 = tpu.memref_slice %arg3[%dma_wait3A_162, %dma_wait3A_163] : memref<100000x128xf32, #tpu.memory_space<hbm>> -> memref<100000x128xf32, #tpu.memory_space<hbm>>
      tpu.wait_indirect_dma semaphore(%arg17 : memref<!tpu.dma_semaphore, #tpu.memory_space<semaphore_mem>>) src(%dma_wait3A_164 : memref<100000x128xf32, #tpu.memory_space<hbm>>) dst(%dma_wait3A_159 : memref<96x128xf32, #tpu.memory_space<vmem>>)
      %add3A_165 = arith.constant 4 : i32
      %add3A_166 = arith.addi %add3A_148, %add3A_165 : i32
      %lt3A = arith.constant 128 : i32
      %lt3A_167 = arith.cmpi slt, %add3A_166, %lt3A : i32
      %convert_element_type3A = arith.extui %lt3A_167 : i1 to i32
      %cond3A = arith.constant 0 : i32
      %cond3A_168 = arith.cmpi ne, %convert_element_type3A, %cond3A : i32
      scf.if %cond3A_168 {
        %add3A_354 = arith.constant 4 : i32
        %add3A_355 = arith.addi %add3A_148, %add3A_354 : i32
        %mul3A_356 = arith.constant 4 : i32
        %mul3A_357 = arith.muli %add3A_355, %mul3A_356 : i32
        %add3A_358 = arith.addi %mul3A_2, %mul3A_357 : i32
        %mul3A_359 = arith.constant 50 : i32
        %mul3A_360 = arith.muli %add3A_358, %mul3A_359 : i32
        %dma_start3A_361 = tpu.memref_slice %arg2[%mul3A_360] : memref<819200xi32, #tpu.memory_space<hbm>> -> memref<200xi32, #tpu.memory_space<hbm>>
        %dma_start3A_362 = tpu.memref_slice %arg2[%mul3A_360] : memref<819200xi32, #tpu.memory_space<hbm>> -> memref<200xi32, #tpu.memory_space<hbm>>
        tpu.enqueue_dma source(%dma_start3A_362 : memref<200xi32, #tpu.memory_space<hbm>>) target(%arg5 : memref<200xi32, #tpu.memory_space<vmem>>) target_semaphore(%arg25 : memref<!tpu.dma_semaphore, #tpu.memory_space<semaphore_mem>>)
      } else {
      }
      %ge3A = arith.constant 4 : i32
      %ge3A_169 = arith.cmpi sge, %add3A_148, %ge3A : i32
      %convert_element_type3A_170 = arith.extui %ge3A_169 : i1 to i32
      %cond3A_171 = arith.constant 0 : i32
      %cond3A_172 = arith.cmpi ne, %convert_element_type3A_170, %cond3A_171 : i32
      scf.if %cond3A_172 {
        %sub3A = arith.constant 4 : i32
        %sub3A_354 = arith.subi %add3A_148, %sub3A : i32
        %mul3A_355 = arith.constant 4 : i32
        %mul3A_356 = arith.muli %sub3A_354, %mul3A_355 : i32
        %add3A_357 = arith.addi %mul3A_2, %mul3A_356 : i32
        %dma_wait3A_358 = arith.constant 0 : i32
        %dma_wait3A_359 = tpu.memref_slice %arg4[%add3A_357, %dma_wait3A_358] : memref<16384x128xf32, #tpu.memory_space<hbm>> -> memref<4x128xf32, #tpu.memory_space<hbm>>
        %dma_wait3A_360 = arith.constant 0 : i32
        %dma_wait3A_361 = tpu.memref_slice %arg4[%add3A_357, %dma_wait3A_360] : memref<16384x128xf32, #tpu.memory_space<hbm>> -> memref<4x128xf32, #tpu.memory_space<hbm>>
        tpu.wait_dma2 semaphore(%arg21 : memref<!tpu.dma_semaphore, #tpu.memory_space<semaphore_mem>>) src(%arg13 : memref<4x128xf32, #tpu.memory_space<vmem>>) dst(%dma_wait3A_361 : memref<4x128xf32, #tpu.memory_space<hbm>>)
      } else {
      }
      %scan3A_173 = arith.constant 0 : i32
      %scan3A_174 = arith.constant 0 : i32
      %scan3A_175 = arith.constant 4 : i32
      %scan3A_176 = arith.addi %scan3A_174, %scan3A_175 : i32
      %scan3A_177 = arith.constant 1 : i32
      %scan3A_178 = scf.for %scan3A_354 = %scan3A_174 to %scan3A_176 step %scan3A_177 iter_args(%scan3A_355 = %scan3A_173) -> (i32)  : i32 {
        %mul3A_356 = arith.constant 50 : i32
        %mul3A_357 = arith.muli %scan3A_354, %mul3A_356 : i32
        %broadcast_in_dim3A = arith.constant 0.000000e+00 : f32
        %broadcast_in_dim3A_358 = vector.broadcast %broadcast_in_dim3A : f32 to vector<16xf32>
        %broadcast_in_dim3A_359 = arith.constant 0.000000e+00 : f32
        %broadcast_in_dim3A_360 = vector.broadcast %broadcast_in_dim3A_359 : f32 to vector<16xf32>
        %broadcast_in_dim3A_361 = arith.constant 0.000000e+00 : f32
        %broadcast_in_dim3A_362 = vector.broadcast %broadcast_in_dim3A_361 : f32 to vector<16xf32>
        %broadcast_in_dim3A_363 = arith.constant 0.000000e+00 : f32
        %broadcast_in_dim3A_364 = vector.broadcast %broadcast_in_dim3A_363 : f32 to vector<16xf32>
        %broadcast_in_dim3A_365 = arith.constant 0.000000e+00 : f32
        %broadcast_in_dim3A_366 = vector.broadcast %broadcast_in_dim3A_365 : f32 to vector<16xf32>
        %broadcast_in_dim3A_367 = arith.constant 0.000000e+00 : f32
        %broadcast_in_dim3A_368 = vector.broadcast %broadcast_in_dim3A_367 : f32 to vector<16xf32>
        %broadcast_in_dim3A_369 = arith.constant 0.000000e+00 : f32
        %broadcast_in_dim3A_370 = vector.broadcast %broadcast_in_dim3A_369 : f32 to vector<16xf32>
        %broadcast_in_dim3A_371 = arith.constant 0.000000e+00 : f32
        %broadcast_in_dim3A_372 = vector.broadcast %broadcast_in_dim3A_371 : f32 to vector<16xf32>
        %scan3A_373 = arith.constant 0 : i32
        %scan3A_374 = arith.constant 10 : i32
        %scan3A_375 = arith.addi %scan3A_373, %scan3A_374 : i32
        %scan3A_376 = arith.constant 1 : i32
        %scan3A_377:8 = scf.for %scan3A_419 = %scan3A_373 to %scan3A_375 step %scan3A_376 iter_args(%scan3A_420 = %broadcast_in_dim3A_358, %scan3A_421 = %broadcast_in_dim3A_360, %scan3A_422 = %broadcast_in_dim3A_362, %scan3A_423 = %broadcast_in_dim3A_364, %scan3A_424 = %broadcast_in_dim3A_366, %scan3A_425 = %broadcast_in_dim3A_368, %scan3A_426 = %broadcast_in_dim3A_370, %scan3A_427 = %broadcast_in_dim3A_372) -> (vector<16xf32>, vector<16xf32>, vector<16xf32>, vector<16xf32>, vector<16xf32>, vector<16xf32>, vector<16xf32>, vector<16xf32>)  : i32 {
          %mul3A_428 = arith.constant 5 : i32
          %mul3A_429 = arith.muli %mul3A_428, %scan3A_419 : i32
          %add3A_430 = arith.addi %mul3A_357, %mul3A_429 : i32
          %add3A_431 = arith.constant 0 : i32
          %add3A_432 = arith.addi %add3A_430, %add3A_431 : i32
          %get3A = arith.index_cast %add3A_432 : i32 to index
          %get3A_433 = arith.constant 0 : index
          %get3A_434 = tpu.vector_load %arg9[%get3A, %get3A_433] {strides = array<i32>} : memref<200x128xf32, #tpu.memory_space<vmem>>, vector<1x16xf32>,
          %get3A_435 = vector.shape_cast %get3A_434 : vector<1x16xf32> to vector<16xf32>
          %add3A_436 = arith.addf %scan3A_420, %get3A_435 : vector<16xf32>
          %add3A_437 = arith.constant 0 : i32
          %add3A_438 = arith.addi %add3A_430, %add3A_437 : i32
          %get3A_439 = arith.index_cast %add3A_438 : i32 to index
          %get3A_440 = arith.constant 16 : index
          %get3A_441 = tpu.vector_load %arg9[%get3A_439, %get3A_440] {strides = array<i32>} : memref<200x128xf32, #tpu.memory_space<vmem>>, vector<1x16xf32>,
          %get3A_442 = vector.shape_cast %get3A_441 : vector<1x16xf32> to vector<16xf32>
          %add3A_443 = arith.addf %scan3A_421, %get3A_442 : vector<16xf32>
          %add3A_444 = arith.constant 0 : i32
          %add3A_445 = arith.addi %add3A_430, %add3A_444 : i32
          %get3A_446 = arith.index_cast %add3A_445 : i32 to index
          %get3A_447 = arith.constant 32 : index
          %get3A_448 = tpu.vector_load %arg9[%get3A_446, %get3A_447] {strides = array<i32>} : memref<200x128xf32, #tpu.memory_space<vmem>>, vector<1x16xf32>,
          %get3A_449 = vector.shape_cast %get3A_448 : vector<1x16xf32> to vector<16xf32>
          %add3A_450 = arith.addf %scan3A_422, %get3A_449 : vector<16xf32>
          %add3A_451 = arith.constant 0 : i32
          %add3A_452 = arith.addi %add3A_430, %add3A_451 : i32
          %get3A_453 = arith.index_cast %add3A_452 : i32 to index
          %get3A_454 = arith.constant 48 : index
          %get3A_455 = tpu.vector_load %arg9[%get3A_453, %get3A_454] {strides = array<i32>} : memref<200x128xf32, #tpu.memory_space<vmem>>, vector<1x16xf32>,
          %get3A_456 = vector.shape_cast %get3A_455 : vector<1x16xf32> to vector<16xf32>
          %add3A_457 = arith.addf %scan3A_423, %get3A_456 : vector<16xf32>
          %add3A_458 = arith.constant 0 : i32
          %add3A_459 = arith.addi %add3A_430, %add3A_458 : i32
          %get3A_460 = arith.index_cast %add3A_459 : i32 to index
          %get3A_461 = arith.constant 64 : index
          %get3A_462 = tpu.vector_load %arg9[%get3A_460, %get3A_461] {strides = array<i32>} : memref<200x128xf32, #tpu.memory_space<vmem>>, vector<1x16xf32>,
          %get3A_463 = vector.shape_cast %get3A_462 : vector<1x16xf32> to vector<16xf32>
          %add3A_464 = arith.addf %scan3A_424, %get3A_463 : vector<16xf32>
          %add3A_465 = arith.constant 0 : i32
          %add3A_466 = arith.addi %add3A_430, %add3A_465 : i32
          %get3A_467 = arith.index_cast %add3A_466 : i32 to index
          %get3A_468 = arith.constant 80 : index
          %get3A_469 = tpu.vector_load %arg9[%get3A_467, %get3A_468] {strides = array<i32>} : memref<200x128xf32, #tpu.memory_space<vmem>>, vector<1x16xf32>,
          %get3A_470 = vector.shape_cast %get3A_469 : vector<1x16xf32> to vector<16xf32>
          %add3A_471 = arith.addf %scan3A_425, %get3A_470 : vector<16xf32>
          %add3A_472 = arith.constant 0 : i32
          %add3A_473 = arith.addi %add3A_430, %add3A_472 : i32
          %get3A_474 = arith.index_cast %add3A_473 : i32 to index
          %get3A_475 = arith.constant 96 : index
          %get3A_476 = tpu.vector_load %arg9[%get3A_474, %get3A_475] {strides = array<i32>} : memref<200x128xf32, #tpu.memory_space<vmem>>, vector<1x16xf32>,
          %get3A_477 = vector.shape_cast %get3A_476 : vector<1x16xf32> to vector<16xf32>
          %add3A_478 = arith.addf %scan3A_426, %get3A_477 : vector<16xf32>
          %add3A_479 = arith.constant 0 : i32
          %add3A_480 = arith.addi %add3A_430, %add3A_479 : i32
          %get3A_481 = arith.index_cast %add3A_480 : i32 to index
          %get3A_482 = arith.constant 112 : index
          %get3A_483 = tpu.vector_load %arg9[%get3A_481, %get3A_482] {strides = array<i32>} : memref<200x128xf32, #tpu.memory_space<vmem>>, vector<1x16xf32>,
          %get3A_484 = vector.shape_cast %get3A_483 : vector<1x16xf32> to vector<16xf32>
          %add3A_485 = arith.addf %scan3A_427, %get3A_484 : vector<16xf32>
          %add3A_486 = arith.constant 1 : i32
          %add3A_487 = arith.addi %add3A_430, %add3A_486 : i32
          %get3A_488 = arith.index_cast %add3A_487 : i32 to index
          %get3A_489 = arith.constant 0 : index
          %get3A_490 = tpu.vector_load %arg9[%get3A_488, %get3A_489] {strides = array<i32>} : memref<200x128xf32, #tpu.memory_space<vmem>>, vector<1x16xf32>,
          %get3A_491 = vector.shape_cast %get3A_490 : vector<1x16xf32> to vector<16xf32>
          %add3A_492 = arith.addf %add3A_436, %get3A_491 : vector<16xf32>
          %add3A_493 = arith.constant 1 : i32
          %add3A_494 = arith.addi %add3A_430, %add3A_493 : i32
          %get3A_495 = arith.index_cast %add3A_494 : i32 to index
          %get3A_496 = arith.constant 16 : index
          %get3A_497 = tpu.vector_load %arg9[%get3A_495, %get3A_496] {strides = array<i32>} : memref<200x128xf32, #tpu.memory_space<vmem>>, vector<1x16xf32>,
          %get3A_498 = vector.shape_cast %get3A_497 : vector<1x16xf32> to vector<16xf32>
          %add3A_499 = arith.addf %add3A_443, %get3A_498 : vector<16xf32>
          %add3A_500 = arith.constant 1 : i32
          %add3A_501 = arith.addi %add3A_430, %add3A_500 : i32
          %get3A_502 = arith.index_cast %add3A_501 : i32 to index
          %get3A_503 = arith.constant 32 : index
          %get3A_504 = tpu.vector_load %arg9[%get3A_502, %get3A_503] {strides = array<i32>} : memref<200x128xf32, #tpu.memory_space<vmem>>, vector<1x16xf32>,
          %get3A_505 = vector.shape_cast %get3A_504 : vector<1x16xf32> to vector<16xf32>
          %add3A_506 = arith.addf %add3A_450, %get3A_505 : vector<16xf32>
          %add3A_507 = arith.constant 1 : i32
          %add3A_508 = arith.addi %add3A_430, %add3A_507 : i32
          %get3A_509 = arith.index_cast %add3A_508 : i32 to index
          %get3A_510 = arith.constant 48 : index
          %get3A_511 = tpu.vector_load %arg9[%get3A_509, %get3A_510] {strides = array<i32>} : memref<200x128xf32, #tpu.memory_space<vmem>>, vector<1x16xf32>,
          %get3A_512 = vector.shape_cast %get3A_511 : vector<1x16xf32> to vector<16xf32>
          %add3A_513 = arith.addf %add3A_457, %get3A_512 : vector<16xf32>
          %add3A_514 = arith.constant 1 : i32
          %add3A_515 = arith.addi %add3A_430, %add3A_514 : i32
          %get3A_516 = arith.index_cast %add3A_515 : i32 to index
          %get3A_517 = arith.constant 64 : index
          %get3A_518 = tpu.vector_load %arg9[%get3A_516, %get3A_517] {strides = array<i32>} : memref<200x128xf32, #tpu.memory_space<vmem>>, vector<1x16xf32>,
          %get3A_519 = vector.shape_cast %get3A_518 : vector<1x16xf32> to vector<16xf32>
          %add3A_520 = arith.addf %add3A_464, %get3A_519 : vector<16xf32>
          %add3A_521 = arith.constant 1 : i32
          %add3A_522 = arith.addi %add3A_430, %add3A_521 : i32
          %get3A_523 = arith.index_cast %add3A_522 : i32 to index
          %get3A_524 = arith.constant 80 : index
          %get3A_525 = tpu.vector_load %arg9[%get3A_523, %get3A_524] {strides = array<i32>} : memref<200x128xf32, #tpu.memory_space<vmem>>, vector<1x16xf32>,
          %get3A_526 = vector.shape_cast %get3A_525 : vector<1x16xf32> to vector<16xf32>
          %add3A_527 = arith.addf %add3A_471, %get3A_526 : vector<16xf32>
          %add3A_528 = arith.constant 1 : i32
          %add3A_529 = arith.addi %add3A_430, %add3A_528 : i32
          %get3A_530 = arith.index_cast %add3A_529 : i32 to index
          %get3A_531 = arith.constant 96 : index
          %get3A_532 = tpu.vector_load %arg9[%get3A_530, %get3A_531] {strides = array<i32>} : memref<200x128xf32, #tpu.memory_space<vmem>>, vector<1x16xf32>,
          %get3A_533 = vector.shape_cast %get3A_532 : vector<1x16xf32> to vector<16xf32>
          %add3A_534 = arith.addf %add3A_478, %get3A_533 : vector<16xf32>
          %add3A_535 = arith.constant 1 : i32
          %add3A_536 = arith.addi %add3A_430, %add3A_535 : i32
          %get3A_537 = arith.index_cast %add3A_536 : i32 to index
          %get3A_538 = arith.constant 112 : index
          %get3A_539 = tpu.vector_load %arg9[%get3A_537, %get3A_538] {strides = array<i32>} : memref<200x128xf32, #tpu.memory_space<vmem>>, vector<1x16xf32>,
          %get3A_540 = vector.shape_cast %get3A_539 : vector<1x16xf32> to vector<16xf32>
          %add3A_541 = arith.addf %add3A_485, %get3A_540 : vector<16xf32>
          %add3A_542 = arith.constant 2 : i32
          %add3A_543 = arith.addi %add3A_430, %add3A_542 : i32
          %get3A_544 = arith.index_cast %add3A_543 : i32 to index
          %get3A_545 = arith.constant 0 : index
          %get3A_546 = tpu.vector_load %arg9[%get3A_544, %get3A_545] {strides = array<i32>} : memref<200x128xf32, #tpu.memory_space<vmem>>, vector<1x16xf32>,
          %get3A_547 = vector.shape_cast %get3A_546 : vector<1x16xf32> to vector<16xf32>
          %add3A_548 = arith.addf %add3A_492, %get3A_547 : vector<16xf32>
          %add3A_549 = arith.constant 2 : i32
          %add3A_550 = arith.addi %add3A_430, %add3A_549 : i32
          %get3A_551 = arith.index_cast %add3A_550 : i32 to index
          %get3A_552 = arith.constant 16 : index
          %get3A_553 = tpu.vector_load %arg9[%get3A_551, %get3A_552] {strides = array<i32>} : memref<200x128xf32, #tpu.memory_space<vmem>>, vector<1x16xf32>,
          %get3A_554 = vector.shape_cast %get3A_553 : vector<1x16xf32> to vector<16xf32>
          %add3A_555 = arith.addf %add3A_499, %get3A_554 : vector<16xf32>
          %add3A_556 = arith.constant 2 : i32
          %add3A_557 = arith.addi %add3A_430, %add3A_556 : i32
          %get3A_558 = arith.index_cast %add3A_557 : i32 to index
          %get3A_559 = arith.constant 32 : index
          %get3A_560 = tpu.vector_load %arg9[%get3A_558, %get3A_559] {strides = array<i32>} : memref<200x128xf32, #tpu.memory_space<vmem>>, vector<1x16xf32>,
          %get3A_561 = vector.shape_cast %get3A_560 : vector<1x16xf32> to vector<16xf32>
          %add3A_562 = arith.addf %add3A_506, %get3A_561 : vector<16xf32>
          %add3A_563 = arith.constant 2 : i32
          %add3A_564 = arith.addi %add3A_430, %add3A_563 : i32
          %get3A_565 = arith.index_cast %add3A_564 : i32 to index
          %get3A_566 = arith.constant 48 : index
          %get3A_567 = tpu.vector_load %arg9[%get3A_565, %get3A_566] {strides = array<i32>} : memref<200x128xf32, #tpu.memory_space<vmem>>, vector<1x16xf32>,
          %get3A_568 = vector.shape_cast %get3A_567 : vector<1x16xf32> to vector<16xf32>
          %add3A_569 = arith.addf %add3A_513, %get3A_568 : vector<16xf32>
          %add3A_570 = arith.constant 2 : i32
          %add3A_571 = arith.addi %add3A_430, %add3A_570 : i32
          %get3A_572 = arith.index_cast %add3A_571 : i32 to index
          %get3A_573 = arith.constant 64 : index
          %get3A_574 = tpu.vector_load %arg9[%get3A_572, %get3A_573] {strides = array<i32>} : memref<200x128xf32, #tpu.memory_space<vmem>>, vector<1x16xf32>,
          %get3A_575 = vector.shape_cast %get3A_574 : vector<1x16xf32> to vector<16xf32>
          %add3A_576 = arith.addf %add3A_520, %get3A_575 : vector<16xf32>
          %add3A_577 = arith.constant 2 : i32
          %add3A_578 = arith.addi %add3A_430, %add3A_577 : i32
          %get3A_579 = arith.index_cast %add3A_578 : i32 to index
          %get3A_580 = arith.constant 80 : index
          %get3A_581 = tpu.vector_load %arg9[%get3A_579, %get3A_580] {strides = array<i32>} : memref<200x128xf32, #tpu.memory_space<vmem>>, vector<1x16xf32>,
          %get3A_582 = vector.shape_cast %get3A_581 : vector<1x16xf32> to vector<16xf32>
          %add3A_583 = arith.addf %add3A_527, %get3A_582 : vector<16xf32>
          %add3A_584 = arith.constant 2 : i32
          %add3A_585 = arith.addi %add3A_430, %add3A_584 : i32
          %get3A_586 = arith.index_cast %add3A_585 : i32 to index
          %get3A_587 = arith.constant 96 : index
          %get3A_588 = tpu.vector_load %arg9[%get3A_586, %get3A_587] {strides = array<i32>} : memref<200x128xf32, #tpu.memory_space<vmem>>, vector<1x16xf32>,
          %get3A_589 = vector.shape_cast %get3A_588 : vector<1x16xf32> to vector<16xf32>
          %add3A_590 = arith.addf %add3A_534, %get3A_589 : vector<16xf32>
          %add3A_591 = arith.constant 2 : i32
          %add3A_592 = arith.addi %add3A_430, %add3A_591 : i32
          %get3A_593 = arith.index_cast %add3A_592 : i32 to index
          %get3A_594 = arith.constant 112 : index
          %get3A_595 = tpu.vector_load %arg9[%get3A_593, %get3A_594] {strides = array<i32>} : memref<200x128xf32, #tpu.memory_space<vmem>>, vector<1x16xf32>,
          %get3A_596 = vector.shape_cast %get3A_595 : vector<1x16xf32> to vector<16xf32>
          %add3A_597 = arith.addf %add3A_541, %get3A_596 : vector<16xf32>
          %add3A_598 = arith.constant 3 : i32
          %add3A_599 = arith.addi %add3A_430, %add3A_598 : i32
          %get3A_600 = arith.index_cast %add3A_599 : i32 to index
          %get3A_601 = arith.constant 0 : index
          %get3A_602 = tpu.vector_load %arg9[%get3A_600, %get3A_601] {strides = array<i32>} : memref<200x128xf32, #tpu.memory_space<vmem>>, vector<1x16xf32>,
          %get3A_603 = vector.shape_cast %get3A_602 : vector<1x16xf32> to vector<16xf32>
          %add3A_604 = arith.addf %add3A_548, %get3A_603 : vector<16xf32>
          %add3A_605 = arith.constant 3 : i32
          %add3A_606 = arith.addi %add3A_430, %add3A_605 : i32
          %get3A_607 = arith.index_cast %add3A_606 : i32 to index
          %get3A_608 = arith.constant 16 : index
          %get3A_609 = tpu.vector_load %arg9[%get3A_607, %get3A_608] {strides = array<i32>} : memref<200x128xf32, #tpu.memory_space<vmem>>, vector<1x16xf32>,
          %get3A_610 = vector.shape_cast %get3A_609 : vector<1x16xf32> to vector<16xf32>
          %add3A_611 = arith.addf %add3A_555, %get3A_610 : vector<16xf32>
          %add3A_612 = arith.constant 3 : i32
          %add3A_613 = arith.addi %add3A_430, %add3A_612 : i32
          %get3A_614 = arith.index_cast %add3A_613 : i32 to index
          %get3A_615 = arith.constant 32 : index
          %get3A_616 = tpu.vector_load %arg9[%get3A_614, %get3A_615] {strides = array<i32>} : memref<200x128xf32, #tpu.memory_space<vmem>>, vector<1x16xf32>,
          %get3A_617 = vector.shape_cast %get3A_616 : vector<1x16xf32> to vector<16xf32>
          %add3A_618 = arith.addf %add3A_562, %get3A_617 : vector<16xf32>
          %add3A_619 = arith.constant 3 : i32
          %add3A_620 = arith.addi %add3A_430, %add3A_619 : i32
          %get3A_621 = arith.index_cast %add3A_620 : i32 to index
          %get3A_622 = arith.constant 48 : index
          %get3A_623 = tpu.vector_load %arg9[%get3A_621, %get3A_622] {strides = array<i32>} : memref<200x128xf32, #tpu.memory_space<vmem>>, vector<1x16xf32>,
          %get3A_624 = vector.shape_cast %get3A_623 : vector<1x16xf32> to vector<16xf32>
          %add3A_625 = arith.addf %add3A_569, %get3A_624 : vector<16xf32>
          %add3A_626 = arith.constant 3 : i32
          %add3A_627 = arith.addi %add3A_430, %add3A_626 : i32
          %get3A_628 = arith.index_cast %add3A_627 : i32 to index
          %get3A_629 = arith.constant 64 : index
          %get3A_630 = tpu.vector_load %arg9[%get3A_628, %get3A_629] {strides = array<i32>} : memref<200x128xf32, #tpu.memory_space<vmem>>, vector<1x16xf32>,
          %get3A_631 = vector.shape_cast %get3A_630 : vector<1x16xf32> to vector<16xf32>
          %add3A_632 = arith.addf %add3A_576, %get3A_631 : vector<16xf32>
          %add3A_633 = arith.constant 3 : i32
          %add3A_634 = arith.addi %add3A_430, %add3A_633 : i32
          %get3A_635 = arith.index_cast %add3A_634 : i32 to index
          %get3A_636 = arith.constant 80 : index
          %get3A_637 = tpu.vector_load %arg9[%get3A_635, %get3A_636] {strides = array<i32>} : memref<200x128xf32, #tpu.memory_space<vmem>>, vector<1x16xf32>,
          %get3A_638 = vector.shape_cast %get3A_637 : vector<1x16xf32> to vector<16xf32>
          %add3A_639 = arith.addf %add3A_583, %get3A_638 : vector<16xf32>
          %add3A_640 = arith.constant 3 : i32
          %add3A_641 = arith.addi %add3A_430, %add3A_640 : i32
          %get3A_642 = arith.index_cast %add3A_641 : i32 to index
          %get3A_643 = arith.constant 96 : index
          %get3A_644 = tpu.vector_load %arg9[%get3A_642, %get3A_643] {strides = array<i32>} : memref<200x128xf32, #tpu.memory_space<vmem>>, vector<1x16xf32>,
          %get3A_645 = vector.shape_cast %get3A_644 : vector<1x16xf32> to vector<16xf32>
          %add3A_646 = arith.addf %add3A_590, %get3A_645 : vector<16xf32>
          %add3A_647 = arith.constant 3 : i32
          %add3A_648 = arith.addi %add3A_430, %add3A_647 : i32
          %get3A_649 = arith.index_cast %add3A_648 : i32 to index
          %get3A_650 = arith.constant 112 : index
          %get3A_651 = tpu.vector_load %arg9[%get3A_649, %get3A_650] {strides = array<i32>} : memref<200x128xf32, #tpu.memory_space<vmem>>, vector<1x16xf32>,
          %get3A_652 = vector.shape_cast %get3A_651 : vector<1x16xf32> to vector<16xf32>
          %add3A_653 = arith.addf %add3A_597, %get3A_652 : vector<16xf32>
          %add3A_654 = arith.constant 4 : i32
          %add3A_655 = arith.addi %add3A_430, %add3A_654 : i32
          %get3A_656 = arith.index_cast %add3A_655 : i32 to index
          %get3A_657 = arith.constant 0 : index
          %get3A_658 = tpu.vector_load %arg9[%get3A_656, %get3A_657] {strides = array<i32>} : memref<200x128xf32, #tpu.memory_space<vmem>>, vector<1x16xf32>,
          %get3A_659 = vector.shape_cast %get3A_658 : vector<1x16xf32> to vector<16xf32>
          %add3A_660 = arith.addf %add3A_604, %get3A_659 : vector<16xf32>
          %add3A_661 = arith.constant 4 : i32
          %add3A_662 = arith.addi %add3A_430, %add3A_661 : i32
          %get3A_663 = arith.index_cast %add3A_662 : i32 to index
          %get3A_664 = arith.constant 16 : index
          %get3A_665 = tpu.vector_load %arg9[%get3A_663, %get3A_664] {strides = array<i32>} : memref<200x128xf32, #tpu.memory_space<vmem>>, vector<1x16xf32>,
          %get3A_666 = vector.shape_cast %get3A_665 : vector<1x16xf32> to vector<16xf32>
          %add3A_667 = arith.addf %add3A_611, %get3A_666 : vector<16xf32>
          %add3A_668 = arith.constant 4 : i32
          %add3A_669 = arith.addi %add3A_430, %add3A_668 : i32
          %get3A_670 = arith.index_cast %add3A_669 : i32 to index
          %get3A_671 = arith.constant 32 : index
          %get3A_672 = tpu.vector_load %arg9[%get3A_670, %get3A_671] {strides = array<i32>} : memref<200x128xf32, #tpu.memory_space<vmem>>, vector<1x16xf32>,
          %get3A_673 = vector.shape_cast %get3A_672 : vector<1x16xf32> to vector<16xf32>
          %add3A_674 = arith.addf %add3A_618, %get3A_673 : vector<16xf32>
          %add3A_675 = arith.constant 4 : i32
          %add3A_676 = arith.addi %add3A_430, %add3A_675 : i32
          %get3A_677 = arith.index_cast %add3A_676 : i32 to index
          %get3A_678 = arith.constant 48 : index
          %get3A_679 = tpu.vector_load %arg9[%get3A_677, %get3A_678] {strides = array<i32>} : memref<200x128xf32, #tpu.memory_space<vmem>>, vector<1x16xf32>,
          %get3A_680 = vector.shape_cast %get3A_679 : vector<1x16xf32> to vector<16xf32>
          %add3A_681 = arith.addf %add3A_625, %get3A_680 : vector<16xf32>
          %add3A_682 = arith.constant 4 : i32
          %add3A_683 = arith.addi %add3A_430, %add3A_682 : i32
          %get3A_684 = arith.index_cast %add3A_683 : i32 to index
          %get3A_685 = arith.constant 64 : index
          %get3A_686 = tpu.vector_load %arg9[%get3A_684, %get3A_685] {strides = array<i32>} : memref<200x128xf32, #tpu.memory_space<vmem>>, vector<1x16xf32>,
          %get3A_687 = vector.shape_cast %get3A_686 : vector<1x16xf32> to vector<16xf32>
          %add3A_688 = arith.addf %add3A_632, %get3A_687 : vector<16xf32>
          %add3A_689 = arith.constant 4 : i32
          %add3A_690 = arith.addi %add3A_430, %add3A_689 : i32
          %get3A_691 = arith.index_cast %add3A_690 : i32 to index
          %get3A_692 = arith.constant 80 : index
          %get3A_693 = tpu.vector_load %arg9[%get3A_691, %get3A_692] {strides = array<i32>} : memref<200x128xf32, #tpu.memory_space<vmem>>, vector<1x16xf32>,
          %get3A_694 = vector.shape_cast %get3A_693 : vector<1x16xf32> to vector<16xf32>
          %add3A_695 = arith.addf %add3A_639, %get3A_694 : vector<16xf32>
          %add3A_696 = arith.constant 4 : i32
          %add3A_697 = arith.addi %add3A_430, %add3A_696 : i32
          %get3A_698 = arith.index_cast %add3A_697 : i32 to index
          %get3A_699 = arith.constant 96 : index
          %get3A_700 = tpu.vector_load %arg9[%get3A_698, %get3A_699] {strides = array<i32>} : memref<200x128xf32, #tpu.memory_space<vmem>>, vector<1x16xf32>,
          %get3A_701 = vector.shape_cast %get3A_700 : vector<1x16xf32> to vector<16xf32>
          %add3A_702 = arith.addf %add3A_646, %get3A_701 : vector<16xf32>
          %add3A_703 = arith.constant 4 : i32
          %add3A_704 = arith.addi %add3A_430, %add3A_703 : i32
          %get3A_705 = arith.index_cast %add3A_704 : i32 to index
          %get3A_706 = arith.constant 112 : index
          %get3A_707 = tpu.vector_load %arg9[%get3A_705, %get3A_706] {strides = array<i32>} : memref<200x128xf32, #tpu.memory_space<vmem>>, vector<1x16xf32>,
          %get3A_708 = vector.shape_cast %get3A_707 : vector<1x16xf32> to vector<16xf32>
          %add3A_709 = arith.addf %add3A_653, %get3A_708 : vector<16xf32>
          scf.yield %add3A_660, %add3A_667, %add3A_674, %add3A_681, %add3A_688, %add3A_695, %add3A_702, %add3A_709 : vector<16xf32>, vector<16xf32>, vector<16xf32>, vector<16xf32>, vector<16xf32>, vector<16xf32>, vector<16xf32>, vector<16xf32>
        }
        %scan3A_378 = arith.constant 10 : i32
        %swap3A = arith.index_cast %scan3A_354 : i32 to index
        %swap3A_379 = arith.constant 0 : index
        %swap3A_380 = tpu.vector_load %arg13[%swap3A, %swap3A_379] {strides = array<i32>} : memref<4x128xf32, #tpu.memory_space<vmem>>, vector<1x16xf32>,
        %swap3A_381 = vector.shape_cast %swap3A_380 : vector<1x16xf32> to vector<16xf32>
        %swap3A_382 = vector.shape_cast %scan3A_377#0 : vector<16xf32> to vector<1x16xf32>
        tpu.vector_store %arg13[%swap3A, %swap3A_379], %swap3A_382 {strides = array<i32>} : memref<4x128xf32, #tpu.memory_space<vmem>>, vector<1x16xf32>,
        %swap3A_383 = arith.index_cast %scan3A_354 : i32 to index
        %swap3A_384 = arith.constant 16 : index
        %swap3A_385 = tpu.vector_load %arg13[%swap3A_383, %swap3A_384] {strides = array<i32>} : memref<4x128xf32, #tpu.memory_space<vmem>>, vector<1x16xf32>,
        %swap3A_386 = vector.shape_cast %swap3A_385 : vector<1x16xf32> to vector<16xf32>
        %swap3A_387 = vector.shape_cast %scan3A_377#1 : vector<16xf32> to vector<1x16xf32>
        tpu.vector_store %arg13[%swap3A_383, %swap3A_384], %swap3A_387 {strides = array<i32>} : memref<4x128xf32, #tpu.memory_space<vmem>>, vector<1x16xf32>,
        %swap3A_388 = arith.index_cast %scan3A_354 : i32 to index
        %swap3A_389 = arith.constant 32 : index
        %swap3A_390 = tpu.vector_load %arg13[%swap3A_388, %swap3A_389] {strides = array<i32>} : memref<4x128xf32, #tpu.memory_space<vmem>>, vector<1x16xf32>,
        %swap3A_391 = vector.shape_cast %swap3A_390 : vector<1x16xf32> to vector<16xf32>
        %swap3A_392 = vector.shape_cast %scan3A_377#2 : vector<16xf32> to vector<1x16xf32>
        tpu.vector_store %arg13[%swap3A_388, %swap3A_389], %swap3A_392 {strides = array<i32>} : memref<4x128xf32, #tpu.memory_space<vmem>>, vector<1x16xf32>,
        %swap3A_393 = arith.index_cast %scan3A_354 : i32 to index
        %swap3A_394 = arith.constant 48 : index
        %swap3A_395 = tpu.vector_load %arg13[%swap3A_393, %swap3A_394] {strides = array<i32>} : memref<4x128xf32, #tpu.memory_space<vmem>>, vector<1x16xf32>,
        %swap3A_396 = vector.shape_cast %swap3A_395 : vector<1x16xf32> to vector<16xf32>
        %swap3A_397 = vector.shape_cast %scan3A_377#3 : vector<16xf32> to vector<1x16xf32>
        tpu.vector_store %arg13[%swap3A_393, %swap3A_394], %swap3A_397 {strides = array<i32>} : memref<4x128xf32, #tpu.memory_space<vmem>>, vector<1x16xf32>,
        %swap3A_398 = arith.index_cast %scan3A_354 : i32 to index
        %swap3A_399 = arith.constant 64 : index
        %swap3A_400 = tpu.vector_load %arg13[%swap3A_398, %swap3A_399] {strides = array<i32>} : memref<4x128xf32, #tpu.memory_space<vmem>>, vector<1x16xf32>,
        %swap3A_401 = vector.shape_cast %swap3A_400 : vector<1x16xf32> to vector<16xf32>
        %swap3A_402 = vector.shape_cast %scan3A_377#4 : vector<16xf32> to vector<1x16xf32>
        tpu.vector_store %arg13[%swap3A_398, %swap3A_399], %swap3A_402 {strides = array<i32>} : memref<4x128xf32, #tpu.memory_space<vmem>>, vector<1x16xf32>,
        %swap3A_403 = arith.index_cast %scan3A_354 : i32 to index
        %swap3A_404 = arith.constant 80 : index
        %swap3A_405 = tpu.vector_load %arg13[%swap3A_403, %swap3A_404] {strides = array<i32>} : memref<4x128xf32, #tpu.memory_space<vmem>>, vector<1x16xf32>,
        %swap3A_406 = vector.shape_cast %swap3A_405 : vector<1x16xf32> to vector<16xf32>
        %swap3A_407 = vector.shape_cast %scan3A_377#5 : vector<16xf32> to vector<1x16xf32>
        tpu.vector_store %arg13[%swap3A_403, %swap3A_404], %swap3A_407 {strides = array<i32>} : memref<4x128xf32, #tpu.memory_space<vmem>>, vector<1x16xf32>,
        %swap3A_408 = arith.index_cast %scan3A_354 : i32 to index
        %swap3A_409 = arith.constant 96 : index
        %swap3A_410 = tpu.vector_load %arg13[%swap3A_408, %swap3A_409] {strides = array<i32>} : memref<4x128xf32, #tpu.memory_space<vmem>>, vector<1x16xf32>,
        %swap3A_411 = vector.shape_cast %swap3A_410 : vector<1x16xf32> to vector<16xf32>
        %swap3A_412 = vector.shape_cast %scan3A_377#6 : vector<16xf32> to vector<1x16xf32>
        tpu.vector_store %arg13[%swap3A_408, %swap3A_409], %swap3A_412 {strides = array<i32>} : memref<4x128xf32, #tpu.memory_space<vmem>>, vector<1x16xf32>,
        %swap3A_413 = arith.index_cast %scan3A_354 : i32 to index
        %swap3A_414 = arith.constant 112 : index
        %swap3A_415 = tpu.vector_load %arg13[%swap3A_413, %swap3A_414] {strides = array<i32>} : memref<4x128xf32, #tpu.memory_space<vmem>>, vector<1x16xf32>,
        %swap3A_416 = vector.shape_cast %swap3A_415 : vector<1x16xf32> to vector<16xf32>
        %swap3A_417 = vector.shape_cast %scan3A_377#7 : vector<16xf32> to vector<1x16xf32>
        tpu.vector_store %arg13[%swap3A_413, %swap3A_414], %swap3A_417 {strides = array<i32>} : memref<4x128xf32, #tpu.memory_space<vmem>>, vector<1x16xf32>,
        %scan3A_418 = arith.constant 0 : i32
        scf.yield %scan3A_418 : i32
      }
      %scan3A_179 = arith.constant 4 : i32
      %add3A_180 = arith.constant 4 : i32
      %add3A_181 = arith.addi %add3A_148, %add3A_180 : i32
      %lt3A_182 = arith.constant 128 : i32
      %lt3A_183 = arith.cmpi slt, %add3A_181, %lt3A_182 : i32
      %convert_element_type3A_184 = arith.extui %lt3A_183 : i1 to i32
      %cond3A_185 = arith.constant 0 : i32
      %cond3A_186 = arith.cmpi ne, %convert_element_type3A_184, %cond3A_185 : i32
      scf.if %cond3A_186 {
        %add3A_354 = arith.constant 4 : i32
        %add3A_355 = arith.addi %add3A_148, %add3A_354 : i32
        %mul3A_356 = arith.constant 4 : i32
        %mul3A_357 = arith.muli %add3A_355, %mul3A_356 : i32
        %add3A_358 = arith.addi %mul3A_2, %mul3A_357 : i32
        %mul3A_359 = arith.constant 50 : i32
        %mul3A_360 = arith.muli %add3A_358, %mul3A_359 : i32
        %dma_wait3A_361 = tpu.memref_slice %arg2[%mul3A_360] : memref<819200xi32, #tpu.memory_space<hbm>> -> memref<200xi32, #tpu.memory_space<hbm>>
        %dma_wait3A_362 = tpu.memref_slice %arg2[%mul3A_360] : memref<819200xi32, #tpu.memory_space<hbm>> -> memref<200xi32, #tpu.memory_space<hbm>>
        tpu.wait_dma2 semaphore(%arg25 : memref<!tpu.dma_semaphore, #tpu.memory_space<semaphore_mem>>) src(%dma_wait3A_362 : memref<200xi32, #tpu.memory_space<hbm>>) dst(%arg5 : memref<200xi32, #tpu.memory_space<vmem>>)
        %dma_start3A_363 = arith.constant 0 : i32
        %dma_start3A_364 = arith.constant 0 : i32
        %dma_start3A_365 = tpu.memref_slice %arg9[%dma_start3A_363, %dma_start3A_364] : memref<200x128xf32, #tpu.memory_space<vmem>> -> memref<104x128xf32, #tpu.memory_space<vmem>>
        %dma_start3A_366 = arith.constant 0 : i32
        %dma_start3A_367 = tpu.memref_slice %arg5[%dma_start3A_366] : memref<200xi32, #tpu.memory_space<vmem>> -> memref<104xi32, #tpu.memory_space<vmem>>
        %dma_start3A_368 = arith.constant 0 : i32
        %dma_start3A_369 = arith.constant 0 : i32
        %dma_start3A_370 = tpu.memref_slice %arg3[%dma_start3A_368, %dma_start3A_369] : memref<100000x128xf32, #tpu.memory_space<hbm>> -> memref<100000x128xf32, #tpu.memory_space<hbm>>
        tpu.enqueue_indirect_dma source(%dma_start3A_370 : memref<100000x128xf32, #tpu.memory_space<hbm>>) target(%dma_start3A_365 : memref<104x128xf32, #tpu.memory_space<vmem>>) offsets(%dma_start3A_367 : memref<104xi32, #tpu.memory_space<vmem>>) semaphore(%arg17 : memref<!tpu.dma_semaphore, #tpu.memory_space<semaphore_mem>>)
        %dma_start3A_371 = arith.constant 104 : i32
        %dma_start3A_372 = arith.constant 0 : i32
        %dma_start3A_373 = tpu.memref_slice %arg9[%dma_start3A_371, %dma_start3A_372] : memref<200x128xf32, #tpu.memory_space<vmem>> -> memref<96x128xf32, #tpu.memory_space<vmem>>
        %dma_start3A_374 = arith.constant 104 : i32
        %dma_start3A_375 = tpu.memref_slice %arg5[%dma_start3A_374] : memref<200xi32, #tpu.memory_space<vmem>> -> memref<96xi32, #tpu.memory_space<vmem>>
        %dma_start3A_376 = arith.constant 0 : i32
        %dma_start3A_377 = arith.constant 0 : i32
        %dma_start3A_378 = tpu.memref_slice %arg3[%dma_start3A_376, %dma_start3A_377] : memref<100000x128xf32, #tpu.memory_space<hbm>> -> memref<100000x128xf32, #tpu.memory_space<hbm>>
        tpu.enqueue_indirect_dma source(%dma_start3A_378 : memref<100000x128xf32, #tpu.memory_space<hbm>>) target(%dma_start3A_373 : memref<96x128xf32, #tpu.memory_space<vmem>>) offsets(%dma_start3A_375 : memref<96xi32, #tpu.memory_space<vmem>>) semaphore(%arg17 : memref<!tpu.dma_semaphore, #tpu.memory_space<semaphore_mem>>)
      } else {
      }
      %mul3A_187 = arith.constant 4 : i32
      %mul3A_188 = arith.muli %add3A_148, %mul3A_187 : i32
      %add3A_189 = arith.addi %mul3A_2, %mul3A_188 : i32
      %dma_start3A_190 = arith.constant 0 : i32
      %dma_start3A_191 = tpu.memref_slice %arg4[%add3A_189, %dma_start3A_190] : memref<16384x128xf32, #tpu.memory_space<hbm>> -> memref<4x128xf32, #tpu.memory_space<hbm>>
      %dma_start3A_192 = arith.constant 0 : i32
      %dma_start3A_193 = tpu.memref_slice %arg4[%add3A_189, %dma_start3A_192] : memref<16384x128xf32, #tpu.memory_space<hbm>> -> memref<4x128xf32, #tpu.memory_space<hbm>>
      tpu.enqueue_dma source(%arg13 : memref<4x128xf32, #tpu.memory_space<vmem>>) target(%dma_start3A_193 : memref<4x128xf32, #tpu.memory_space<hbm>>) target_semaphore(%arg21 : memref<!tpu.dma_semaphore, #tpu.memory_space<semaphore_mem>>)
      %mul3A_194 = arith.constant 4 : i32
      %mul3A_195 = arith.muli %scan3A_143, %mul3A_194 : i32
      %add3A_196 = arith.constant 1 : i32
      %add3A_197 = arith.addi %mul3A_195, %add3A_196 : i32
      %dma_wait3A_198 = arith.constant 0 : i32
      %dma_wait3A_199 = arith.constant 0 : i32
      %dma_wait3A_200 = tpu.memref_slice %arg10[%dma_wait3A_198, %dma_wait3A_199] : memref<200x128xf32, #tpu.memory_space<vmem>> -> memref<104x128xf32, #tpu.memory_space<vmem>>
      %dma_wait3A_201 = arith.constant 0 : i32
      %dma_wait3A_202 = tpu.memref_slice %arg6[%dma_wait3A_201] : memref<200xi32, #tpu.memory_space<vmem>> -> memref<104xi32, #tpu.memory_space<vmem>>
      %dma_wait3A_203 = arith.constant 0 : i32
      %dma_wait3A_204 = arith.constant 0 : i32
      %dma_wait3A_205 = tpu.memref_slice %arg3[%dma_wait3A_203, %dma_wait3A_204] : memref<100000x128xf32, #tpu.memory_space<hbm>> -> memref<100000x128xf32, #tpu.memory_space<hbm>>
      tpu.wait_indirect_dma semaphore(%arg18 : memref<!tpu.dma_semaphore, #tpu.memory_space<semaphore_mem>>) src(%dma_wait3A_205 : memref<100000x128xf32, #tpu.memory_space<hbm>>) dst(%dma_wait3A_200 : memref<104x128xf32, #tpu.memory_space<vmem>>)
      %dma_wait3A_206 = arith.constant 104 : i32
      %dma_wait3A_207 = arith.constant 0 : i32
      %dma_wait3A_208 = tpu.memref_slice %arg10[%dma_wait3A_206, %dma_wait3A_207] : memref<200x128xf32, #tpu.memory_space<vmem>> -> memref<96x128xf32, #tpu.memory_space<vmem>>
      %dma_wait3A_209 = arith.constant 104 : i32
      %dma_wait3A_210 = tpu.memref_slice %arg6[%dma_wait3A_209] : memref<200xi32, #tpu.memory_space<vmem>> -> memref<96xi32, #tpu.memory_space<vmem>>
      %dma_wait3A_211 = arith.constant 0 : i32
      %dma_wait3A_212 = arith.constant 0 : i32
      %dma_wait3A_213 = tpu.memref_slice %arg3[%dma_wait3A_211, %dma_wait3A_212] : memref<100000x128xf32, #tpu.memory_space<hbm>> -> memref<100000x128xf32, #tpu.memory_space<hbm>>
      tpu.wait_indirect_dma semaphore(%arg18 : memref<!tpu.dma_semaphore, #tpu.memory_space<semaphore_mem>>) src(%dma_wait3A_213 : memref<100000x128xf32, #tpu.memory_space<hbm>>) dst(%dma_wait3A_208 : memref<96x128xf32, #tpu.memory_space<vmem>>)
      %add3A_214 = arith.constant 4 : i32
      %add3A_215 = arith.addi %add3A_197, %add3A_214 : i32
      %lt3A_216 = arith.constant 128 : i32
      %lt3A_217 = arith.cmpi slt, %add3A_215, %lt3A_216 : i32
      %convert_element_type3A_218 = arith.extui %lt3A_217 : i1 to i32
      %cond3A_219 = arith.constant 0 : i32
      %cond3A_220 = arith.cmpi ne, %convert_element_type3A_218, %cond3A_219 : i32
      scf.if %cond3A_220 {
        %add3A_354 = arith.constant 4 : i32
        %add3A_355 = arith.addi %add3A_197, %add3A_354 : i32
        %mul3A_356 = arith.constant 4 : i32
        %mul3A_357 = arith.muli %add3A_355, %mul3A_356 : i32
        %add3A_358 = arith.addi %mul3A_2, %mul3A_357 : i32
        %mul3A_359 = arith.constant 50 : i32
        %mul3A_360 = arith.muli %add3A_358, %mul3A_359 : i32
        %dma_start3A_361 = tpu.memref_slice %arg2[%mul3A_360] : memref<819200xi32, #tpu.memory_space<hbm>> -> memref<200xi32, #tpu.memory_space<hbm>>
        %dma_start3A_362 = tpu.memref_slice %arg2[%mul3A_360] : memref<819200xi32, #tpu.memory_space<hbm>> -> memref<200xi32, #tpu.memory_space<hbm>>
        tpu.enqueue_dma source(%dma_start3A_362 : memref<200xi32, #tpu.memory_space<hbm>>) target(%arg6 : memref<200xi32, #tpu.memory_space<vmem>>) target_semaphore(%arg26 : memref<!tpu.dma_semaphore, #tpu.memory_space<semaphore_mem>>)
      } else {
      }
      %ge3A_221 = arith.constant 4 : i32
      %ge3A_222 = arith.cmpi sge, %add3A_197, %ge3A_221 : i32
      %convert_element_type3A_223 = arith.extui %ge3A_222 : i1 to i32
      %cond3A_224 = arith.constant 0 : i32
      %cond3A_225 = arith.cmpi ne, %convert_element_type3A_223, %cond3A_224 : i32
      scf.if %cond3A_225 {
        %sub3A = arith.constant 4 : i32
        %sub3A_354 = arith.subi %add3A_197, %sub3A : i32
        %mul3A_355 = arith.constant 4 : i32
        %mul3A_356 = arith.muli %sub3A_354, %mul3A_355 : i32
        %add3A_357 = arith.addi %mul3A_2, %mul3A_356 : i32
        %dma_wait3A_358 = arith.constant 0 : i32
        %dma_wait3A_359 = tpu.memref_slice %arg4[%add3A_357, %dma_wait3A_358] : memref<16384x128xf32, #tpu.memory_space<hbm>> -> memref<4x128xf32, #tpu.memory_space<hbm>>
        %dma_wait3A_360 = arith.constant 0 : i32
        %dma_wait3A_361 = tpu.memref_slice %arg4[%add3A_357, %dma_wait3A_360] : memref<16384x128xf32, #tpu.memory_space<hbm>> -> memref<4x128xf32, #tpu.memory_space<hbm>>
        tpu.wait_dma2 semaphore(%arg22 : memref<!tpu.dma_semaphore, #tpu.memory_space<semaphore_mem>>) src(%arg14 : memref<4x128xf32, #tpu.memory_space<vmem>>) dst(%dma_wait3A_361 : memref<4x128xf32, #tpu.memory_space<hbm>>)
      } else {
      }
      %scan3A_226 = arith.constant 0 : i32
      %scan3A_227 = arith.constant 0 : i32
      %scan3A_228 = arith.constant 4 : i32
      %scan3A_229 = arith.addi %scan3A_227, %scan3A_228 : i32
      %scan3A_230 = arith.constant 1 : i32
      %scan3A_231 = scf.for %scan3A_354 = %scan3A_227 to %scan3A_229 step %scan3A_230 iter_args(%scan3A_355 = %scan3A_226) -> (i32)  : i32 {
        %mul3A_356 = arith.constant 50 : i32
        %mul3A_357 = arith.muli %scan3A_354, %mul3A_356 : i32
        %broadcast_in_dim3A = arith.constant 0.000000e+00 : f32
        %broadcast_in_dim3A_358 = vector.broadcast %broadcast_in_dim3A : f32 to vector<16xf32>
        %broadcast_in_dim3A_359 = arith.constant 0.000000e+00 : f32
        %broadcast_in_dim3A_360 = vector.broadcast %broadcast_in_dim3A_359 : f32 to vector<16xf32>
        %broadcast_in_dim3A_361 = arith.constant 0.000000e+00 : f32
        %broadcast_in_dim3A_362 = vector.broadcast %broadcast_in_dim3A_361 : f32 to vector<16xf32>
        %broadcast_in_dim3A_363 = arith.constant 0.000000e+00 : f32
        %broadcast_in_dim3A_364 = vector.broadcast %broadcast_in_dim3A_363 : f32 to vector<16xf32>
        %broadcast_in_dim3A_365 = arith.constant 0.000000e+00 : f32
        %broadcast_in_dim3A_366 = vector.broadcast %broadcast_in_dim3A_365 : f32 to vector<16xf32>
        %broadcast_in_dim3A_367 = arith.constant 0.000000e+00 : f32
        %broadcast_in_dim3A_368 = vector.broadcast %broadcast_in_dim3A_367 : f32 to vector<16xf32>
        %broadcast_in_dim3A_369 = arith.constant 0.000000e+00 : f32
        %broadcast_in_dim3A_370 = vector.broadcast %broadcast_in_dim3A_369 : f32 to vector<16xf32>
        %broadcast_in_dim3A_371 = arith.constant 0.000000e+00 : f32
        %broadcast_in_dim3A_372 = vector.broadcast %broadcast_in_dim3A_371 : f32 to vector<16xf32>
        %scan3A_373 = arith.constant 0 : i32
        %scan3A_374 = arith.constant 10 : i32
        %scan3A_375 = arith.addi %scan3A_373, %scan3A_374 : i32
        %scan3A_376 = arith.constant 1 : i32
        %scan3A_377:8 = scf.for %scan3A_419 = %scan3A_373 to %scan3A_375 step %scan3A_376 iter_args(%scan3A_420 = %broadcast_in_dim3A_358, %scan3A_421 = %broadcast_in_dim3A_360, %scan3A_422 = %broadcast_in_dim3A_362, %scan3A_423 = %broadcast_in_dim3A_364, %scan3A_424 = %broadcast_in_dim3A_366, %scan3A_425 = %broadcast_in_dim3A_368, %scan3A_426 = %broadcast_in_dim3A_370, %scan3A_427 = %broadcast_in_dim3A_372) -> (vector<16xf32>, vector<16xf32>, vector<16xf32>, vector<16xf32>, vector<16xf32>, vector<16xf32>, vector<16xf32>, vector<16xf32>)  : i32 {
          %mul3A_428 = arith.constant 5 : i32
          %mul3A_429 = arith.muli %mul3A_428, %scan3A_419 : i32
          %add3A_430 = arith.addi %mul3A_357, %mul3A_429 : i32
          %add3A_431 = arith.constant 0 : i32
          %add3A_432 = arith.addi %add3A_430, %add3A_431 : i32
          %get3A = arith.index_cast %add3A_432 : i32 to index
          %get3A_433 = arith.constant 0 : index
          %get3A_434 = tpu.vector_load %arg10[%get3A, %get3A_433] {strides = array<i32>} : memref<200x128xf32, #tpu.memory_space<vmem>>, vector<1x16xf32>,
          %get3A_435 = vector.shape_cast %get3A_434 : vector<1x16xf32> to vector<16xf32>
          %add3A_436 = arith.addf %scan3A_420, %get3A_435 : vector<16xf32>
          %add3A_437 = arith.constant 0 : i32
          %add3A_438 = arith.addi %add3A_430, %add3A_437 : i32
          %get3A_439 = arith.index_cast %add3A_438 : i32 to index
          %get3A_440 = arith.constant 16 : index
          %get3A_441 = tpu.vector_load %arg10[%get3A_439, %get3A_440] {strides = array<i32>} : memref<200x128xf32, #tpu.memory_space<vmem>>, vector<1x16xf32>,
          %get3A_442 = vector.shape_cast %get3A_441 : vector<1x16xf32> to vector<16xf32>
          %add3A_443 = arith.addf %scan3A_421, %get3A_442 : vector<16xf32>
          %add3A_444 = arith.constant 0 : i32
          %add3A_445 = arith.addi %add3A_430, %add3A_444 : i32
          %get3A_446 = arith.index_cast %add3A_445 : i32 to index
          %get3A_447 = arith.constant 32 : index
          %get3A_448 = tpu.vector_load %arg10[%get3A_446, %get3A_447] {strides = array<i32>} : memref<200x128xf32, #tpu.memory_space<vmem>>, vector<1x16xf32>,
          %get3A_449 = vector.shape_cast %get3A_448 : vector<1x16xf32> to vector<16xf32>
          %add3A_450 = arith.addf %scan3A_422, %get3A_449 : vector<16xf32>
          %add3A_451 = arith.constant 0 : i32
          %add3A_452 = arith.addi %add3A_430, %add3A_451 : i32
          %get3A_453 = arith.index_cast %add3A_452 : i32 to index
          %get3A_454 = arith.constant 48 : index
          %get3A_455 = tpu.vector_load %arg10[%get3A_453, %get3A_454] {strides = array<i32>} : memref<200x128xf32, #tpu.memory_space<vmem>>, vector<1x16xf32>,
          %get3A_456 = vector.shape_cast %get3A_455 : vector<1x16xf32> to vector<16xf32>
          %add3A_457 = arith.addf %scan3A_423, %get3A_456 : vector<16xf32>
          %add3A_458 = arith.constant 0 : i32
          %add3A_459 = arith.addi %add3A_430, %add3A_458 : i32
          %get3A_460 = arith.index_cast %add3A_459 : i32 to index
          %get3A_461 = arith.constant 64 : index
          %get3A_462 = tpu.vector_load %arg10[%get3A_460, %get3A_461] {strides = array<i32>} : memref<200x128xf32, #tpu.memory_space<vmem>>, vector<1x16xf32>,
          %get3A_463 = vector.shape_cast %get3A_462 : vector<1x16xf32> to vector<16xf32>
          %add3A_464 = arith.addf %scan3A_424, %get3A_463 : vector<16xf32>
          %add3A_465 = arith.constant 0 : i32
          %add3A_466 = arith.addi %add3A_430, %add3A_465 : i32
          %get3A_467 = arith.index_cast %add3A_466 : i32 to index
          %get3A_468 = arith.constant 80 : index
          %get3A_469 = tpu.vector_load %arg10[%get3A_467, %get3A_468] {strides = array<i32>} : memref<200x128xf32, #tpu.memory_space<vmem>>, vector<1x16xf32>,
          %get3A_470 = vector.shape_cast %get3A_469 : vector<1x16xf32> to vector<16xf32>
          %add3A_471 = arith.addf %scan3A_425, %get3A_470 : vector<16xf32>
          %add3A_472 = arith.constant 0 : i32
          %add3A_473 = arith.addi %add3A_430, %add3A_472 : i32
          %get3A_474 = arith.index_cast %add3A_473 : i32 to index
          %get3A_475 = arith.constant 96 : index
          %get3A_476 = tpu.vector_load %arg10[%get3A_474, %get3A_475] {strides = array<i32>} : memref<200x128xf32, #tpu.memory_space<vmem>>, vector<1x16xf32>,
          %get3A_477 = vector.shape_cast %get3A_476 : vector<1x16xf32> to vector<16xf32>
          %add3A_478 = arith.addf %scan3A_426, %get3A_477 : vector<16xf32>
          %add3A_479 = arith.constant 0 : i32
          %add3A_480 = arith.addi %add3A_430, %add3A_479 : i32
          %get3A_481 = arith.index_cast %add3A_480 : i32 to index
          %get3A_482 = arith.constant 112 : index
          %get3A_483 = tpu.vector_load %arg10[%get3A_481, %get3A_482] {strides = array<i32>} : memref<200x128xf32, #tpu.memory_space<vmem>>, vector<1x16xf32>,
          %get3A_484 = vector.shape_cast %get3A_483 : vector<1x16xf32> to vector<16xf32>
          %add3A_485 = arith.addf %scan3A_427, %get3A_484 : vector<16xf32>
          %add3A_486 = arith.constant 1 : i32
          %add3A_487 = arith.addi %add3A_430, %add3A_486 : i32
          %get3A_488 = arith.index_cast %add3A_487 : i32 to index
          %get3A_489 = arith.constant 0 : index
          %get3A_490 = tpu.vector_load %arg10[%get3A_488, %get3A_489] {strides = array<i32>} : memref<200x128xf32, #tpu.memory_space<vmem>>, vector<1x16xf32>,
          %get3A_491 = vector.shape_cast %get3A_490 : vector<1x16xf32> to vector<16xf32>
          %add3A_492 = arith.addf %add3A_436, %get3A_491 : vector<16xf32>
          %add3A_493 = arith.constant 1 : i32
          %add3A_494 = arith.addi %add3A_430, %add3A_493 : i32
          %get3A_495 = arith.index_cast %add3A_494 : i32 to index
          %get3A_496 = arith.constant 16 : index
          %get3A_497 = tpu.vector_load %arg10[%get3A_495, %get3A_496] {strides = array<i32>} : memref<200x128xf32, #tpu.memory_space<vmem>>, vector<1x16xf32>,
          %get3A_498 = vector.shape_cast %get3A_497 : vector<1x16xf32> to vector<16xf32>
          %add3A_499 = arith.addf %add3A_443, %get3A_498 : vector<16xf32>
          %add3A_500 = arith.constant 1 : i32
          %add3A_501 = arith.addi %add3A_430, %add3A_500 : i32
          %get3A_502 = arith.index_cast %add3A_501 : i32 to index
          %get3A_503 = arith.constant 32 : index
          %get3A_504 = tpu.vector_load %arg10[%get3A_502, %get3A_503] {strides = array<i32>} : memref<200x128xf32, #tpu.memory_space<vmem>>, vector<1x16xf32>,
          %get3A_505 = vector.shape_cast %get3A_504 : vector<1x16xf32> to vector<16xf32>
          %add3A_506 = arith.addf %add3A_450, %get3A_505 : vector<16xf32>
          %add3A_507 = arith.constant 1 : i32
          %add3A_508 = arith.addi %add3A_430, %add3A_507 : i32
          %get3A_509 = arith.index_cast %add3A_508 : i32 to index
          %get3A_510 = arith.constant 48 : index
          %get3A_511 = tpu.vector_load %arg10[%get3A_509, %get3A_510] {strides = array<i32>} : memref<200x128xf32, #tpu.memory_space<vmem>>, vector<1x16xf32>,
          %get3A_512 = vector.shape_cast %get3A_511 : vector<1x16xf32> to vector<16xf32>
          %add3A_513 = arith.addf %add3A_457, %get3A_512 : vector<16xf32>
          %add3A_514 = arith.constant 1 : i32
          %add3A_515 = arith.addi %add3A_430, %add3A_514 : i32
          %get3A_516 = arith.index_cast %add3A_515 : i32 to index
          %get3A_517 = arith.constant 64 : index
          %get3A_518 = tpu.vector_load %arg10[%get3A_516, %get3A_517] {strides = array<i32>} : memref<200x128xf32, #tpu.memory_space<vmem>>, vector<1x16xf32>,
          %get3A_519 = vector.shape_cast %get3A_518 : vector<1x16xf32> to vector<16xf32>
          %add3A_520 = arith.addf %add3A_464, %get3A_519 : vector<16xf32>
          %add3A_521 = arith.constant 1 : i32
          %add3A_522 = arith.addi %add3A_430, %add3A_521 : i32
          %get3A_523 = arith.index_cast %add3A_522 : i32 to index
          %get3A_524 = arith.constant 80 : index
          %get3A_525 = tpu.vector_load %arg10[%get3A_523, %get3A_524] {strides = array<i32>} : memref<200x128xf32, #tpu.memory_space<vmem>>, vector<1x16xf32>,
          %get3A_526 = vector.shape_cast %get3A_525 : vector<1x16xf32> to vector<16xf32>
          %add3A_527 = arith.addf %add3A_471, %get3A_526 : vector<16xf32>
          %add3A_528 = arith.constant 1 : i32
          %add3A_529 = arith.addi %add3A_430, %add3A_528 : i32
          %get3A_530 = arith.index_cast %add3A_529 : i32 to index
          %get3A_531 = arith.constant 96 : index
          %get3A_532 = tpu.vector_load %arg10[%get3A_530, %get3A_531] {strides = array<i32>} : memref<200x128xf32, #tpu.memory_space<vmem>>, vector<1x16xf32>,
          %get3A_533 = vector.shape_cast %get3A_532 : vector<1x16xf32> to vector<16xf32>
          %add3A_534 = arith.addf %add3A_478, %get3A_533 : vector<16xf32>
          %add3A_535 = arith.constant 1 : i32
          %add3A_536 = arith.addi %add3A_430, %add3A_535 : i32
          %get3A_537 = arith.index_cast %add3A_536 : i32 to index
          %get3A_538 = arith.constant 112 : index
          %get3A_539 = tpu.vector_load %arg10[%get3A_537, %get3A_538] {strides = array<i32>} : memref<200x128xf32, #tpu.memory_space<vmem>>, vector<1x16xf32>,
          %get3A_540 = vector.shape_cast %get3A_539 : vector<1x16xf32> to vector<16xf32>
          %add3A_541 = arith.addf %add3A_485, %get3A_540 : vector<16xf32>
          %add3A_542 = arith.constant 2 : i32
          %add3A_543 = arith.addi %add3A_430, %add3A_542 : i32
          %get3A_544 = arith.index_cast %add3A_543 : i32 to index
          %get3A_545 = arith.constant 0 : index
          %get3A_546 = tpu.vector_load %arg10[%get3A_544, %get3A_545] {strides = array<i32>} : memref<200x128xf32, #tpu.memory_space<vmem>>, vector<1x16xf32>,
          %get3A_547 = vector.shape_cast %get3A_546 : vector<1x16xf32> to vector<16xf32>
          %add3A_548 = arith.addf %add3A_492, %get3A_547 : vector<16xf32>
          %add3A_549 = arith.constant 2 : i32
          %add3A_550 = arith.addi %add3A_430, %add3A_549 : i32
          %get3A_551 = arith.index_cast %add3A_550 : i32 to index
          %get3A_552 = arith.constant 16 : index
          %get3A_553 = tpu.vector_load %arg10[%get3A_551, %get3A_552] {strides = array<i32>} : memref<200x128xf32, #tpu.memory_space<vmem>>, vector<1x16xf32>,
          %get3A_554 = vector.shape_cast %get3A_553 : vector<1x16xf32> to vector<16xf32>
          %add3A_555 = arith.addf %add3A_499, %get3A_554 : vector<16xf32>
          %add3A_556 = arith.constant 2 : i32
          %add3A_557 = arith.addi %add3A_430, %add3A_556 : i32
          %get3A_558 = arith.index_cast %add3A_557 : i32 to index
          %get3A_559 = arith.constant 32 : index
          %get3A_560 = tpu.vector_load %arg10[%get3A_558, %get3A_559] {strides = array<i32>} : memref<200x128xf32, #tpu.memory_space<vmem>>, vector<1x16xf32>,
          %get3A_561 = vector.shape_cast %get3A_560 : vector<1x16xf32> to vector<16xf32>
          %add3A_562 = arith.addf %add3A_506, %get3A_561 : vector<16xf32>
          %add3A_563 = arith.constant 2 : i32
          %add3A_564 = arith.addi %add3A_430, %add3A_563 : i32
          %get3A_565 = arith.index_cast %add3A_564 : i32 to index
          %get3A_566 = arith.constant 48 : index
          %get3A_567 = tpu.vector_load %arg10[%get3A_565, %get3A_566] {strides = array<i32>} : memref<200x128xf32, #tpu.memory_space<vmem>>, vector<1x16xf32>,
          %get3A_568 = vector.shape_cast %get3A_567 : vector<1x16xf32> to vector<16xf32>
          %add3A_569 = arith.addf %add3A_513, %get3A_568 : vector<16xf32>
          %add3A_570 = arith.constant 2 : i32
          %add3A_571 = arith.addi %add3A_430, %add3A_570 : i32
          %get3A_572 = arith.index_cast %add3A_571 : i32 to index
          %get3A_573 = arith.constant 64 : index
          %get3A_574 = tpu.vector_load %arg10[%get3A_572, %get3A_573] {strides = array<i32>} : memref<200x128xf32, #tpu.memory_space<vmem>>, vector<1x16xf32>,
          %get3A_575 = vector.shape_cast %get3A_574 : vector<1x16xf32> to vector<16xf32>
          %add3A_576 = arith.addf %add3A_520, %get3A_575 : vector<16xf32>
          %add3A_577 = arith.constant 2 : i32
          %add3A_578 = arith.addi %add3A_430, %add3A_577 : i32
          %get3A_579 = arith.index_cast %add3A_578 : i32 to index
          %get3A_580 = arith.constant 80 : index
          %get3A_581 = tpu.vector_load %arg10[%get3A_579, %get3A_580] {strides = array<i32>} : memref<200x128xf32, #tpu.memory_space<vmem>>, vector<1x16xf32>,
          %get3A_582 = vector.shape_cast %get3A_581 : vector<1x16xf32> to vector<16xf32>
          %add3A_583 = arith.addf %add3A_527, %get3A_582 : vector<16xf32>
          %add3A_584 = arith.constant 2 : i32
          %add3A_585 = arith.addi %add3A_430, %add3A_584 : i32
          %get3A_586 = arith.index_cast %add3A_585 : i32 to index
          %get3A_587 = arith.constant 96 : index
          %get3A_588 = tpu.vector_load %arg10[%get3A_586, %get3A_587] {strides = array<i32>} : memref<200x128xf32, #tpu.memory_space<vmem>>, vector<1x16xf32>,
          %get3A_589 = vector.shape_cast %get3A_588 : vector<1x16xf32> to vector<16xf32>
          %add3A_590 = arith.addf %add3A_534, %get3A_589 : vector<16xf32>
          %add3A_591 = arith.constant 2 : i32
          %add3A_592 = arith.addi %add3A_430, %add3A_591 : i32
          %get3A_593 = arith.index_cast %add3A_592 : i32 to index
          %get3A_594 = arith.constant 112 : index
          %get3A_595 = tpu.vector_load %arg10[%get3A_593, %get3A_594] {strides = array<i32>} : memref<200x128xf32, #tpu.memory_space<vmem>>, vector<1x16xf32>,
          %get3A_596 = vector.shape_cast %get3A_595 : vector<1x16xf32> to vector<16xf32>
          %add3A_597 = arith.addf %add3A_541, %get3A_596 : vector<16xf32>
          %add3A_598 = arith.constant 3 : i32
          %add3A_599 = arith.addi %add3A_430, %add3A_598 : i32
          %get3A_600 = arith.index_cast %add3A_599 : i32 to index
          %get3A_601 = arith.constant 0 : index
          %get3A_602 = tpu.vector_load %arg10[%get3A_600, %get3A_601] {strides = array<i32>} : memref<200x128xf32, #tpu.memory_space<vmem>>, vector<1x16xf32>,
          %get3A_603 = vector.shape_cast %get3A_602 : vector<1x16xf32> to vector<16xf32>
          %add3A_604 = arith.addf %add3A_548, %get3A_603 : vector<16xf32>
          %add3A_605 = arith.constant 3 : i32
          %add3A_606 = arith.addi %add3A_430, %add3A_605 : i32
          %get3A_607 = arith.index_cast %add3A_606 : i32 to index
          %get3A_608 = arith.constant 16 : index
          %get3A_609 = tpu.vector_load %arg10[%get3A_607, %get3A_608] {strides = array<i32>} : memref<200x128xf32, #tpu.memory_space<vmem>>, vector<1x16xf32>,
          %get3A_610 = vector.shape_cast %get3A_609 : vector<1x16xf32> to vector<16xf32>
          %add3A_611 = arith.addf %add3A_555, %get3A_610 : vector<16xf32>
          %add3A_612 = arith.constant 3 : i32
          %add3A_613 = arith.addi %add3A_430, %add3A_612 : i32
          %get3A_614 = arith.index_cast %add3A_613 : i32 to index
          %get3A_615 = arith.constant 32 : index
          %get3A_616 = tpu.vector_load %arg10[%get3A_614, %get3A_615] {strides = array<i32>} : memref<200x128xf32, #tpu.memory_space<vmem>>, vector<1x16xf32>,
          %get3A_617 = vector.shape_cast %get3A_616 : vector<1x16xf32> to vector<16xf32>
          %add3A_618 = arith.addf %add3A_562, %get3A_617 : vector<16xf32>
          %add3A_619 = arith.constant 3 : i32
          %add3A_620 = arith.addi %add3A_430, %add3A_619 : i32
          %get3A_621 = arith.index_cast %add3A_620 : i32 to index
          %get3A_622 = arith.constant 48 : index
          %get3A_623 = tpu.vector_load %arg10[%get3A_621, %get3A_622] {strides = array<i32>} : memref<200x128xf32, #tpu.memory_space<vmem>>, vector<1x16xf32>,
          %get3A_624 = vector.shape_cast %get3A_623 : vector<1x16xf32> to vector<16xf32>
          %add3A_625 = arith.addf %add3A_569, %get3A_624 : vector<16xf32>
          %add3A_626 = arith.constant 3 : i32
          %add3A_627 = arith.addi %add3A_430, %add3A_626 : i32
          %get3A_628 = arith.index_cast %add3A_627 : i32 to index
          %get3A_629 = arith.constant 64 : index
          %get3A_630 = tpu.vector_load %arg10[%get3A_628, %get3A_629] {strides = array<i32>} : memref<200x128xf32, #tpu.memory_space<vmem>>, vector<1x16xf32>,
          %get3A_631 = vector.shape_cast %get3A_630 : vector<1x16xf32> to vector<16xf32>
          %add3A_632 = arith.addf %add3A_576, %get3A_631 : vector<16xf32>
          %add3A_633 = arith.constant 3 : i32
          %add3A_634 = arith.addi %add3A_430, %add3A_633 : i32
          %get3A_635 = arith.index_cast %add3A_634 : i32 to index
          %get3A_636 = arith.constant 80 : index
          %get3A_637 = tpu.vector_load %arg10[%get3A_635, %get3A_636] {strides = array<i32>} : memref<200x128xf32, #tpu.memory_space<vmem>>, vector<1x16xf32>,
          %get3A_638 = vector.shape_cast %get3A_637 : vector<1x16xf32> to vector<16xf32>
          %add3A_639 = arith.addf %add3A_583, %get3A_638 : vector<16xf32>
          %add3A_640 = arith.constant 3 : i32
          %add3A_641 = arith.addi %add3A_430, %add3A_640 : i32
          %get3A_642 = arith.index_cast %add3A_641 : i32 to index
          %get3A_643 = arith.constant 96 : index
          %get3A_644 = tpu.vector_load %arg10[%get3A_642, %get3A_643] {strides = array<i32>} : memref<200x128xf32, #tpu.memory_space<vmem>>, vector<1x16xf32>,
          %get3A_645 = vector.shape_cast %get3A_644 : vector<1x16xf32> to vector<16xf32>
          %add3A_646 = arith.addf %add3A_590, %get3A_645 : vector<16xf32>
          %add3A_647 = arith.constant 3 : i32
          %add3A_648 = arith.addi %add3A_430, %add3A_647 : i32
          %get3A_649 = arith.index_cast %add3A_648 : i32 to index
          %get3A_650 = arith.constant 112 : index
          %get3A_651 = tpu.vector_load %arg10[%get3A_649, %get3A_650] {strides = array<i32>} : memref<200x128xf32, #tpu.memory_space<vmem>>, vector<1x16xf32>,
          %get3A_652 = vector.shape_cast %get3A_651 : vector<1x16xf32> to vector<16xf32>
          %add3A_653 = arith.addf %add3A_597, %get3A_652 : vector<16xf32>
          %add3A_654 = arith.constant 4 : i32
          %add3A_655 = arith.addi %add3A_430, %add3A_654 : i32
          %get3A_656 = arith.index_cast %add3A_655 : i32 to index
          %get3A_657 = arith.constant 0 : index
          %get3A_658 = tpu.vector_load %arg10[%get3A_656, %get3A_657] {strides = array<i32>} : memref<200x128xf32, #tpu.memory_space<vmem>>, vector<1x16xf32>,
          %get3A_659 = vector.shape_cast %get3A_658 : vector<1x16xf32> to vector<16xf32>
          %add3A_660 = arith.addf %add3A_604, %get3A_659 : vector<16xf32>
          %add3A_661 = arith.constant 4 : i32
          %add3A_662 = arith.addi %add3A_430, %add3A_661 : i32
          %get3A_663 = arith.index_cast %add3A_662 : i32 to index
          %get3A_664 = arith.constant 16 : index
          %get3A_665 = tpu.vector_load %arg10[%get3A_663, %get3A_664] {strides = array<i32>} : memref<200x128xf32, #tpu.memory_space<vmem>>, vector<1x16xf32>,
          %get3A_666 = vector.shape_cast %get3A_665 : vector<1x16xf32> to vector<16xf32>
          %add3A_667 = arith.addf %add3A_611, %get3A_666 : vector<16xf32>
          %add3A_668 = arith.constant 4 : i32
          %add3A_669 = arith.addi %add3A_430, %add3A_668 : i32
          %get3A_670 = arith.index_cast %add3A_669 : i32 to index
          %get3A_671 = arith.constant 32 : index
          %get3A_672 = tpu.vector_load %arg10[%get3A_670, %get3A_671] {strides = array<i32>} : memref<200x128xf32, #tpu.memory_space<vmem>>, vector<1x16xf32>,
          %get3A_673 = vector.shape_cast %get3A_672 : vector<1x16xf32> to vector<16xf32>
          %add3A_674 = arith.addf %add3A_618, %get3A_673 : vector<16xf32>
          %add3A_675 = arith.constant 4 : i32
          %add3A_676 = arith.addi %add3A_430, %add3A_675 : i32
          %get3A_677 = arith.index_cast %add3A_676 : i32 to index
          %get3A_678 = arith.constant 48 : index
          %get3A_679 = tpu.vector_load %arg10[%get3A_677, %get3A_678] {strides = array<i32>} : memref<200x128xf32, #tpu.memory_space<vmem>>, vector<1x16xf32>,
          %get3A_680 = vector.shape_cast %get3A_679 : vector<1x16xf32> to vector<16xf32>
          %add3A_681 = arith.addf %add3A_625, %get3A_680 : vector<16xf32>
          %add3A_682 = arith.constant 4 : i32
          %add3A_683 = arith.addi %add3A_430, %add3A_682 : i32
          %get3A_684 = arith.index_cast %add3A_683 : i32 to index
          %get3A_685 = arith.constant 64 : index
          %get3A_686 = tpu.vector_load %arg10[%get3A_684, %get3A_685] {strides = array<i32>} : memref<200x128xf32, #tpu.memory_space<vmem>>, vector<1x16xf32>,
          %get3A_687 = vector.shape_cast %get3A_686 : vector<1x16xf32> to vector<16xf32>
          %add3A_688 = arith.addf %add3A_632, %get3A_687 : vector<16xf32>
          %add3A_689 = arith.constant 4 : i32
          %add3A_690 = arith.addi %add3A_430, %add3A_689 : i32
          %get3A_691 = arith.index_cast %add3A_690 : i32 to index
          %get3A_692 = arith.constant 80 : index
          %get3A_693 = tpu.vector_load %arg10[%get3A_691, %get3A_692] {strides = array<i32>} : memref<200x128xf32, #tpu.memory_space<vmem>>, vector<1x16xf32>,
          %get3A_694 = vector.shape_cast %get3A_693 : vector<1x16xf32> to vector<16xf32>
          %add3A_695 = arith.addf %add3A_639, %get3A_694 : vector<16xf32>
          %add3A_696 = arith.constant 4 : i32
          %add3A_697 = arith.addi %add3A_430, %add3A_696 : i32
          %get3A_698 = arith.index_cast %add3A_697 : i32 to index
          %get3A_699 = arith.constant 96 : index
          %get3A_700 = tpu.vector_load %arg10[%get3A_698, %get3A_699] {strides = array<i32>} : memref<200x128xf32, #tpu.memory_space<vmem>>, vector<1x16xf32>,
          %get3A_701 = vector.shape_cast %get3A_700 : vector<1x16xf32> to vector<16xf32>
          %add3A_702 = arith.addf %add3A_646, %get3A_701 : vector<16xf32>
          %add3A_703 = arith.constant 4 : i32
          %add3A_704 = arith.addi %add3A_430, %add3A_703 : i32
          %get3A_705 = arith.index_cast %add3A_704 : i32 to index
          %get3A_706 = arith.constant 112 : index
          %get3A_707 = tpu.vector_load %arg10[%get3A_705, %get3A_706] {strides = array<i32>} : memref<200x128xf32, #tpu.memory_space<vmem>>, vector<1x16xf32>,
          %get3A_708 = vector.shape_cast %get3A_707 : vector<1x16xf32> to vector<16xf32>
          %add3A_709 = arith.addf %add3A_653, %get3A_708 : vector<16xf32>
          scf.yield %add3A_660, %add3A_667, %add3A_674, %add3A_681, %add3A_688, %add3A_695, %add3A_702, %add3A_709 : vector<16xf32>, vector<16xf32>, vector<16xf32>, vector<16xf32>, vector<16xf32>, vector<16xf32>, vector<16xf32>, vector<16xf32>
        }
        %scan3A_378 = arith.constant 10 : i32
        %swap3A = arith.index_cast %scan3A_354 : i32 to index
        %swap3A_379 = arith.constant 0 : index
        %swap3A_380 = tpu.vector_load %arg14[%swap3A, %swap3A_379] {strides = array<i32>} : memref<4x128xf32, #tpu.memory_space<vmem>>, vector<1x16xf32>,
        %swap3A_381 = vector.shape_cast %swap3A_380 : vector<1x16xf32> to vector<16xf32>
        %swap3A_382 = vector.shape_cast %scan3A_377#0 : vector<16xf32> to vector<1x16xf32>
        tpu.vector_store %arg14[%swap3A, %swap3A_379], %swap3A_382 {strides = array<i32>} : memref<4x128xf32, #tpu.memory_space<vmem>>, vector<1x16xf32>,
        %swap3A_383 = arith.index_cast %scan3A_354 : i32 to index
        %swap3A_384 = arith.constant 16 : index
        %swap3A_385 = tpu.vector_load %arg14[%swap3A_383, %swap3A_384] {strides = array<i32>} : memref<4x128xf32, #tpu.memory_space<vmem>>, vector<1x16xf32>,
        %swap3A_386 = vector.shape_cast %swap3A_385 : vector<1x16xf32> to vector<16xf32>
        %swap3A_387 = vector.shape_cast %scan3A_377#1 : vector<16xf32> to vector<1x16xf32>
        tpu.vector_store %arg14[%swap3A_383, %swap3A_384], %swap3A_387 {strides = array<i32>} : memref<4x128xf32, #tpu.memory_space<vmem>>, vector<1x16xf32>,
        %swap3A_388 = arith.index_cast %scan3A_354 : i32 to index
        %swap3A_389 = arith.constant 32 : index
        %swap3A_390 = tpu.vector_load %arg14[%swap3A_388, %swap3A_389] {strides = array<i32>} : memref<4x128xf32, #tpu.memory_space<vmem>>, vector<1x16xf32>,
        %swap3A_391 = vector.shape_cast %swap3A_390 : vector<1x16xf32> to vector<16xf32>
        %swap3A_392 = vector.shape_cast %scan3A_377#2 : vector<16xf32> to vector<1x16xf32>
        tpu.vector_store %arg14[%swap3A_388, %swap3A_389], %swap3A_392 {strides = array<i32>} : memref<4x128xf32, #tpu.memory_space<vmem>>, vector<1x16xf32>,
        %swap3A_393 = arith.index_cast %scan3A_354 : i32 to index
        %swap3A_394 = arith.constant 48 : index
        %swap3A_395 = tpu.vector_load %arg14[%swap3A_393, %swap3A_394] {strides = array<i32>} : memref<4x128xf32, #tpu.memory_space<vmem>>, vector<1x16xf32>,
        %swap3A_396 = vector.shape_cast %swap3A_395 : vector<1x16xf32> to vector<16xf32>
        %swap3A_397 = vector.shape_cast %scan3A_377#3 : vector<16xf32> to vector<1x16xf32>
        tpu.vector_store %arg14[%swap3A_393, %swap3A_394], %swap3A_397 {strides = array<i32>} : memref<4x128xf32, #tpu.memory_space<vmem>>, vector<1x16xf32>,
        %swap3A_398 = arith.index_cast %scan3A_354 : i32 to index
        %swap3A_399 = arith.constant 64 : index
        %swap3A_400 = tpu.vector_load %arg14[%swap3A_398, %swap3A_399] {strides = array<i32>} : memref<4x128xf32, #tpu.memory_space<vmem>>, vector<1x16xf32>,
        %swap3A_401 = vector.shape_cast %swap3A_400 : vector<1x16xf32> to vector<16xf32>
        %swap3A_402 = vector.shape_cast %scan3A_377#4 : vector<16xf32> to vector<1x16xf32>
        tpu.vector_store %arg14[%swap3A_398, %swap3A_399], %swap3A_402 {strides = array<i32>} : memref<4x128xf32, #tpu.memory_space<vmem>>, vector<1x16xf32>,
        %swap3A_403 = arith.index_cast %scan3A_354 : i32 to index
        %swap3A_404 = arith.constant 80 : index
        %swap3A_405 = tpu.vector_load %arg14[%swap3A_403, %swap3A_404] {strides = array<i32>} : memref<4x128xf32, #tpu.memory_space<vmem>>, vector<1x16xf32>,
        %swap3A_406 = vector.shape_cast %swap3A_405 : vector<1x16xf32> to vector<16xf32>
        %swap3A_407 = vector.shape_cast %scan3A_377#5 : vector<16xf32> to vector<1x16xf32>
        tpu.vector_store %arg14[%swap3A_403, %swap3A_404], %swap3A_407 {strides = array<i32>} : memref<4x128xf32, #tpu.memory_space<vmem>>, vector<1x16xf32>,
        %swap3A_408 = arith.index_cast %scan3A_354 : i32 to index
        %swap3A_409 = arith.constant 96 : index
        %swap3A_410 = tpu.vector_load %arg14[%swap3A_408, %swap3A_409] {strides = array<i32>} : memref<4x128xf32, #tpu.memory_space<vmem>>, vector<1x16xf32>,
        %swap3A_411 = vector.shape_cast %swap3A_410 : vector<1x16xf32> to vector<16xf32>
        %swap3A_412 = vector.shape_cast %scan3A_377#6 : vector<16xf32> to vector<1x16xf32>
        tpu.vector_store %arg14[%swap3A_408, %swap3A_409], %swap3A_412 {strides = array<i32>} : memref<4x128xf32, #tpu.memory_space<vmem>>, vector<1x16xf32>,
        %swap3A_413 = arith.index_cast %scan3A_354 : i32 to index
        %swap3A_414 = arith.constant 112 : index
        %swap3A_415 = tpu.vector_load %arg14[%swap3A_413, %swap3A_414] {strides = array<i32>} : memref<4x128xf32, #tpu.memory_space<vmem>>, vector<1x16xf32>,
        %swap3A_416 = vector.shape_cast %swap3A_415 : vector<1x16xf32> to vector<16xf32>
        %swap3A_417 = vector.shape_cast %scan3A_377#7 : vector<16xf32> to vector<1x16xf32>
        tpu.vector_store %arg14[%swap3A_413, %swap3A_414], %swap3A_417 {strides = array<i32>} : memref<4x128xf32, #tpu.memory_space<vmem>>, vector<1x16xf32>,
        %scan3A_418 = arith.constant 0 : i32
        scf.yield %scan3A_418 : i32
      }
      %scan3A_232 = arith.constant 4 : i32
      %add3A_233 = arith.constant 4 : i32
      %add3A_234 = arith.addi %add3A_197, %add3A_233 : i32
      %lt3A_235 = arith.constant 128 : i32
      %lt3A_236 = arith.cmpi slt, %add3A_234, %lt3A_235 : i32
      %convert_element_type3A_237 = arith.extui %lt3A_236 : i1 to i32
      %cond3A_238 = arith.constant 0 : i32
      %cond3A_239 = arith.cmpi ne, %convert_element_type3A_237, %cond3A_238 : i32
      scf.if %cond3A_239 {
        %add3A_354 = arith.constant 4 : i32
        %add3A_355 = arith.addi %add3A_197, %add3A_354 : i32
        %mul3A_356 = arith.constant 4 : i32
        %mul3A_357 = arith.muli %add3A_355, %mul3A_356 : i32
        %add3A_358 = arith.addi %mul3A_2, %mul3A_357 : i32
        %mul3A_359 = arith.constant 50 : i32
        %mul3A_360 = arith.muli %add3A_358, %mul3A_359 : i32
        %dma_wait3A_361 = tpu.memref_slice %arg2[%mul3A_360] : memref<819200xi32, #tpu.memory_space<hbm>> -> memref<200xi32, #tpu.memory_space<hbm>>
        %dma_wait3A_362 = tpu.memref_slice %arg2[%mul3A_360] : memref<819200xi32, #tpu.memory_space<hbm>> -> memref<200xi32, #tpu.memory_space<hbm>>
        tpu.wait_dma2 semaphore(%arg26 : memref<!tpu.dma_semaphore, #tpu.memory_space<semaphore_mem>>) src(%dma_wait3A_362 : memref<200xi32, #tpu.memory_space<hbm>>) dst(%arg6 : memref<200xi32, #tpu.memory_space<vmem>>)
        %dma_start3A_363 = arith.constant 0 : i32
        %dma_start3A_364 = arith.constant 0 : i32
        %dma_start3A_365 = tpu.memref_slice %arg10[%dma_start3A_363, %dma_start3A_364] : memref<200x128xf32, #tpu.memory_space<vmem>> -> memref<104x128xf32, #tpu.memory_space<vmem>>
        %dma_start3A_366 = arith.constant 0 : i32
        %dma_start3A_367 = tpu.memref_slice %arg6[%dma_start3A_366] : memref<200xi32, #tpu.memory_space<vmem>> -> memref<104xi32, #tpu.memory_space<vmem>>
        %dma_start3A_368 = arith.constant 0 : i32
        %dma_start3A_369 = arith.constant 0 : i32
        %dma_start3A_370 = tpu.memref_slice %arg3[%dma_start3A_368, %dma_start3A_369] : memref<100000x128xf32, #tpu.memory_space<hbm>> -> memref<100000x128xf32, #tpu.memory_space<hbm>>
        tpu.enqueue_indirect_dma source(%dma_start3A_370 : memref<100000x128xf32, #tpu.memory_space<hbm>>) target(%dma_start3A_365 : memref<104x128xf32, #tpu.memory_space<vmem>>) offsets(%dma_start3A_367 : memref<104xi32, #tpu.memory_space<vmem>>) semaphore(%arg18 : memref<!tpu.dma_semaphore, #tpu.memory_space<semaphore_mem>>)
        %dma_start3A_371 = arith.constant 104 : i32
        %dma_start3A_372 = arith.constant 0 : i32
        %dma_start3A_373 = tpu.memref_slice %arg10[%dma_start3A_371, %dma_start3A_372] : memref<200x128xf32, #tpu.memory_space<vmem>> -> memref<96x128xf32, #tpu.memory_space<vmem>>
        %dma_start3A_374 = arith.constant 104 : i32
        %dma_start3A_375 = tpu.memref_slice %arg6[%dma_start3A_374] : memref<200xi32, #tpu.memory_space<vmem>> -> memref<96xi32, #tpu.memory_space<vmem>>
        %dma_start3A_376 = arith.constant 0 : i32
        %dma_start3A_377 = arith.constant 0 : i32
        %dma_start3A_378 = tpu.memref_slice %arg3[%dma_start3A_376, %dma_start3A_377] : memref<100000x128xf32, #tpu.memory_space<hbm>> -> memref<100000x128xf32, #tpu.memory_space<hbm>>
        tpu.enqueue_indirect_dma source(%dma_start3A_378 : memref<100000x128xf32, #tpu.memory_space<hbm>>) target(%dma_start3A_373 : memref<96x128xf32, #tpu.memory_space<vmem>>) offsets(%dma_start3A_375 : memref<96xi32, #tpu.memory_space<vmem>>) semaphore(%arg18 : memref<!tpu.dma_semaphore, #tpu.memory_space<semaphore_mem>>)
      } else {
      }
      %mul3A_240 = arith.constant 4 : i32
      %mul3A_241 = arith.muli %add3A_197, %mul3A_240 : i32
      %add3A_242 = arith.addi %mul3A_2, %mul3A_241 : i32
      %dma_start3A_243 = arith.constant 0 : i32
      %dma_start3A_244 = tpu.memref_slice %arg4[%add3A_242, %dma_start3A_243] : memref<16384x128xf32, #tpu.memory_space<hbm>> -> memref<4x128xf32, #tpu.memory_space<hbm>>
      %dma_start3A_245 = arith.constant 0 : i32
      %dma_start3A_246 = tpu.memref_slice %arg4[%add3A_242, %dma_start3A_245] : memref<16384x128xf32, #tpu.memory_space<hbm>> -> memref<4x128xf32, #tpu.memory_space<hbm>>
      tpu.enqueue_dma source(%arg14 : memref<4x128xf32, #tpu.memory_space<vmem>>) target(%dma_start3A_246 : memref<4x128xf32, #tpu.memory_space<hbm>>) target_semaphore(%arg22 : memref<!tpu.dma_semaphore, #tpu.memory_space<semaphore_mem>>)
      %mul3A_247 = arith.constant 4 : i32
      %mul3A_248 = arith.muli %scan3A_143, %mul3A_247 : i32
      %add3A_249 = arith.constant 2 : i32
      %add3A_250 = arith.addi %mul3A_248, %add3A_249 : i32
      %dma_wait3A_251 = arith.constant 0 : i32
      %dma_wait3A_252 = arith.constant 0 : i32
      %dma_wait3A_253 = tpu.memref_slice %arg11[%dma_wait3A_251, %dma_wait3A_252] : memref<200x128xf32, #tpu.memory_space<vmem>> -> memref<104x128xf32, #tpu.memory_space<vmem>>
      %dma_wait3A_254 = arith.constant 0 : i32
      %dma_wait3A_255 = tpu.memref_slice %arg7[%dma_wait3A_254] : memref<200xi32, #tpu.memory_space<vmem>> -> memref<104xi32, #tpu.memory_space<vmem>>
      %dma_wait3A_256 = arith.constant 0 : i32
      %dma_wait3A_257 = arith.constant 0 : i32
      %dma_wait3A_258 = tpu.memref_slice %arg3[%dma_wait3A_256, %dma_wait3A_257] : memref<100000x128xf32, #tpu.memory_space<hbm>> -> memref<100000x128xf32, #tpu.memory_space<hbm>>
      tpu.wait_indirect_dma semaphore(%arg19 : memref<!tpu.dma_semaphore, #tpu.memory_space<semaphore_mem>>) src(%dma_wait3A_258 : memref<100000x128xf32, #tpu.memory_space<hbm>>) dst(%dma_wait3A_253 : memref<104x128xf32, #tpu.memory_space<vmem>>)
      %dma_wait3A_259 = arith.constant 104 : i32
      %dma_wait3A_260 = arith.constant 0 : i32
      %dma_wait3A_261 = tpu.memref_slice %arg11[%dma_wait3A_259, %dma_wait3A_260] : memref<200x128xf32, #tpu.memory_space<vmem>> -> memref<96x128xf32, #tpu.memory_space<vmem>>
      %dma_wait3A_262 = arith.constant 104 : i32
      %dma_wait3A_263 = tpu.memref_slice %arg7[%dma_wait3A_262] : memref<200xi32, #tpu.memory_space<vmem>> -> memref<96xi32, #tpu.memory_space<vmem>>
      %dma_wait3A_264 = arith.constant 0 : i32
      %dma_wait3A_265 = arith.constant 0 : i32
      %dma_wait3A_266 = tpu.memref_slice %arg3[%dma_wait3A_264, %dma_wait3A_265] : memref<100000x128xf32, #tpu.memory_space<hbm>> -> memref<100000x128xf32, #tpu.memory_space<hbm>>
      tpu.wait_indirect_dma semaphore(%arg19 : memref<!tpu.dma_semaphore, #tpu.memory_space<semaphore_mem>>) src(%dma_wait3A_266 : memref<100000x128xf32, #tpu.memory_space<hbm>>) dst(%dma_wait3A_261 : memref<96x128xf32, #tpu.memory_space<vmem>>)
      %add3A_267 = arith.constant 4 : i32
      %add3A_268 = arith.addi %add3A_250, %add3A_267 : i32
      %lt3A_269 = arith.constant 128 : i32
      %lt3A_270 = arith.cmpi slt, %add3A_268, %lt3A_269 : i32
      %convert_element_type3A_271 = arith.extui %lt3A_270 : i1 to i32
      %cond3A_272 = arith.constant 0 : i32
      %cond3A_273 = arith.cmpi ne, %convert_element_type3A_271, %cond3A_272 : i32
      scf.if %cond3A_273 {
        %add3A_354 = arith.constant 4 : i32
        %add3A_355 = arith.addi %add3A_250, %add3A_354 : i32
        %mul3A_356 = arith.constant 4 : i32
        %mul3A_357 = arith.muli %add3A_355, %mul3A_356 : i32
        %add3A_358 = arith.addi %mul3A_2, %mul3A_357 : i32
        %mul3A_359 = arith.constant 50 : i32
        %mul3A_360 = arith.muli %add3A_358, %mul3A_359 : i32
        %dma_start3A_361 = tpu.memref_slice %arg2[%mul3A_360] : memref<819200xi32, #tpu.memory_space<hbm>> -> memref<200xi32, #tpu.memory_space<hbm>>
        %dma_start3A_362 = tpu.memref_slice %arg2[%mul3A_360] : memref<819200xi32, #tpu.memory_space<hbm>> -> memref<200xi32, #tpu.memory_space<hbm>>
        tpu.enqueue_dma source(%dma_start3A_362 : memref<200xi32, #tpu.memory_space<hbm>>) target(%arg7 : memref<200xi32, #tpu.memory_space<vmem>>) target_semaphore(%arg27 : memref<!tpu.dma_semaphore, #tpu.memory_space<semaphore_mem>>)
      } else {
      }
      %ge3A_274 = arith.constant 4 : i32
      %ge3A_275 = arith.cmpi sge, %add3A_250, %ge3A_274 : i32
      %convert_element_type3A_276 = arith.extui %ge3A_275 : i1 to i32
      %cond3A_277 = arith.constant 0 : i32
      %cond3A_278 = arith.cmpi ne, %convert_element_type3A_276, %cond3A_277 : i32
      scf.if %cond3A_278 {
        %sub3A = arith.constant 4 : i32
        %sub3A_354 = arith.subi %add3A_250, %sub3A : i32
        %mul3A_355 = arith.constant 4 : i32
        %mul3A_356 = arith.muli %sub3A_354, %mul3A_355 : i32
        %add3A_357 = arith.addi %mul3A_2, %mul3A_356 : i32
        %dma_wait3A_358 = arith.constant 0 : i32
        %dma_wait3A_359 = tpu.memref_slice %arg4[%add3A_357, %dma_wait3A_358] : memref<16384x128xf32, #tpu.memory_space<hbm>> -> memref<4x128xf32, #tpu.memory_space<hbm>>
        %dma_wait3A_360 = arith.constant 0 : i32
        %dma_wait3A_361 = tpu.memref_slice %arg4[%add3A_357, %dma_wait3A_360] : memref<16384x128xf32, #tpu.memory_space<hbm>> -> memref<4x128xf32, #tpu.memory_space<hbm>>
        tpu.wait_dma2 semaphore(%arg23 : memref<!tpu.dma_semaphore, #tpu.memory_space<semaphore_mem>>) src(%arg15 : memref<4x128xf32, #tpu.memory_space<vmem>>) dst(%dma_wait3A_361 : memref<4x128xf32, #tpu.memory_space<hbm>>)
      } else {
      }
      %scan3A_279 = arith.constant 0 : i32
      %scan3A_280 = arith.constant 0 : i32
      %scan3A_281 = arith.constant 4 : i32
      %scan3A_282 = arith.addi %scan3A_280, %scan3A_281 : i32
      %scan3A_283 = arith.constant 1 : i32
      %scan3A_284 = scf.for %scan3A_354 = %scan3A_280 to %scan3A_282 step %scan3A_283 iter_args(%scan3A_355 = %scan3A_279) -> (i32)  : i32 {
        %mul3A_356 = arith.constant 50 : i32
        %mul3A_357 = arith.muli %scan3A_354, %mul3A_356 : i32
        %broadcast_in_dim3A = arith.constant 0.000000e+00 : f32
        %broadcast_in_dim3A_358 = vector.broadcast %broadcast_in_dim3A : f32 to vector<16xf32>
        %broadcast_in_dim3A_359 = arith.constant 0.000000e+00 : f32
        %broadcast_in_dim3A_360 = vector.broadcast %broadcast_in_dim3A_359 : f32 to vector<16xf32>
        %broadcast_in_dim3A_361 = arith.constant 0.000000e+00 : f32
        %broadcast_in_dim3A_362 = vector.broadcast %broadcast_in_dim3A_361 : f32 to vector<16xf32>
        %broadcast_in_dim3A_363 = arith.constant 0.000000e+00 : f32
        %broadcast_in_dim3A_364 = vector.broadcast %broadcast_in_dim3A_363 : f32 to vector<16xf32>
        %broadcast_in_dim3A_365 = arith.constant 0.000000e+00 : f32
        %broadcast_in_dim3A_366 = vector.broadcast %broadcast_in_dim3A_365 : f32 to vector<16xf32>
        %broadcast_in_dim3A_367 = arith.constant 0.000000e+00 : f32
        %broadcast_in_dim3A_368 = vector.broadcast %broadcast_in_dim3A_367 : f32 to vector<16xf32>
        %broadcast_in_dim3A_369 = arith.constant 0.000000e+00 : f32
        %broadcast_in_dim3A_370 = vector.broadcast %broadcast_in_dim3A_369 : f32 to vector<16xf32>
        %broadcast_in_dim3A_371 = arith.constant 0.000000e+00 : f32
        %broadcast_in_dim3A_372 = vector.broadcast %broadcast_in_dim3A_371 : f32 to vector<16xf32>
        %scan3A_373 = arith.constant 0 : i32
        %scan3A_374 = arith.constant 10 : i32
        %scan3A_375 = arith.addi %scan3A_373, %scan3A_374 : i32
        %scan3A_376 = arith.constant 1 : i32
        %scan3A_377:8 = scf.for %scan3A_419 = %scan3A_373 to %scan3A_375 step %scan3A_376 iter_args(%scan3A_420 = %broadcast_in_dim3A_358, %scan3A_421 = %broadcast_in_dim3A_360, %scan3A_422 = %broadcast_in_dim3A_362, %scan3A_423 = %broadcast_in_dim3A_364, %scan3A_424 = %broadcast_in_dim3A_366, %scan3A_425 = %broadcast_in_dim3A_368, %scan3A_426 = %broadcast_in_dim3A_370, %scan3A_427 = %broadcast_in_dim3A_372) -> (vector<16xf32>, vector<16xf32>, vector<16xf32>, vector<16xf32>, vector<16xf32>, vector<16xf32>, vector<16xf32>, vector<16xf32>)  : i32 {
          %mul3A_428 = arith.constant 5 : i32
          %mul3A_429 = arith.muli %mul3A_428, %scan3A_419 : i32
          %add3A_430 = arith.addi %mul3A_357, %mul3A_429 : i32
          %add3A_431 = arith.constant 0 : i32
          %add3A_432 = arith.addi %add3A_430, %add3A_431 : i32
          %get3A = arith.index_cast %add3A_432 : i32 to index
          %get3A_433 = arith.constant 0 : index
          %get3A_434 = tpu.vector_load %arg11[%get3A, %get3A_433] {strides = array<i32>} : memref<200x128xf32, #tpu.memory_space<vmem>>, vector<1x16xf32>,
          %get3A_435 = vector.shape_cast %get3A_434 : vector<1x16xf32> to vector<16xf32>
          %add3A_436 = arith.addf %scan3A_420, %get3A_435 : vector<16xf32>
          %add3A_437 = arith.constant 0 : i32
          %add3A_438 = arith.addi %add3A_430, %add3A_437 : i32
          %get3A_439 = arith.index_cast %add3A_438 : i32 to index
          %get3A_440 = arith.constant 16 : index
          %get3A_441 = tpu.vector_load %arg11[%get3A_439, %get3A_440] {strides = array<i32>} : memref<200x128xf32, #tpu.memory_space<vmem>>, vector<1x16xf32>,
          %get3A_442 = vector.shape_cast %get3A_441 : vector<1x16xf32> to vector<16xf32>
          %add3A_443 = arith.addf %scan3A_421, %get3A_442 : vector<16xf32>
          %add3A_444 = arith.constant 0 : i32
          %add3A_445 = arith.addi %add3A_430, %add3A_444 : i32
          %get3A_446 = arith.index_cast %add3A_445 : i32 to index
          %get3A_447 = arith.constant 32 : index
          %get3A_448 = tpu.vector_load %arg11[%get3A_446, %get3A_447] {strides = array<i32>} : memref<200x128xf32, #tpu.memory_space<vmem>>, vector<1x16xf32>,
          %get3A_449 = vector.shape_cast %get3A_448 : vector<1x16xf32> to vector<16xf32>
          %add3A_450 = arith.addf %scan3A_422, %get3A_449 : vector<16xf32>
          %add3A_451 = arith.constant 0 : i32
          %add3A_452 = arith.addi %add3A_430, %add3A_451 : i32
          %get3A_453 = arith.index_cast %add3A_452 : i32 to index
          %get3A_454 = arith.constant 48 : index
          %get3A_455 = tpu.vector_load %arg11[%get3A_453, %get3A_454] {strides = array<i32>} : memref<200x128xf32, #tpu.memory_space<vmem>>, vector<1x16xf32>,
          %get3A_456 = vector.shape_cast %get3A_455 : vector<1x16xf32> to vector<16xf32>
          %add3A_457 = arith.addf %scan3A_423, %get3A_456 : vector<16xf32>
          %add3A_458 = arith.constant 0 : i32
          %add3A_459 = arith.addi %add3A_430, %add3A_458 : i32
          %get3A_460 = arith.index_cast %add3A_459 : i32 to index
          %get3A_461 = arith.constant 64 : index
          %get3A_462 = tpu.vector_load %arg11[%get3A_460, %get3A_461] {strides = array<i32>} : memref<200x128xf32, #tpu.memory_space<vmem>>, vector<1x16xf32>,
          %get3A_463 = vector.shape_cast %get3A_462 : vector<1x16xf32> to vector<16xf32>
          %add3A_464 = arith.addf %scan3A_424, %get3A_463 : vector<16xf32>
          %add3A_465 = arith.constant 0 : i32
          %add3A_466 = arith.addi %add3A_430, %add3A_465 : i32
          %get3A_467 = arith.index_cast %add3A_466 : i32 to index
          %get3A_468 = arith.constant 80 : index
          %get3A_469 = tpu.vector_load %arg11[%get3A_467, %get3A_468] {strides = array<i32>} : memref<200x128xf32, #tpu.memory_space<vmem>>, vector<1x16xf32>,
          %get3A_470 = vector.shape_cast %get3A_469 : vector<1x16xf32> to vector<16xf32>
          %add3A_471 = arith.addf %scan3A_425, %get3A_470 : vector<16xf32>
          %add3A_472 = arith.constant 0 : i32
          %add3A_473 = arith.addi %add3A_430, %add3A_472 : i32
          %get3A_474 = arith.index_cast %add3A_473 : i32 to index
          %get3A_475 = arith.constant 96 : index
          %get3A_476 = tpu.vector_load %arg11[%get3A_474, %get3A_475] {strides = array<i32>} : memref<200x128xf32, #tpu.memory_space<vmem>>, vector<1x16xf32>,
          %get3A_477 = vector.shape_cast %get3A_476 : vector<1x16xf32> to vector<16xf32>
          %add3A_478 = arith.addf %scan3A_426, %get3A_477 : vector<16xf32>
          %add3A_479 = arith.constant 0 : i32
          %add3A_480 = arith.addi %add3A_430, %add3A_479 : i32
          %get3A_481 = arith.index_cast %add3A_480 : i32 to index
          %get3A_482 = arith.constant 112 : index
          %get3A_483 = tpu.vector_load %arg11[%get3A_481, %get3A_482] {strides = array<i32>} : memref<200x128xf32, #tpu.memory_space<vmem>>, vector<1x16xf32>,
          %get3A_484 = vector.shape_cast %get3A_483 : vector<1x16xf32> to vector<16xf32>
          %add3A_485 = arith.addf %scan3A_427, %get3A_484 : vector<16xf32>
          %add3A_486 = arith.constant 1 : i32
          %add3A_487 = arith.addi %add3A_430, %add3A_486 : i32
          %get3A_488 = arith.index_cast %add3A_487 : i32 to index
          %get3A_489 = arith.constant 0 : index
          %get3A_490 = tpu.vector_load %arg11[%get3A_488, %get3A_489] {strides = array<i32>} : memref<200x128xf32, #tpu.memory_space<vmem>>, vector<1x16xf32>,
          %get3A_491 = vector.shape_cast %get3A_490 : vector<1x16xf32> to vector<16xf32>
          %add3A_492 = arith.addf %add3A_436, %get3A_491 : vector<16xf32>
          %add3A_493 = arith.constant 1 : i32
          %add3A_494 = arith.addi %add3A_430, %add3A_493 : i32
          %get3A_495 = arith.index_cast %add3A_494 : i32 to index
          %get3A_496 = arith.constant 16 : index
          %get3A_497 = tpu.vector_load %arg11[%get3A_495, %get3A_496] {strides = array<i32>} : memref<200x128xf32, #tpu.memory_space<vmem>>, vector<1x16xf32>,
          %get3A_498 = vector.shape_cast %get3A_497 : vector<1x16xf32> to vector<16xf32>
          %add3A_499 = arith.addf %add3A_443, %get3A_498 : vector<16xf32>
          %add3A_500 = arith.constant 1 : i32
          %add3A_501 = arith.addi %add3A_430, %add3A_500 : i32
          %get3A_502 = arith.index_cast %add3A_501 : i32 to index
          %get3A_503 = arith.constant 32 : index
          %get3A_504 = tpu.vector_load %arg11[%get3A_502, %get3A_503] {strides = array<i32>} : memref<200x128xf32, #tpu.memory_space<vmem>>, vector<1x16xf32>,
          %get3A_505 = vector.shape_cast %get3A_504 : vector<1x16xf32> to vector<16xf32>
          %add3A_506 = arith.addf %add3A_450, %get3A_505 : vector<16xf32>
          %add3A_507 = arith.constant 1 : i32
          %add3A_508 = arith.addi %add3A_430, %add3A_507 : i32
          %get3A_509 = arith.index_cast %add3A_508 : i32 to index
          %get3A_510 = arith.constant 48 : index
          %get3A_511 = tpu.vector_load %arg11[%get3A_509, %get3A_510] {strides = array<i32>} : memref<200x128xf32, #tpu.memory_space<vmem>>, vector<1x16xf32>,
          %get3A_512 = vector.shape_cast %get3A_511 : vector<1x16xf32> to vector<16xf32>
          %add3A_513 = arith.addf %add3A_457, %get3A_512 : vector<16xf32>
          %add3A_514 = arith.constant 1 : i32
          %add3A_515 = arith.addi %add3A_430, %add3A_514 : i32
          %get3A_516 = arith.index_cast %add3A_515 : i32 to index
          %get3A_517 = arith.constant 64 : index
          %get3A_518 = tpu.vector_load %arg11[%get3A_516, %get3A_517] {strides = array<i32>} : memref<200x128xf32, #tpu.memory_space<vmem>>, vector<1x16xf32>,
          %get3A_519 = vector.shape_cast %get3A_518 : vector<1x16xf32> to vector<16xf32>
          %add3A_520 = arith.addf %add3A_464, %get3A_519 : vector<16xf32>
          %add3A_521 = arith.constant 1 : i32
          %add3A_522 = arith.addi %add3A_430, %add3A_521 : i32
          %get3A_523 = arith.index_cast %add3A_522 : i32 to index
          %get3A_524 = arith.constant 80 : index
          %get3A_525 = tpu.vector_load %arg11[%get3A_523, %get3A_524] {strides = array<i32>} : memref<200x128xf32, #tpu.memory_space<vmem>>, vector<1x16xf32>,
          %get3A_526 = vector.shape_cast %get3A_525 : vector<1x16xf32> to vector<16xf32>
          %add3A_527 = arith.addf %add3A_471, %get3A_526 : vector<16xf32>
          %add3A_528 = arith.constant 1 : i32
          %add3A_529 = arith.addi %add3A_430, %add3A_528 : i32
          %get3A_530 = arith.index_cast %add3A_529 : i32 to index
          %get3A_531 = arith.constant 96 : index
          %get3A_532 = tpu.vector_load %arg11[%get3A_530, %get3A_531] {strides = array<i32>} : memref<200x128xf32, #tpu.memory_space<vmem>>, vector<1x16xf32>,
          %get3A_533 = vector.shape_cast %get3A_532 : vector<1x16xf32> to vector<16xf32>
          %add3A_534 = arith.addf %add3A_478, %get3A_533 : vector<16xf32>
          %add3A_535 = arith.constant 1 : i32
          %add3A_536 = arith.addi %add3A_430, %add3A_535 : i32
          %get3A_537 = arith.index_cast %add3A_536 : i32 to index
          %get3A_538 = arith.constant 112 : index
          %get3A_539 = tpu.vector_load %arg11[%get3A_537, %get3A_538] {strides = array<i32>} : memref<200x128xf32, #tpu.memory_space<vmem>>, vector<1x16xf32>,
          %get3A_540 = vector.shape_cast %get3A_539 : vector<1x16xf32> to vector<16xf32>
          %add3A_541 = arith.addf %add3A_485, %get3A_540 : vector<16xf32>
          %add3A_542 = arith.constant 2 : i32
          %add3A_543 = arith.addi %add3A_430, %add3A_542 : i32
          %get3A_544 = arith.index_cast %add3A_543 : i32 to index
          %get3A_545 = arith.constant 0 : index
          %get3A_546 = tpu.vector_load %arg11[%get3A_544, %get3A_545] {strides = array<i32>} : memref<200x128xf32, #tpu.memory_space<vmem>>, vector<1x16xf32>,
          %get3A_547 = vector.shape_cast %get3A_546 : vector<1x16xf32> to vector<16xf32>
          %add3A_548 = arith.addf %add3A_492, %get3A_547 : vector<16xf32>
          %add3A_549 = arith.constant 2 : i32
          %add3A_550 = arith.addi %add3A_430, %add3A_549 : i32
          %get3A_551 = arith.index_cast %add3A_550 : i32 to index
          %get3A_552 = arith.constant 16 : index
          %get3A_553 = tpu.vector_load %arg11[%get3A_551, %get3A_552] {strides = array<i32>} : memref<200x128xf32, #tpu.memory_space<vmem>>, vector<1x16xf32>,
          %get3A_554 = vector.shape_cast %get3A_553 : vector<1x16xf32> to vector<16xf32>
          %add3A_555 = arith.addf %add3A_499, %get3A_554 : vector<16xf32>
          %add3A_556 = arith.constant 2 : i32
          %add3A_557 = arith.addi %add3A_430, %add3A_556 : i32
          %get3A_558 = arith.index_cast %add3A_557 : i32 to index
          %get3A_559 = arith.constant 32 : index
          %get3A_560 = tpu.vector_load %arg11[%get3A_558, %get3A_559] {strides = array<i32>} : memref<200x128xf32, #tpu.memory_space<vmem>>, vector<1x16xf32>,
          %get3A_561 = vector.shape_cast %get3A_560 : vector<1x16xf32> to vector<16xf32>
          %add3A_562 = arith.addf %add3A_506, %get3A_561 : vector<16xf32>
          %add3A_563 = arith.constant 2 : i32
          %add3A_564 = arith.addi %add3A_430, %add3A_563 : i32
          %get3A_565 = arith.index_cast %add3A_564 : i32 to index
          %get3A_566 = arith.constant 48 : index
          %get3A_567 = tpu.vector_load %arg11[%get3A_565, %get3A_566] {strides = array<i32>} : memref<200x128xf32, #tpu.memory_space<vmem>>, vector<1x16xf32>,
          %get3A_568 = vector.shape_cast %get3A_567 : vector<1x16xf32> to vector<16xf32>
          %add3A_569 = arith.addf %add3A_513, %get3A_568 : vector<16xf32>
          %add3A_570 = arith.constant 2 : i32
          %add3A_571 = arith.addi %add3A_430, %add3A_570 : i32
          %get3A_572 = arith.index_cast %add3A_571 : i32 to index
          %get3A_573 = arith.constant 64 : index
          %get3A_574 = tpu.vector_load %arg11[%get3A_572, %get3A_573] {strides = array<i32>} : memref<200x128xf32, #tpu.memory_space<vmem>>, vector<1x16xf32>,
          %get3A_575 = vector.shape_cast %get3A_574 : vector<1x16xf32> to vector<16xf32>
          %add3A_576 = arith.addf %add3A_520, %get3A_575 : vector<16xf32>
          %add3A_577 = arith.constant 2 : i32
          %add3A_578 = arith.addi %add3A_430, %add3A_577 : i32
          %get3A_579 = arith.index_cast %add3A_578 : i32 to index
          %get3A_580 = arith.constant 80 : index
          %get3A_581 = tpu.vector_load %arg11[%get3A_579, %get3A_580] {strides = array<i32>} : memref<200x128xf32, #tpu.memory_space<vmem>>, vector<1x16xf32>,
          %get3A_582 = vector.shape_cast %get3A_581 : vector<1x16xf32> to vector<16xf32>
          %add3A_583 = arith.addf %add3A_527, %get3A_582 : vector<16xf32>
          %add3A_584 = arith.constant 2 : i32
          %add3A_585 = arith.addi %add3A_430, %add3A_584 : i32
          %get3A_586 = arith.index_cast %add3A_585 : i32 to index
          %get3A_587 = arith.constant 96 : index
          %get3A_588 = tpu.vector_load %arg11[%get3A_586, %get3A_587] {strides = array<i32>} : memref<200x128xf32, #tpu.memory_space<vmem>>, vector<1x16xf32>,
          %get3A_589 = vector.shape_cast %get3A_588 : vector<1x16xf32> to vector<16xf32>
          %add3A_590 = arith.addf %add3A_534, %get3A_589 : vector<16xf32>
          %add3A_591 = arith.constant 2 : i32
          %add3A_592 = arith.addi %add3A_430, %add3A_591 : i32
          %get3A_593 = arith.index_cast %add3A_592 : i32 to index
          %get3A_594 = arith.constant 112 : index
          %get3A_595 = tpu.vector_load %arg11[%get3A_593, %get3A_594] {strides = array<i32>} : memref<200x128xf32, #tpu.memory_space<vmem>>, vector<1x16xf32>,
          %get3A_596 = vector.shape_cast %get3A_595 : vector<1x16xf32> to vector<16xf32>
          %add3A_597 = arith.addf %add3A_541, %get3A_596 : vector<16xf32>
          %add3A_598 = arith.constant 3 : i32
          %add3A_599 = arith.addi %add3A_430, %add3A_598 : i32
          %get3A_600 = arith.index_cast %add3A_599 : i32 to index
          %get3A_601 = arith.constant 0 : index
          %get3A_602 = tpu.vector_load %arg11[%get3A_600, %get3A_601] {strides = array<i32>} : memref<200x128xf32, #tpu.memory_space<vmem>>, vector<1x16xf32>,
          %get3A_603 = vector.shape_cast %get3A_602 : vector<1x16xf32> to vector<16xf32>
          %add3A_604 = arith.addf %add3A_548, %get3A_603 : vector<16xf32>
          %add3A_605 = arith.constant 3 : i32
          %add3A_606 = arith.addi %add3A_430, %add3A_605 : i32
          %get3A_607 = arith.index_cast %add3A_606 : i32 to index
          %get3A_608 = arith.constant 16 : index
          %get3A_609 = tpu.vector_load %arg11[%get3A_607, %get3A_608] {strides = array<i32>} : memref<200x128xf32, #tpu.memory_space<vmem>>, vector<1x16xf32>,
          %get3A_610 = vector.shape_cast %get3A_609 : vector<1x16xf32> to vector<16xf32>
          %add3A_611 = arith.addf %add3A_555, %get3A_610 : vector<16xf32>
          %add3A_612 = arith.constant 3 : i32
          %add3A_613 = arith.addi %add3A_430, %add3A_612 : i32
          %get3A_614 = arith.index_cast %add3A_613 : i32 to index
          %get3A_615 = arith.constant 32 : index
          %get3A_616 = tpu.vector_load %arg11[%get3A_614, %get3A_615] {strides = array<i32>} : memref<200x128xf32, #tpu.memory_space<vmem>>, vector<1x16xf32>,
          %get3A_617 = vector.shape_cast %get3A_616 : vector<1x16xf32> to vector<16xf32>
          %add3A_618 = arith.addf %add3A_562, %get3A_617 : vector<16xf32>
          %add3A_619 = arith.constant 3 : i32
          %add3A_620 = arith.addi %add3A_430, %add3A_619 : i32
          %get3A_621 = arith.index_cast %add3A_620 : i32 to index
          %get3A_622 = arith.constant 48 : index
          %get3A_623 = tpu.vector_load %arg11[%get3A_621, %get3A_622] {strides = array<i32>} : memref<200x128xf32, #tpu.memory_space<vmem>>, vector<1x16xf32>,
          %get3A_624 = vector.shape_cast %get3A_623 : vector<1x16xf32> to vector<16xf32>
          %add3A_625 = arith.addf %add3A_569, %get3A_624 : vector<16xf32>
          %add3A_626 = arith.constant 3 : i32
          %add3A_627 = arith.addi %add3A_430, %add3A_626 : i32
          %get3A_628 = arith.index_cast %add3A_627 : i32 to index
          %get3A_629 = arith.constant 64 : index
          %get3A_630 = tpu.vector_load %arg11[%get3A_628, %get3A_629] {strides = array<i32>} : memref<200x128xf32, #tpu.memory_space<vmem>>, vector<1x16xf32>,
          %get3A_631 = vector.shape_cast %get3A_630 : vector<1x16xf32> to vector<16xf32>
          %add3A_632 = arith.addf %add3A_576, %get3A_631 : vector<16xf32>
          %add3A_633 = arith.constant 3 : i32
          %add3A_634 = arith.addi %add3A_430, %add3A_633 : i32
          %get3A_635 = arith.index_cast %add3A_634 : i32 to index
          %get3A_636 = arith.constant 80 : index
          %get3A_637 = tpu.vector_load %arg11[%get3A_635, %get3A_636] {strides = array<i32>} : memref<200x128xf32, #tpu.memory_space<vmem>>, vector<1x16xf32>,
          %get3A_638 = vector.shape_cast %get3A_637 : vector<1x16xf32> to vector<16xf32>
          %add3A_639 = arith.addf %add3A_583, %get3A_638 : vector<16xf32>
          %add3A_640 = arith.constant 3 : i32
          %add3A_641 = arith.addi %add3A_430, %add3A_640 : i32
          %get3A_642 = arith.index_cast %add3A_641 : i32 to index
          %get3A_643 = arith.constant 96 : index
          %get3A_644 = tpu.vector_load %arg11[%get3A_642, %get3A_643] {strides = array<i32>} : memref<200x128xf32, #tpu.memory_space<vmem>>, vector<1x16xf32>,
          %get3A_645 = vector.shape_cast %get3A_644 : vector<1x16xf32> to vector<16xf32>
          %add3A_646 = arith.addf %add3A_590, %get3A_645 : vector<16xf32>
          %add3A_647 = arith.constant 3 : i32
          %add3A_648 = arith.addi %add3A_430, %add3A_647 : i32
          %get3A_649 = arith.index_cast %add3A_648 : i32 to index
          %get3A_650 = arith.constant 112 : index
          %get3A_651 = tpu.vector_load %arg11[%get3A_649, %get3A_650] {strides = array<i32>} : memref<200x128xf32, #tpu.memory_space<vmem>>, vector<1x16xf32>,
          %get3A_652 = vector.shape_cast %get3A_651 : vector<1x16xf32> to vector<16xf32>
          %add3A_653 = arith.addf %add3A_597, %get3A_652 : vector<16xf32>
          %add3A_654 = arith.constant 4 : i32
          %add3A_655 = arith.addi %add3A_430, %add3A_654 : i32
          %get3A_656 = arith.index_cast %add3A_655 : i32 to index
          %get3A_657 = arith.constant 0 : index
          %get3A_658 = tpu.vector_load %arg11[%get3A_656, %get3A_657] {strides = array<i32>} : memref<200x128xf32, #tpu.memory_space<vmem>>, vector<1x16xf32>,
          %get3A_659 = vector.shape_cast %get3A_658 : vector<1x16xf32> to vector<16xf32>
          %add3A_660 = arith.addf %add3A_604, %get3A_659 : vector<16xf32>
          %add3A_661 = arith.constant 4 : i32
          %add3A_662 = arith.addi %add3A_430, %add3A_661 : i32
          %get3A_663 = arith.index_cast %add3A_662 : i32 to index
          %get3A_664 = arith.constant 16 : index
          %get3A_665 = tpu.vector_load %arg11[%get3A_663, %get3A_664] {strides = array<i32>} : memref<200x128xf32, #tpu.memory_space<vmem>>, vector<1x16xf32>,
          %get3A_666 = vector.shape_cast %get3A_665 : vector<1x16xf32> to vector<16xf32>
          %add3A_667 = arith.addf %add3A_611, %get3A_666 : vector<16xf32>
          %add3A_668 = arith.constant 4 : i32
          %add3A_669 = arith.addi %add3A_430, %add3A_668 : i32
          %get3A_670 = arith.index_cast %add3A_669 : i32 to index
          %get3A_671 = arith.constant 32 : index
          %get3A_672 = tpu.vector_load %arg11[%get3A_670, %get3A_671] {strides = array<i32>} : memref<200x128xf32, #tpu.memory_space<vmem>>, vector<1x16xf32>,
          %get3A_673 = vector.shape_cast %get3A_672 : vector<1x16xf32> to vector<16xf32>
          %add3A_674 = arith.addf %add3A_618, %get3A_673 : vector<16xf32>
          %add3A_675 = arith.constant 4 : i32
          %add3A_676 = arith.addi %add3A_430, %add3A_675 : i32
          %get3A_677 = arith.index_cast %add3A_676 : i32 to index
          %get3A_678 = arith.constant 48 : index
          %get3A_679 = tpu.vector_load %arg11[%get3A_677, %get3A_678] {strides = array<i32>} : memref<200x128xf32, #tpu.memory_space<vmem>>, vector<1x16xf32>,
          %get3A_680 = vector.shape_cast %get3A_679 : vector<1x16xf32> to vector<16xf32>
          %add3A_681 = arith.addf %add3A_625, %get3A_680 : vector<16xf32>
          %add3A_682 = arith.constant 4 : i32
          %add3A_683 = arith.addi %add3A_430, %add3A_682 : i32
          %get3A_684 = arith.index_cast %add3A_683 : i32 to index
          %get3A_685 = arith.constant 64 : index
          %get3A_686 = tpu.vector_load %arg11[%get3A_684, %get3A_685] {strides = array<i32>} : memref<200x128xf32, #tpu.memory_space<vmem>>, vector<1x16xf32>,
          %get3A_687 = vector.shape_cast %get3A_686 : vector<1x16xf32> to vector<16xf32>
          %add3A_688 = arith.addf %add3A_632, %get3A_687 : vector<16xf32>
          %add3A_689 = arith.constant 4 : i32
          %add3A_690 = arith.addi %add3A_430, %add3A_689 : i32
          %get3A_691 = arith.index_cast %add3A_690 : i32 to index
          %get3A_692 = arith.constant 80 : index
          %get3A_693 = tpu.vector_load %arg11[%get3A_691, %get3A_692] {strides = array<i32>} : memref<200x128xf32, #tpu.memory_space<vmem>>, vector<1x16xf32>,
          %get3A_694 = vector.shape_cast %get3A_693 : vector<1x16xf32> to vector<16xf32>
          %add3A_695 = arith.addf %add3A_639, %get3A_694 : vector<16xf32>
          %add3A_696 = arith.constant 4 : i32
          %add3A_697 = arith.addi %add3A_430, %add3A_696 : i32
          %get3A_698 = arith.index_cast %add3A_697 : i32 to index
          %get3A_699 = arith.constant 96 : index
          %get3A_700 = tpu.vector_load %arg11[%get3A_698, %get3A_699] {strides = array<i32>} : memref<200x128xf32, #tpu.memory_space<vmem>>, vector<1x16xf32>,
          %get3A_701 = vector.shape_cast %get3A_700 : vector<1x16xf32> to vector<16xf32>
          %add3A_702 = arith.addf %add3A_646, %get3A_701 : vector<16xf32>
          %add3A_703 = arith.constant 4 : i32
          %add3A_704 = arith.addi %add3A_430, %add3A_703 : i32
          %get3A_705 = arith.index_cast %add3A_704 : i32 to index
          %get3A_706 = arith.constant 112 : index
          %get3A_707 = tpu.vector_load %arg11[%get3A_705, %get3A_706] {strides = array<i32>} : memref<200x128xf32, #tpu.memory_space<vmem>>, vector<1x16xf32>,
          %get3A_708 = vector.shape_cast %get3A_707 : vector<1x16xf32> to vector<16xf32>
          %add3A_709 = arith.addf %add3A_653, %get3A_708 : vector<16xf32>
          scf.yield %add3A_660, %add3A_667, %add3A_674, %add3A_681, %add3A_688, %add3A_695, %add3A_702, %add3A_709 : vector<16xf32>, vector<16xf32>, vector<16xf32>, vector<16xf32>, vector<16xf32>, vector<16xf32>, vector<16xf32>, vector<16xf32>
        }
        %scan3A_378 = arith.constant 10 : i32
        %swap3A = arith.index_cast %scan3A_354 : i32 to index
        %swap3A_379 = arith.constant 0 : index
        %swap3A_380 = tpu.vector_load %arg15[%swap3A, %swap3A_379] {strides = array<i32>} : memref<4x128xf32, #tpu.memory_space<vmem>>, vector<1x16xf32>,
        %swap3A_381 = vector.shape_cast %swap3A_380 : vector<1x16xf32> to vector<16xf32>
        %swap3A_382 = vector.shape_cast %scan3A_377#0 : vector<16xf32> to vector<1x16xf32>
        tpu.vector_store %arg15[%swap3A, %swap3A_379], %swap3A_382 {strides = array<i32>} : memref<4x128xf32, #tpu.memory_space<vmem>>, vector<1x16xf32>,
        %swap3A_383 = arith.index_cast %scan3A_354 : i32 to index
        %swap3A_384 = arith.constant 16 : index
        %swap3A_385 = tpu.vector_load %arg15[%swap3A_383, %swap3A_384] {strides = array<i32>} : memref<4x128xf32, #tpu.memory_space<vmem>>, vector<1x16xf32>,
        %swap3A_386 = vector.shape_cast %swap3A_385 : vector<1x16xf32> to vector<16xf32>
        %swap3A_387 = vector.shape_cast %scan3A_377#1 : vector<16xf32> to vector<1x16xf32>
        tpu.vector_store %arg15[%swap3A_383, %swap3A_384], %swap3A_387 {strides = array<i32>} : memref<4x128xf32, #tpu.memory_space<vmem>>, vector<1x16xf32>,
        %swap3A_388 = arith.index_cast %scan3A_354 : i32 to index
        %swap3A_389 = arith.constant 32 : index
        %swap3A_390 = tpu.vector_load %arg15[%swap3A_388, %swap3A_389] {strides = array<i32>} : memref<4x128xf32, #tpu.memory_space<vmem>>, vector<1x16xf32>,
        %swap3A_391 = vector.shape_cast %swap3A_390 : vector<1x16xf32> to vector<16xf32>
        %swap3A_392 = vector.shape_cast %scan3A_377#2 : vector<16xf32> to vector<1x16xf32>
        tpu.vector_store %arg15[%swap3A_388, %swap3A_389], %swap3A_392 {strides = array<i32>} : memref<4x128xf32, #tpu.memory_space<vmem>>, vector<1x16xf32>,
        %swap3A_393 = arith.index_cast %scan3A_354 : i32 to index
        %swap3A_394 = arith.constant 48 : index
        %swap3A_395 = tpu.vector_load %arg15[%swap3A_393, %swap3A_394] {strides = array<i32>} : memref<4x128xf32, #tpu.memory_space<vmem>>, vector<1x16xf32>,
        %swap3A_396 = vector.shape_cast %swap3A_395 : vector<1x16xf32> to vector<16xf32>
        %swap3A_397 = vector.shape_cast %scan3A_377#3 : vector<16xf32> to vector<1x16xf32>
        tpu.vector_store %arg15[%swap3A_393, %swap3A_394], %swap3A_397 {strides = array<i32>} : memref<4x128xf32, #tpu.memory_space<vmem>>, vector<1x16xf32>,
        %swap3A_398 = arith.index_cast %scan3A_354 : i32 to index
        %swap3A_399 = arith.constant 64 : index
        %swap3A_400 = tpu.vector_load %arg15[%swap3A_398, %swap3A_399] {strides = array<i32>} : memref<4x128xf32, #tpu.memory_space<vmem>>, vector<1x16xf32>,
        %swap3A_401 = vector.shape_cast %swap3A_400 : vector<1x16xf32> to vector<16xf32>
        %swap3A_402 = vector.shape_cast %scan3A_377#4 : vector<16xf32> to vector<1x16xf32>
        tpu.vector_store %arg15[%swap3A_398, %swap3A_399], %swap3A_402 {strides = array<i32>} : memref<4x128xf32, #tpu.memory_space<vmem>>, vector<1x16xf32>,
        %swap3A_403 = arith.index_cast %scan3A_354 : i32 to index
        %swap3A_404 = arith.constant 80 : index
        %swap3A_405 = tpu.vector_load %arg15[%swap3A_403, %swap3A_404] {strides = array<i32>} : memref<4x128xf32, #tpu.memory_space<vmem>>, vector<1x16xf32>,
        %swap3A_406 = vector.shape_cast %swap3A_405 : vector<1x16xf32> to vector<16xf32>
        %swap3A_407 = vector.shape_cast %scan3A_377#5 : vector<16xf32> to vector<1x16xf32>
        tpu.vector_store %arg15[%swap3A_403, %swap3A_404], %swap3A_407 {strides = array<i32>} : memref<4x128xf32, #tpu.memory_space<vmem>>, vector<1x16xf32>,
        %swap3A_408 = arith.index_cast %scan3A_354 : i32 to index
        %swap3A_409 = arith.constant 96 : index
        %swap3A_410 = tpu.vector_load %arg15[%swap3A_408, %swap3A_409] {strides = array<i32>} : memref<4x128xf32, #tpu.memory_space<vmem>>, vector<1x16xf32>,
        %swap3A_411 = vector.shape_cast %swap3A_410 : vector<1x16xf32> to vector<16xf32>
        %swap3A_412 = vector.shape_cast %scan3A_377#6 : vector<16xf32> to vector<1x16xf32>
        tpu.vector_store %arg15[%swap3A_408, %swap3A_409], %swap3A_412 {strides = array<i32>} : memref<4x128xf32, #tpu.memory_space<vmem>>, vector<1x16xf32>,
        %swap3A_413 = arith.index_cast %scan3A_354 : i32 to index
        %swap3A_414 = arith.constant 112 : index
        %swap3A_415 = tpu.vector_load %arg15[%swap3A_413, %swap3A_414] {strides = array<i32>} : memref<4x128xf32, #tpu.memory_space<vmem>>, vector<1x16xf32>,
        %swap3A_416 = vector.shape_cast %swap3A_415 : vector<1x16xf32> to vector<16xf32>
        %swap3A_417 = vector.shape_cast %scan3A_377#7 : vector<16xf32> to vector<1x16xf32>
        tpu.vector_store %arg15[%swap3A_413, %swap3A_414], %swap3A_417 {strides = array<i32>} : memref<4x128xf32, #tpu.memory_space<vmem>>, vector<1x16xf32>,
        %scan3A_418 = arith.constant 0 : i32
        scf.yield %scan3A_418 : i32
      }
      %scan3A_285 = arith.constant 4 : i32
      %add3A_286 = arith.constant 4 : i32
      %add3A_287 = arith.addi %add3A_250, %add3A_286 : i32
      %lt3A_288 = arith.constant 128 : i32
      %lt3A_289 = arith.cmpi slt, %add3A_287, %lt3A_288 : i32
      %convert_element_type3A_290 = arith.extui %lt3A_289 : i1 to i32
      %cond3A_291 = arith.constant 0 : i32
      %cond3A_292 = arith.cmpi ne, %convert_element_type3A_290, %cond3A_291 : i32
      scf.if %cond3A_292 {
        %add3A_354 = arith.constant 4 : i32
        %add3A_355 = arith.addi %add3A_250, %add3A_354 : i32
        %mul3A_356 = arith.constant 4 : i32
        %mul3A_357 = arith.muli %add3A_355, %mul3A_356 : i32
        %add3A_358 = arith.addi %mul3A_2, %mul3A_357 : i32
        %mul3A_359 = arith.constant 50 : i32
        %mul3A_360 = arith.muli %add3A_358, %mul3A_359 : i32
        %dma_wait3A_361 = tpu.memref_slice %arg2[%mul3A_360] : memref<819200xi32, #tpu.memory_space<hbm>> -> memref<200xi32, #tpu.memory_space<hbm>>
        %dma_wait3A_362 = tpu.memref_slice %arg2[%mul3A_360] : memref<819200xi32, #tpu.memory_space<hbm>> -> memref<200xi32, #tpu.memory_space<hbm>>
        tpu.wait_dma2 semaphore(%arg27 : memref<!tpu.dma_semaphore, #tpu.memory_space<semaphore_mem>>) src(%dma_wait3A_362 : memref<200xi32, #tpu.memory_space<hbm>>) dst(%arg7 : memref<200xi32, #tpu.memory_space<vmem>>)
        %dma_start3A_363 = arith.constant 0 : i32
        %dma_start3A_364 = arith.constant 0 : i32
        %dma_start3A_365 = tpu.memref_slice %arg11[%dma_start3A_363, %dma_start3A_364] : memref<200x128xf32, #tpu.memory_space<vmem>> -> memref<104x128xf32, #tpu.memory_space<vmem>>
        %dma_start3A_366 = arith.constant 0 : i32
        %dma_start3A_367 = tpu.memref_slice %arg7[%dma_start3A_366] : memref<200xi32, #tpu.memory_space<vmem>> -> memref<104xi32, #tpu.memory_space<vmem>>
        %dma_start3A_368 = arith.constant 0 : i32
        %dma_start3A_369 = arith.constant 0 : i32
        %dma_start3A_370 = tpu.memref_slice %arg3[%dma_start3A_368, %dma_start3A_369] : memref<100000x128xf32, #tpu.memory_space<hbm>> -> memref<100000x128xf32, #tpu.memory_space<hbm>>
        tpu.enqueue_indirect_dma source(%dma_start3A_370 : memref<100000x128xf32, #tpu.memory_space<hbm>>) target(%dma_start3A_365 : memref<104x128xf32, #tpu.memory_space<vmem>>) offsets(%dma_start3A_367 : memref<104xi32, #tpu.memory_space<vmem>>) semaphore(%arg19 : memref<!tpu.dma_semaphore, #tpu.memory_space<semaphore_mem>>)
        %dma_start3A_371 = arith.constant 104 : i32
        %dma_start3A_372 = arith.constant 0 : i32
        %dma_start3A_373 = tpu.memref_slice %arg11[%dma_start3A_371, %dma_start3A_372] : memref<200x128xf32, #tpu.memory_space<vmem>> -> memref<96x128xf32, #tpu.memory_space<vmem>>
        %dma_start3A_374 = arith.constant 104 : i32
        %dma_start3A_375 = tpu.memref_slice %arg7[%dma_start3A_374] : memref<200xi32, #tpu.memory_space<vmem>> -> memref<96xi32, #tpu.memory_space<vmem>>
        %dma_start3A_376 = arith.constant 0 : i32
        %dma_start3A_377 = arith.constant 0 : i32
        %dma_start3A_378 = tpu.memref_slice %arg3[%dma_start3A_376, %dma_start3A_377] : memref<100000x128xf32, #tpu.memory_space<hbm>> -> memref<100000x128xf32, #tpu.memory_space<hbm>>
        tpu.enqueue_indirect_dma source(%dma_start3A_378 : memref<100000x128xf32, #tpu.memory_space<hbm>>) target(%dma_start3A_373 : memref<96x128xf32, #tpu.memory_space<vmem>>) offsets(%dma_start3A_375 : memref<96xi32, #tpu.memory_space<vmem>>) semaphore(%arg19 : memref<!tpu.dma_semaphore, #tpu.memory_space<semaphore_mem>>)
      } else {
      }
      %mul3A_293 = arith.constant 4 : i32
      %mul3A_294 = arith.muli %add3A_250, %mul3A_293 : i32
      %add3A_295 = arith.addi %mul3A_2, %mul3A_294 : i32
      %dma_start3A_296 = arith.constant 0 : i32
      %dma_start3A_297 = tpu.memref_slice %arg4[%add3A_295, %dma_start3A_296] : memref<16384x128xf32, #tpu.memory_space<hbm>> -> memref<4x128xf32, #tpu.memory_space<hbm>>
      %dma_start3A_298 = arith.constant 0 : i32
      %dma_start3A_299 = tpu.memref_slice %arg4[%add3A_295, %dma_start3A_298] : memref<16384x128xf32, #tpu.memory_space<hbm>> -> memref<4x128xf32, #tpu.memory_space<hbm>>
      tpu.enqueue_dma source(%arg15 : memref<4x128xf32, #tpu.memory_space<vmem>>) target(%dma_start3A_299 : memref<4x128xf32, #tpu.memory_space<hbm>>) target_semaphore(%arg23 : memref<!tpu.dma_semaphore, #tpu.memory_space<semaphore_mem>>)
      %mul3A_300 = arith.constant 4 : i32
      %mul3A_301 = arith.muli %scan3A_143, %mul3A_300 : i32
      %add3A_302 = arith.constant 3 : i32
      %add3A_303 = arith.addi %mul3A_301, %add3A_302 : i32
      %dma_wait3A_304 = arith.constant 0 : i32
      %dma_wait3A_305 = arith.constant 0 : i32
      %dma_wait3A_306 = tpu.memref_slice %arg12[%dma_wait3A_304, %dma_wait3A_305] : memref<200x128xf32, #tpu.memory_space<vmem>> -> memref<104x128xf32, #tpu.memory_space<vmem>>
      %dma_wait3A_307 = arith.constant 0 : i32
      %dma_wait3A_308 = tpu.memref_slice %arg8[%dma_wait3A_307] : memref<200xi32, #tpu.memory_space<vmem>> -> memref<104xi32, #tpu.memory_space<vmem>>
      %dma_wait3A_309 = arith.constant 0 : i32
      %dma_wait3A_310 = arith.constant 0 : i32
      %dma_wait3A_311 = tpu.memref_slice %arg3[%dma_wait3A_309, %dma_wait3A_310] : memref<100000x128xf32, #tpu.memory_space<hbm>> -> memref<100000x128xf32, #tpu.memory_space<hbm>>
      tpu.wait_indirect_dma semaphore(%arg20 : memref<!tpu.dma_semaphore, #tpu.memory_space<semaphore_mem>>) src(%dma_wait3A_311 : memref<100000x128xf32, #tpu.memory_space<hbm>>) dst(%dma_wait3A_306 : memref<104x128xf32, #tpu.memory_space<vmem>>)
      %dma_wait3A_312 = arith.constant 104 : i32
      %dma_wait3A_313 = arith.constant 0 : i32
      %dma_wait3A_314 = tpu.memref_slice %arg12[%dma_wait3A_312, %dma_wait3A_313] : memref<200x128xf32, #tpu.memory_space<vmem>> -> memref<96x128xf32, #tpu.memory_space<vmem>>
      %dma_wait3A_315 = arith.constant 104 : i32
      %dma_wait3A_316 = tpu.memref_slice %arg8[%dma_wait3A_315] : memref<200xi32, #tpu.memory_space<vmem>> -> memref<96xi32, #tpu.memory_space<vmem>>
      %dma_wait3A_317 = arith.constant 0 : i32
      %dma_wait3A_318 = arith.constant 0 : i32
      %dma_wait3A_319 = tpu.memref_slice %arg3[%dma_wait3A_317, %dma_wait3A_318] : memref<100000x128xf32, #tpu.memory_space<hbm>> -> memref<100000x128xf32, #tpu.memory_space<hbm>>
      tpu.wait_indirect_dma semaphore(%arg20 : memref<!tpu.dma_semaphore, #tpu.memory_space<semaphore_mem>>) src(%dma_wait3A_319 : memref<100000x128xf32, #tpu.memory_space<hbm>>) dst(%dma_wait3A_314 : memref<96x128xf32, #tpu.memory_space<vmem>>)
      %add3A_320 = arith.constant 4 : i32
      %add3A_321 = arith.addi %add3A_303, %add3A_320 : i32
      %lt3A_322 = arith.constant 128 : i32
      %lt3A_323 = arith.cmpi slt, %add3A_321, %lt3A_322 : i32
      %convert_element_type3A_324 = arith.extui %lt3A_323 : i1 to i32
      %cond3A_325 = arith.constant 0 : i32
      %cond3A_326 = arith.cmpi ne, %convert_element_type3A_324, %cond3A_325 : i32
      scf.if %cond3A_326 {
        %add3A_354 = arith.constant 4 : i32
        %add3A_355 = arith.addi %add3A_303, %add3A_354 : i32
        %mul3A_356 = arith.constant 4 : i32
        %mul3A_357 = arith.muli %add3A_355, %mul3A_356 : i32
        %add3A_358 = arith.addi %mul3A_2, %mul3A_357 : i32
        %mul3A_359 = arith.constant 50 : i32
        %mul3A_360 = arith.muli %add3A_358, %mul3A_359 : i32
        %dma_start3A_361 = tpu.memref_slice %arg2[%mul3A_360] : memref<819200xi32, #tpu.memory_space<hbm>> -> memref<200xi32, #tpu.memory_space<hbm>>
        %dma_start3A_362 = tpu.memref_slice %arg2[%mul3A_360] : memref<819200xi32, #tpu.memory_space<hbm>> -> memref<200xi32, #tpu.memory_space<hbm>>
        tpu.enqueue_dma source(%dma_start3A_362 : memref<200xi32, #tpu.memory_space<hbm>>) target(%arg8 : memref<200xi32, #tpu.memory_space<vmem>>) target_semaphore(%arg28 : memref<!tpu.dma_semaphore, #tpu.memory_space<semaphore_mem>>)
      } else {
      }
      %ge3A_327 = arith.constant 4 : i32
      %ge3A_328 = arith.cmpi sge, %add3A_303, %ge3A_327 : i32
      %convert_element_type3A_329 = arith.extui %ge3A_328 : i1 to i32
      %cond3A_330 = arith.constant 0 : i32
      %cond3A_331 = arith.cmpi ne, %convert_element_type3A_329, %cond3A_330 : i32
      scf.if %cond3A_331 {
        %sub3A = arith.constant 4 : i32
        %sub3A_354 = arith.subi %add3A_303, %sub3A : i32
        %mul3A_355 = arith.constant 4 : i32
        %mul3A_356 = arith.muli %sub3A_354, %mul3A_355 : i32
        %add3A_357 = arith.addi %mul3A_2, %mul3A_356 : i32
        %dma_wait3A_358 = arith.constant 0 : i32
        %dma_wait3A_359 = tpu.memref_slice %arg4[%add3A_357, %dma_wait3A_358] : memref<16384x128xf32, #tpu.memory_space<hbm>> -> memref<4x128xf32, #tpu.memory_space<hbm>>
        %dma_wait3A_360 = arith.constant 0 : i32
        %dma_wait3A_361 = tpu.memref_slice %arg4[%add3A_357, %dma_wait3A_360] : memref<16384x128xf32, #tpu.memory_space<hbm>> -> memref<4x128xf32, #tpu.memory_space<hbm>>
        tpu.wait_dma2 semaphore(%arg24 : memref<!tpu.dma_semaphore, #tpu.memory_space<semaphore_mem>>) src(%arg16 : memref<4x128xf32, #tpu.memory_space<vmem>>) dst(%dma_wait3A_361 : memref<4x128xf32, #tpu.memory_space<hbm>>)
      } else {
      }
      %scan3A_332 = arith.constant 0 : i32
      %scan3A_333 = arith.constant 0 : i32
      %scan3A_334 = arith.constant 4 : i32
      %scan3A_335 = arith.addi %scan3A_333, %scan3A_334 : i32
      %scan3A_336 = arith.constant 1 : i32
      %scan3A_337 = scf.for %scan3A_354 = %scan3A_333 to %scan3A_335 step %scan3A_336 iter_args(%scan3A_355 = %scan3A_332) -> (i32)  : i32 {
        %mul3A_356 = arith.constant 50 : i32
        %mul3A_357 = arith.muli %scan3A_354, %mul3A_356 : i32
        %broadcast_in_dim3A = arith.constant 0.000000e+00 : f32
        %broadcast_in_dim3A_358 = vector.broadcast %broadcast_in_dim3A : f32 to vector<16xf32>
        %broadcast_in_dim3A_359 = arith.constant 0.000000e+00 : f32
        %broadcast_in_dim3A_360 = vector.broadcast %broadcast_in_dim3A_359 : f32 to vector<16xf32>
        %broadcast_in_dim3A_361 = arith.constant 0.000000e+00 : f32
        %broadcast_in_dim3A_362 = vector.broadcast %broadcast_in_dim3A_361 : f32 to vector<16xf32>
        %broadcast_in_dim3A_363 = arith.constant 0.000000e+00 : f32
        %broadcast_in_dim3A_364 = vector.broadcast %broadcast_in_dim3A_363 : f32 to vector<16xf32>
        %broadcast_in_dim3A_365 = arith.constant 0.000000e+00 : f32
        %broadcast_in_dim3A_366 = vector.broadcast %broadcast_in_dim3A_365 : f32 to vector<16xf32>
        %broadcast_in_dim3A_367 = arith.constant 0.000000e+00 : f32
        %broadcast_in_dim3A_368 = vector.broadcast %broadcast_in_dim3A_367 : f32 to vector<16xf32>
        %broadcast_in_dim3A_369 = arith.constant 0.000000e+00 : f32
        %broadcast_in_dim3A_370 = vector.broadcast %broadcast_in_dim3A_369 : f32 to vector<16xf32>
        %broadcast_in_dim3A_371 = arith.constant 0.000000e+00 : f32
        %broadcast_in_dim3A_372 = vector.broadcast %broadcast_in_dim3A_371 : f32 to vector<16xf32>
        %scan3A_373 = arith.constant 0 : i32
        %scan3A_374 = arith.constant 10 : i32
        %scan3A_375 = arith.addi %scan3A_373, %scan3A_374 : i32
        %scan3A_376 = arith.constant 1 : i32
        %scan3A_377:8 = scf.for %scan3A_419 = %scan3A_373 to %scan3A_375 step %scan3A_376 iter_args(%scan3A_420 = %broadcast_in_dim3A_358, %scan3A_421 = %broadcast_in_dim3A_360, %scan3A_422 = %broadcast_in_dim3A_362, %scan3A_423 = %broadcast_in_dim3A_364, %scan3A_424 = %broadcast_in_dim3A_366, %scan3A_425 = %broadcast_in_dim3A_368, %scan3A_426 = %broadcast_in_dim3A_370, %scan3A_427 = %broadcast_in_dim3A_372) -> (vector<16xf32>, vector<16xf32>, vector<16xf32>, vector<16xf32>, vector<16xf32>, vector<16xf32>, vector<16xf32>, vector<16xf32>)  : i32 {
          %mul3A_428 = arith.constant 5 : i32
          %mul3A_429 = arith.muli %mul3A_428, %scan3A_419 : i32
          %add3A_430 = arith.addi %mul3A_357, %mul3A_429 : i32
          %add3A_431 = arith.constant 0 : i32
          %add3A_432 = arith.addi %add3A_430, %add3A_431 : i32
          %get3A = arith.index_cast %add3A_432 : i32 to index
          %get3A_433 = arith.constant 0 : index
          %get3A_434 = tpu.vector_load %arg12[%get3A, %get3A_433] {strides = array<i32>} : memref<200x128xf32, #tpu.memory_space<vmem>>, vector<1x16xf32>,
          %get3A_435 = vector.shape_cast %get3A_434 : vector<1x16xf32> to vector<16xf32>
          %add3A_436 = arith.addf %scan3A_420, %get3A_435 : vector<16xf32>
          %add3A_437 = arith.constant 0 : i32
          %add3A_438 = arith.addi %add3A_430, %add3A_437 : i32
          %get3A_439 = arith.index_cast %add3A_438 : i32 to index
          %get3A_440 = arith.constant 16 : index
          %get3A_441 = tpu.vector_load %arg12[%get3A_439, %get3A_440] {strides = array<i32>} : memref<200x128xf32, #tpu.memory_space<vmem>>, vector<1x16xf32>,
          %get3A_442 = vector.shape_cast %get3A_441 : vector<1x16xf32> to vector<16xf32>
          %add3A_443 = arith.addf %scan3A_421, %get3A_442 : vector<16xf32>
          %add3A_444 = arith.constant 0 : i32
          %add3A_445 = arith.addi %add3A_430, %add3A_444 : i32
          %get3A_446 = arith.index_cast %add3A_445 : i32 to index
          %get3A_447 = arith.constant 32 : index
          %get3A_448 = tpu.vector_load %arg12[%get3A_446, %get3A_447] {strides = array<i32>} : memref<200x128xf32, #tpu.memory_space<vmem>>, vector<1x16xf32>,
          %get3A_449 = vector.shape_cast %get3A_448 : vector<1x16xf32> to vector<16xf32>
          %add3A_450 = arith.addf %scan3A_422, %get3A_449 : vector<16xf32>
          %add3A_451 = arith.constant 0 : i32
          %add3A_452 = arith.addi %add3A_430, %add3A_451 : i32
          %get3A_453 = arith.index_cast %add3A_452 : i32 to index
          %get3A_454 = arith.constant 48 : index
          %get3A_455 = tpu.vector_load %arg12[%get3A_453, %get3A_454] {strides = array<i32>} : memref<200x128xf32, #tpu.memory_space<vmem>>, vector<1x16xf32>,
          %get3A_456 = vector.shape_cast %get3A_455 : vector<1x16xf32> to vector<16xf32>
          %add3A_457 = arith.addf %scan3A_423, %get3A_456 : vector<16xf32>
          %add3A_458 = arith.constant 0 : i32
          %add3A_459 = arith.addi %add3A_430, %add3A_458 : i32
          %get3A_460 = arith.index_cast %add3A_459 : i32 to index
          %get3A_461 = arith.constant 64 : index
          %get3A_462 = tpu.vector_load %arg12[%get3A_460, %get3A_461] {strides = array<i32>} : memref<200x128xf32, #tpu.memory_space<vmem>>, vector<1x16xf32>,
          %get3A_463 = vector.shape_cast %get3A_462 : vector<1x16xf32> to vector<16xf32>
          %add3A_464 = arith.addf %scan3A_424, %get3A_463 : vector<16xf32>
          %add3A_465 = arith.constant 0 : i32
          %add3A_466 = arith.addi %add3A_430, %add3A_465 : i32
          %get3A_467 = arith.index_cast %add3A_466 : i32 to index
          %get3A_468 = arith.constant 80 : index
          %get3A_469 = tpu.vector_load %arg12[%get3A_467, %get3A_468] {strides = array<i32>} : memref<200x128xf32, #tpu.memory_space<vmem>>, vector<1x16xf32>,
          %get3A_470 = vector.shape_cast %get3A_469 : vector<1x16xf32> to vector<16xf32>
          %add3A_471 = arith.addf %scan3A_425, %get3A_470 : vector<16xf32>
          %add3A_472 = arith.constant 0 : i32
          %add3A_473 = arith.addi %add3A_430, %add3A_472 : i32
          %get3A_474 = arith.index_cast %add3A_473 : i32 to index
          %get3A_475 = arith.constant 96 : index
          %get3A_476 = tpu.vector_load %arg12[%get3A_474, %get3A_475] {strides = array<i32>} : memref<200x128xf32, #tpu.memory_space<vmem>>, vector<1x16xf32>,
          %get3A_477 = vector.shape_cast %get3A_476 : vector<1x16xf32> to vector<16xf32>
          %add3A_478 = arith.addf %scan3A_426, %get3A_477 : vector<16xf32>
          %add3A_479 = arith.constant 0 : i32
          %add3A_480 = arith.addi %add3A_430, %add3A_479 : i32
          %get3A_481 = arith.index_cast %add3A_480 : i32 to index
          %get3A_482 = arith.constant 112 : index
          %get3A_483 = tpu.vector_load %arg12[%get3A_481, %get3A_482] {strides = array<i32>} : memref<200x128xf32, #tpu.memory_space<vmem>>, vector<1x16xf32>,
          %get3A_484 = vector.shape_cast %get3A_483 : vector<1x16xf32> to vector<16xf32>
          %add3A_485 = arith.addf %scan3A_427, %get3A_484 : vector<16xf32>
          %add3A_486 = arith.constant 1 : i32
          %add3A_487 = arith.addi %add3A_430, %add3A_486 : i32
          %get3A_488 = arith.index_cast %add3A_487 : i32 to index
          %get3A_489 = arith.constant 0 : index
          %get3A_490 = tpu.vector_load %arg12[%get3A_488, %get3A_489] {strides = array<i32>} : memref<200x128xf32, #tpu.memory_space<vmem>>, vector<1x16xf32>,
          %get3A_491 = vector.shape_cast %get3A_490 : vector<1x16xf32> to vector<16xf32>
          %add3A_492 = arith.addf %add3A_436, %get3A_491 : vector<16xf32>
          %add3A_493 = arith.constant 1 : i32
          %add3A_494 = arith.addi %add3A_430, %add3A_493 : i32
          %get3A_495 = arith.index_cast %add3A_494 : i32 to index
          %get3A_496 = arith.constant 16 : index
          %get3A_497 = tpu.vector_load %arg12[%get3A_495, %get3A_496] {strides = array<i32>} : memref<200x128xf32, #tpu.memory_space<vmem>>, vector<1x16xf32>,
          %get3A_498 = vector.shape_cast %get3A_497 : vector<1x16xf32> to vector<16xf32>
          %add3A_499 = arith.addf %add3A_443, %get3A_498 : vector<16xf32>
          %add3A_500 = arith.constant 1 : i32
          %add3A_501 = arith.addi %add3A_430, %add3A_500 : i32
          %get3A_502 = arith.index_cast %add3A_501 : i32 to index
          %get3A_503 = arith.constant 32 : index
          %get3A_504 = tpu.vector_load %arg12[%get3A_502, %get3A_503] {strides = array<i32>} : memref<200x128xf32, #tpu.memory_space<vmem>>, vector<1x16xf32>,
          %get3A_505 = vector.shape_cast %get3A_504 : vector<1x16xf32> to vector<16xf32>
          %add3A_506 = arith.addf %add3A_450, %get3A_505 : vector<16xf32>
          %add3A_507 = arith.constant 1 : i32
          %add3A_508 = arith.addi %add3A_430, %add3A_507 : i32
          %get3A_509 = arith.index_cast %add3A_508 : i32 to index
          %get3A_510 = arith.constant 48 : index
          %get3A_511 = tpu.vector_load %arg12[%get3A_509, %get3A_510] {strides = array<i32>} : memref<200x128xf32, #tpu.memory_space<vmem>>, vector<1x16xf32>,
          %get3A_512 = vector.shape_cast %get3A_511 : vector<1x16xf32> to vector<16xf32>
          %add3A_513 = arith.addf %add3A_457, %get3A_512 : vector<16xf32>
          %add3A_514 = arith.constant 1 : i32
          %add3A_515 = arith.addi %add3A_430, %add3A_514 : i32
          %get3A_516 = arith.index_cast %add3A_515 : i32 to index
          %get3A_517 = arith.constant 64 : index
          %get3A_518 = tpu.vector_load %arg12[%get3A_516, %get3A_517] {strides = array<i32>} : memref<200x128xf32, #tpu.memory_space<vmem>>, vector<1x16xf32>,
          %get3A_519 = vector.shape_cast %get3A_518 : vector<1x16xf32> to vector<16xf32>
          %add3A_520 = arith.addf %add3A_464, %get3A_519 : vector<16xf32>
          %add3A_521 = arith.constant 1 : i32
          %add3A_522 = arith.addi %add3A_430, %add3A_521 : i32
          %get3A_523 = arith.index_cast %add3A_522 : i32 to index
          %get3A_524 = arith.constant 80 : index
          %get3A_525 = tpu.vector_load %arg12[%get3A_523, %get3A_524] {strides = array<i32>} : memref<200x128xf32, #tpu.memory_space<vmem>>, vector<1x16xf32>,
          %get3A_526 = vector.shape_cast %get3A_525 : vector<1x16xf32> to vector<16xf32>
          %add3A_527 = arith.addf %add3A_471, %get3A_526 : vector<16xf32>
          %add3A_528 = arith.constant 1 : i32
          %add3A_529 = arith.addi %add3A_430, %add3A_528 : i32
          %get3A_530 = arith.index_cast %add3A_529 : i32 to index
          %get3A_531 = arith.constant 96 : index
          %get3A_532 = tpu.vector_load %arg12[%get3A_530, %get3A_531] {strides = array<i32>} : memref<200x128xf32, #tpu.memory_space<vmem>>, vector<1x16xf32>,
          %get3A_533 = vector.shape_cast %get3A_532 : vector<1x16xf32> to vector<16xf32>
          %add3A_534 = arith.addf %add3A_478, %get3A_533 : vector<16xf32>
          %add3A_535 = arith.constant 1 : i32
          %add3A_536 = arith.addi %add3A_430, %add3A_535 : i32
          %get3A_537 = arith.index_cast %add3A_536 : i32 to index
          %get3A_538 = arith.constant 112 : index
          %get3A_539 = tpu.vector_load %arg12[%get3A_537, %get3A_538] {strides = array<i32>} : memref<200x128xf32, #tpu.memory_space<vmem>>, vector<1x16xf32>,
          %get3A_540 = vector.shape_cast %get3A_539 : vector<1x16xf32> to vector<16xf32>
          %add3A_541 = arith.addf %add3A_485, %get3A_540 : vector<16xf32>
          %add3A_542 = arith.constant 2 : i32
          %add3A_543 = arith.addi %add3A_430, %add3A_542 : i32
          %get3A_544 = arith.index_cast %add3A_543 : i32 to index
          %get3A_545 = arith.constant 0 : index
          %get3A_546 = tpu.vector_load %arg12[%get3A_544, %get3A_545] {strides = array<i32>} : memref<200x128xf32, #tpu.memory_space<vmem>>, vector<1x16xf32>,
          %get3A_547 = vector.shape_cast %get3A_546 : vector<1x16xf32> to vector<16xf32>
          %add3A_548 = arith.addf %add3A_492, %get3A_547 : vector<16xf32>
          %add3A_549 = arith.constant 2 : i32
          %add3A_550 = arith.addi %add3A_430, %add3A_549 : i32
          %get3A_551 = arith.index_cast %add3A_550 : i32 to index
          %get3A_552 = arith.constant 16 : index
          %get3A_553 = tpu.vector_load %arg12[%get3A_551, %get3A_552] {strides = array<i32>} : memref<200x128xf32, #tpu.memory_space<vmem>>, vector<1x16xf32>,
          %get3A_554 = vector.shape_cast %get3A_553 : vector<1x16xf32> to vector<16xf32>
          %add3A_555 = arith.addf %add3A_499, %get3A_554 : vector<16xf32>
          %add3A_556 = arith.constant 2 : i32
          %add3A_557 = arith.addi %add3A_430, %add3A_556 : i32
          %get3A_558 = arith.index_cast %add3A_557 : i32 to index
          %get3A_559 = arith.constant 32 : index
          %get3A_560 = tpu.vector_load %arg12[%get3A_558, %get3A_559] {strides = array<i32>} : memref<200x128xf32, #tpu.memory_space<vmem>>, vector<1x16xf32>,
          %get3A_561 = vector.shape_cast %get3A_560 : vector<1x16xf32> to vector<16xf32>
          %add3A_562 = arith.addf %add3A_506, %get3A_561 : vector<16xf32>
          %add3A_563 = arith.constant 2 : i32
          %add3A_564 = arith.addi %add3A_430, %add3A_563 : i32
          %get3A_565 = arith.index_cast %add3A_564 : i32 to index
          %get3A_566 = arith.constant 48 : index
          %get3A_567 = tpu.vector_load %arg12[%get3A_565, %get3A_566] {strides = array<i32>} : memref<200x128xf32, #tpu.memory_space<vmem>>, vector<1x16xf32>,
          %get3A_568 = vector.shape_cast %get3A_567 : vector<1x16xf32> to vector<16xf32>
          %add3A_569 = arith.addf %add3A_513, %get3A_568 : vector<16xf32>
          %add3A_570 = arith.constant 2 : i32
          %add3A_571 = arith.addi %add3A_430, %add3A_570 : i32
          %get3A_572 = arith.index_cast %add3A_571 : i32 to index
          %get3A_573 = arith.constant 64 : index
          %get3A_574 = tpu.vector_load %arg12[%get3A_572, %get3A_573] {strides = array<i32>} : memref<200x128xf32, #tpu.memory_space<vmem>>, vector<1x16xf32>,
          %get3A_575 = vector.shape_cast %get3A_574 : vector<1x16xf32> to vector<16xf32>
          %add3A_576 = arith.addf %add3A_520, %get3A_575 : vector<16xf32>
          %add3A_577 = arith.constant 2 : i32
          %add3A_578 = arith.addi %add3A_430, %add3A_577 : i32
          %get3A_579 = arith.index_cast %add3A_578 : i32 to index
          %get3A_580 = arith.constant 80 : index
          %get3A_581 = tpu.vector_load %arg12[%get3A_579, %get3A_580] {strides = array<i32>} : memref<200x128xf32, #tpu.memory_space<vmem>>, vector<1x16xf32>,
          %get3A_582 = vector.shape_cast %get3A_581 : vector<1x16xf32> to vector<16xf32>
          %add3A_583 = arith.addf %add3A_527, %get3A_582 : vector<16xf32>
          %add3A_584 = arith.constant 2 : i32
          %add3A_585 = arith.addi %add3A_430, %add3A_584 : i32
          %get3A_586 = arith.index_cast %add3A_585 : i32 to index
          %get3A_587 = arith.constant 96 : index
          %get3A_588 = tpu.vector_load %arg12[%get3A_586, %get3A_587] {strides = array<i32>} : memref<200x128xf32, #tpu.memory_space<vmem>>, vector<1x16xf32>,
          %get3A_589 = vector.shape_cast %get3A_588 : vector<1x16xf32> to vector<16xf32>
          %add3A_590 = arith.addf %add3A_534, %get3A_589 : vector<16xf32>
          %add3A_591 = arith.constant 2 : i32
          %add3A_592 = arith.addi %add3A_430, %add3A_591 : i32
          %get3A_593 = arith.index_cast %add3A_592 : i32 to index
          %get3A_594 = arith.constant 112 : index
          %get3A_595 = tpu.vector_load %arg12[%get3A_593, %get3A_594] {strides = array<i32>} : memref<200x128xf32, #tpu.memory_space<vmem>>, vector<1x16xf32>,
          %get3A_596 = vector.shape_cast %get3A_595 : vector<1x16xf32> to vector<16xf32>
          %add3A_597 = arith.addf %add3A_541, %get3A_596 : vector<16xf32>
          %add3A_598 = arith.constant 3 : i32
          %add3A_599 = arith.addi %add3A_430, %add3A_598 : i32
          %get3A_600 = arith.index_cast %add3A_599 : i32 to index
          %get3A_601 = arith.constant 0 : index
          %get3A_602 = tpu.vector_load %arg12[%get3A_600, %get3A_601] {strides = array<i32>} : memref<200x128xf32, #tpu.memory_space<vmem>>, vector<1x16xf32>,
          %get3A_603 = vector.shape_cast %get3A_602 : vector<1x16xf32> to vector<16xf32>
          %add3A_604 = arith.addf %add3A_548, %get3A_603 : vector<16xf32>
          %add3A_605 = arith.constant 3 : i32
          %add3A_606 = arith.addi %add3A_430, %add3A_605 : i32
          %get3A_607 = arith.index_cast %add3A_606 : i32 to index
          %get3A_608 = arith.constant 16 : index
          %get3A_609 = tpu.vector_load %arg12[%get3A_607, %get3A_608] {strides = array<i32>} : memref<200x128xf32, #tpu.memory_space<vmem>>, vector<1x16xf32>,
          %get3A_610 = vector.shape_cast %get3A_609 : vector<1x16xf32> to vector<16xf32>
          %add3A_611 = arith.addf %add3A_555, %get3A_610 : vector<16xf32>
          %add3A_612 = arith.constant 3 : i32
          %add3A_613 = arith.addi %add3A_430, %add3A_612 : i32
          %get3A_614 = arith.index_cast %add3A_613 : i32 to index
          %get3A_615 = arith.constant 32 : index
          %get3A_616 = tpu.vector_load %arg12[%get3A_614, %get3A_615] {strides = array<i32>} : memref<200x128xf32, #tpu.memory_space<vmem>>, vector<1x16xf32>,
          %get3A_617 = vector.shape_cast %get3A_616 : vector<1x16xf32> to vector<16xf32>
          %add3A_618 = arith.addf %add3A_562, %get3A_617 : vector<16xf32>
          %add3A_619 = arith.constant 3 : i32
          %add3A_620 = arith.addi %add3A_430, %add3A_619 : i32
          %get3A_621 = arith.index_cast %add3A_620 : i32 to index
          %get3A_622 = arith.constant 48 : index
          %get3A_623 = tpu.vector_load %arg12[%get3A_621, %get3A_622] {strides = array<i32>} : memref<200x128xf32, #tpu.memory_space<vmem>>, vector<1x16xf32>,
          %get3A_624 = vector.shape_cast %get3A_623 : vector<1x16xf32> to vector<16xf32>
          %add3A_625 = arith.addf %add3A_569, %get3A_624 : vector<16xf32>
          %add3A_626 = arith.constant 3 : i32
          %add3A_627 = arith.addi %add3A_430, %add3A_626 : i32
          %get3A_628 = arith.index_cast %add3A_627 : i32 to index
          %get3A_629 = arith.constant 64 : index
          %get3A_630 = tpu.vector_load %arg12[%get3A_628, %get3A_629] {strides = array<i32>} : memref<200x128xf32, #tpu.memory_space<vmem>>, vector<1x16xf32>,
          %get3A_631 = vector.shape_cast %get3A_630 : vector<1x16xf32> to vector<16xf32>
          %add3A_632 = arith.addf %add3A_576, %get3A_631 : vector<16xf32>
          %add3A_633 = arith.constant 3 : i32
          %add3A_634 = arith.addi %add3A_430, %add3A_633 : i32
          %get3A_635 = arith.index_cast %add3A_634 : i32 to index
          %get3A_636 = arith.constant 80 : index
          %get3A_637 = tpu.vector_load %arg12[%get3A_635, %get3A_636] {strides = array<i32>} : memref<200x128xf32, #tpu.memory_space<vmem>>, vector<1x16xf32>,
          %get3A_638 = vector.shape_cast %get3A_637 : vector<1x16xf32> to vector<16xf32>
          %add3A_639 = arith.addf %add3A_583, %get3A_638 : vector<16xf32>
          %add3A_640 = arith.constant 3 : i32
          %add3A_641 = arith.addi %add3A_430, %add3A_640 : i32
          %get3A_642 = arith.index_cast %add3A_641 : i32 to index
          %get3A_643 = arith.constant 96 : index
          %get3A_644 = tpu.vector_load %arg12[%get3A_642, %get3A_643] {strides = array<i32>} : memref<200x128xf32, #tpu.memory_space<vmem>>, vector<1x16xf32>,
          %get3A_645 = vector.shape_cast %get3A_644 : vector<1x16xf32> to vector<16xf32>
          %add3A_646 = arith.addf %add3A_590, %get3A_645 : vector<16xf32>
          %add3A_647 = arith.constant 3 : i32
          %add3A_648 = arith.addi %add3A_430, %add3A_647 : i32
          %get3A_649 = arith.index_cast %add3A_648 : i32 to index
          %get3A_650 = arith.constant 112 : index
          %get3A_651 = tpu.vector_load %arg12[%get3A_649, %get3A_650] {strides = array<i32>} : memref<200x128xf32, #tpu.memory_space<vmem>>, vector<1x16xf32>,
          %get3A_652 = vector.shape_cast %get3A_651 : vector<1x16xf32> to vector<16xf32>
          %add3A_653 = arith.addf %add3A_597, %get3A_652 : vector<16xf32>
          %add3A_654 = arith.constant 4 : i32
          %add3A_655 = arith.addi %add3A_430, %add3A_654 : i32
          %get3A_656 = arith.index_cast %add3A_655 : i32 to index
          %get3A_657 = arith.constant 0 : index
          %get3A_658 = tpu.vector_load %arg12[%get3A_656, %get3A_657] {strides = array<i32>} : memref<200x128xf32, #tpu.memory_space<vmem>>, vector<1x16xf32>,
          %get3A_659 = vector.shape_cast %get3A_658 : vector<1x16xf32> to vector<16xf32>
          %add3A_660 = arith.addf %add3A_604, %get3A_659 : vector<16xf32>
          %add3A_661 = arith.constant 4 : i32
          %add3A_662 = arith.addi %add3A_430, %add3A_661 : i32
          %get3A_663 = arith.index_cast %add3A_662 : i32 to index
          %get3A_664 = arith.constant 16 : index
          %get3A_665 = tpu.vector_load %arg12[%get3A_663, %get3A_664] {strides = array<i32>} : memref<200x128xf32, #tpu.memory_space<vmem>>, vector<1x16xf32>,
          %get3A_666 = vector.shape_cast %get3A_665 : vector<1x16xf32> to vector<16xf32>
          %add3A_667 = arith.addf %add3A_611, %get3A_666 : vector<16xf32>
          %add3A_668 = arith.constant 4 : i32
          %add3A_669 = arith.addi %add3A_430, %add3A_668 : i32
          %get3A_670 = arith.index_cast %add3A_669 : i32 to index
          %get3A_671 = arith.constant 32 : index
          %get3A_672 = tpu.vector_load %arg12[%get3A_670, %get3A_671] {strides = array<i32>} : memref<200x128xf32, #tpu.memory_space<vmem>>, vector<1x16xf32>,
          %get3A_673 = vector.shape_cast %get3A_672 : vector<1x16xf32> to vector<16xf32>
          %add3A_674 = arith.addf %add3A_618, %get3A_673 : vector<16xf32>
          %add3A_675 = arith.constant 4 : i32
          %add3A_676 = arith.addi %add3A_430, %add3A_675 : i32
          %get3A_677 = arith.index_cast %add3A_676 : i32 to index
          %get3A_678 = arith.constant 48 : index
          %get3A_679 = tpu.vector_load %arg12[%get3A_677, %get3A_678] {strides = array<i32>} : memref<200x128xf32, #tpu.memory_space<vmem>>, vector<1x16xf32>,
          %get3A_680 = vector.shape_cast %get3A_679 : vector<1x16xf32> to vector<16xf32>
          %add3A_681 = arith.addf %add3A_625, %get3A_680 : vector<16xf32>
          %add3A_682 = arith.constant 4 : i32
          %add3A_683 = arith.addi %add3A_430, %add3A_682 : i32
          %get3A_684 = arith.index_cast %add3A_683 : i32 to index
          %get3A_685 = arith.constant 64 : index
          %get3A_686 = tpu.vector_load %arg12[%get3A_684, %get3A_685] {strides = array<i32>} : memref<200x128xf32, #tpu.memory_space<vmem>>, vector<1x16xf32>,
          %get3A_687 = vector.shape_cast %get3A_686 : vector<1x16xf32> to vector<16xf32>
          %add3A_688 = arith.addf %add3A_632, %get3A_687 : vector<16xf32>
          %add3A_689 = arith.constant 4 : i32
          %add3A_690 = arith.addi %add3A_430, %add3A_689 : i32
          %get3A_691 = arith.index_cast %add3A_690 : i32 to index
          %get3A_692 = arith.constant 80 : index
          %get3A_693 = tpu.vector_load %arg12[%get3A_691, %get3A_692] {strides = array<i32>} : memref<200x128xf32, #tpu.memory_space<vmem>>, vector<1x16xf32>,
          %get3A_694 = vector.shape_cast %get3A_693 : vector<1x16xf32> to vector<16xf32>
          %add3A_695 = arith.addf %add3A_639, %get3A_694 : vector<16xf32>
          %add3A_696 = arith.constant 4 : i32
          %add3A_697 = arith.addi %add3A_430, %add3A_696 : i32
          %get3A_698 = arith.index_cast %add3A_697 : i32 to index
          %get3A_699 = arith.constant 96 : index
          %get3A_700 = tpu.vector_load %arg12[%get3A_698, %get3A_699] {strides = array<i32>} : memref<200x128xf32, #tpu.memory_space<vmem>>, vector<1x16xf32>,
          %get3A_701 = vector.shape_cast %get3A_700 : vector<1x16xf32> to vector<16xf32>
          %add3A_702 = arith.addf %add3A_646, %get3A_701 : vector<16xf32>
          %add3A_703 = arith.constant 4 : i32
          %add3A_704 = arith.addi %add3A_430, %add3A_703 : i32
          %get3A_705 = arith.index_cast %add3A_704 : i32 to index
          %get3A_706 = arith.constant 112 : index
          %get3A_707 = tpu.vector_load %arg12[%get3A_705, %get3A_706] {strides = array<i32>} : memref<200x128xf32, #tpu.memory_space<vmem>>, vector<1x16xf32>,
          %get3A_708 = vector.shape_cast %get3A_707 : vector<1x16xf32> to vector<16xf32>
          %add3A_709 = arith.addf %add3A_653, %get3A_708 : vector<16xf32>
          scf.yield %add3A_660, %add3A_667, %add3A_674, %add3A_681, %add3A_688, %add3A_695, %add3A_702, %add3A_709 : vector<16xf32>, vector<16xf32>, vector<16xf32>, vector<16xf32>, vector<16xf32>, vector<16xf32>, vector<16xf32>, vector<16xf32>
        }
        %scan3A_378 = arith.constant 10 : i32
        %swap3A = arith.index_cast %scan3A_354 : i32 to index
        %swap3A_379 = arith.constant 0 : index
        %swap3A_380 = tpu.vector_load %arg16[%swap3A, %swap3A_379] {strides = array<i32>} : memref<4x128xf32, #tpu.memory_space<vmem>>, vector<1x16xf32>,
        %swap3A_381 = vector.shape_cast %swap3A_380 : vector<1x16xf32> to vector<16xf32>
        %swap3A_382 = vector.shape_cast %scan3A_377#0 : vector<16xf32> to vector<1x16xf32>
        tpu.vector_store %arg16[%swap3A, %swap3A_379], %swap3A_382 {strides = array<i32>} : memref<4x128xf32, #tpu.memory_space<vmem>>, vector<1x16xf32>,
        %swap3A_383 = arith.index_cast %scan3A_354 : i32 to index
        %swap3A_384 = arith.constant 16 : index
        %swap3A_385 = tpu.vector_load %arg16[%swap3A_383, %swap3A_384] {strides = array<i32>} : memref<4x128xf32, #tpu.memory_space<vmem>>, vector<1x16xf32>,
        %swap3A_386 = vector.shape_cast %swap3A_385 : vector<1x16xf32> to vector<16xf32>
        %swap3A_387 = vector.shape_cast %scan3A_377#1 : vector<16xf32> to vector<1x16xf32>
        tpu.vector_store %arg16[%swap3A_383, %swap3A_384], %swap3A_387 {strides = array<i32>} : memref<4x128xf32, #tpu.memory_space<vmem>>, vector<1x16xf32>,
        %swap3A_388 = arith.index_cast %scan3A_354 : i32 to index
        %swap3A_389 = arith.constant 32 : index
        %swap3A_390 = tpu.vector_load %arg16[%swap3A_388, %swap3A_389] {strides = array<i32>} : memref<4x128xf32, #tpu.memory_space<vmem>>, vector<1x16xf32>,
        %swap3A_391 = vector.shape_cast %swap3A_390 : vector<1x16xf32> to vector<16xf32>
        %swap3A_392 = vector.shape_cast %scan3A_377#2 : vector<16xf32> to vector<1x16xf32>
        tpu.vector_store %arg16[%swap3A_388, %swap3A_389], %swap3A_392 {strides = array<i32>} : memref<4x128xf32, #tpu.memory_space<vmem>>, vector<1x16xf32>,
        %swap3A_393 = arith.index_cast %scan3A_354 : i32 to index
        %swap3A_394 = arith.constant 48 : index
        %swap3A_395 = tpu.vector_load %arg16[%swap3A_393, %swap3A_394] {strides = array<i32>} : memref<4x128xf32, #tpu.memory_space<vmem>>, vector<1x16xf32>,
        %swap3A_396 = vector.shape_cast %swap3A_395 : vector<1x16xf32> to vector<16xf32>
        %swap3A_397 = vector.shape_cast %scan3A_377#3 : vector<16xf32> to vector<1x16xf32>
        tpu.vector_store %arg16[%swap3A_393, %swap3A_394], %swap3A_397 {strides = array<i32>} : memref<4x128xf32, #tpu.memory_space<vmem>>, vector<1x16xf32>,
        %swap3A_398 = arith.index_cast %scan3A_354 : i32 to index
        %swap3A_399 = arith.constant 64 : index
        %swap3A_400 = tpu.vector_load %arg16[%swap3A_398, %swap3A_399] {strides = array<i32>} : memref<4x128xf32, #tpu.memory_space<vmem>>, vector<1x16xf32>,
        %swap3A_401 = vector.shape_cast %swap3A_400 : vector<1x16xf32> to vector<16xf32>
        %swap3A_402 = vector.shape_cast %scan3A_377#4 : vector<16xf32> to vector<1x16xf32>
        tpu.vector_store %arg16[%swap3A_398, %swap3A_399], %swap3A_402 {strides = array<i32>} : memref<4x128xf32, #tpu.memory_space<vmem>>, vector<1x16xf32>,
        %swap3A_403 = arith.index_cast %scan3A_354 : i32 to index
        %swap3A_404 = arith.constant 80 : index
        %swap3A_405 = tpu.vector_load %arg16[%swap3A_403, %swap3A_404] {strides = array<i32>} : memref<4x128xf32, #tpu.memory_space<vmem>>, vector<1x16xf32>,
        %swap3A_406 = vector.shape_cast %swap3A_405 : vector<1x16xf32> to vector<16xf32>
        %swap3A_407 = vector.shape_cast %scan3A_377#5 : vector<16xf32> to vector<1x16xf32>
        tpu.vector_store %arg16[%swap3A_403, %swap3A_404], %swap3A_407 {strides = array<i32>} : memref<4x128xf32, #tpu.memory_space<vmem>>, vector<1x16xf32>,
        %swap3A_408 = arith.index_cast %scan3A_354 : i32 to index
        %swap3A_409 = arith.constant 96 : index
        %swap3A_410 = tpu.vector_load %arg16[%swap3A_408, %swap3A_409] {strides = array<i32>} : memref<4x128xf32, #tpu.memory_space<vmem>>, vector<1x16xf32>,
        %swap3A_411 = vector.shape_cast %swap3A_410 : vector<1x16xf32> to vector<16xf32>
        %swap3A_412 = vector.shape_cast %scan3A_377#6 : vector<16xf32> to vector<1x16xf32>
        tpu.vector_store %arg16[%swap3A_408, %swap3A_409], %swap3A_412 {strides = array<i32>} : memref<4x128xf32, #tpu.memory_space<vmem>>, vector<1x16xf32>,
        %swap3A_413 = arith.index_cast %scan3A_354 : i32 to index
        %swap3A_414 = arith.constant 112 : index
        %swap3A_415 = tpu.vector_load %arg16[%swap3A_413, %swap3A_414] {strides = array<i32>} : memref<4x128xf32, #tpu.memory_space<vmem>>, vector<1x16xf32>,
        %swap3A_416 = vector.shape_cast %swap3A_415 : vector<1x16xf32> to vector<16xf32>
        %swap3A_417 = vector.shape_cast %scan3A_377#7 : vector<16xf32> to vector<1x16xf32>
        tpu.vector_store %arg16[%swap3A_413, %swap3A_414], %swap3A_417 {strides = array<i32>} : memref<4x128xf32, #tpu.memory_space<vmem>>, vector<1x16xf32>,
        %scan3A_418 = arith.constant 0 : i32
        scf.yield %scan3A_418 : i32
      }
      %scan3A_338 = arith.constant 4 : i32
      %add3A_339 = arith.constant 4 : i32
      %add3A_340 = arith.addi %add3A_303, %add3A_339 : i32
      %lt3A_341 = arith.constant 128 : i32
      %lt3A_342 = arith.cmpi slt, %add3A_340, %lt3A_341 : i32
      %convert_element_type3A_343 = arith.extui %lt3A_342 : i1 to i32
      %cond3A_344 = arith.constant 0 : i32
      %cond3A_345 = arith.cmpi ne, %convert_element_type3A_343, %cond3A_344 : i32
      scf.if %cond3A_345 {
        %add3A_354 = arith.constant 4 : i32
        %add3A_355 = arith.addi %add3A_303, %add3A_354 : i32
        %mul3A_356 = arith.constant 4 : i32
        %mul3A_357 = arith.muli %add3A_355, %mul3A_356 : i32
        %add3A_358 = arith.addi %mul3A_2, %mul3A_357 : i32
        %mul3A_359 = arith.constant 50 : i32
        %mul3A_360 = arith.muli %add3A_358, %mul3A_359 : i32
        %dma_wait3A_361 = tpu.memref_slice %arg2[%mul3A_360] : memref<819200xi32, #tpu.memory_space<hbm>> -> memref<200xi32, #tpu.memory_space<hbm>>
        %dma_wait3A_362 = tpu.memref_slice %arg2[%mul3A_360] : memref<819200xi32, #tpu.memory_space<hbm>> -> memref<200xi32, #tpu.memory_space<hbm>>
        tpu.wait_dma2 semaphore(%arg28 : memref<!tpu.dma_semaphore, #tpu.memory_space<semaphore_mem>>) src(%dma_wait3A_362 : memref<200xi32, #tpu.memory_space<hbm>>) dst(%arg8 : memref<200xi32, #tpu.memory_space<vmem>>)
        %dma_start3A_363 = arith.constant 0 : i32
        %dma_start3A_364 = arith.constant 0 : i32
        %dma_start3A_365 = tpu.memref_slice %arg12[%dma_start3A_363, %dma_start3A_364] : memref<200x128xf32, #tpu.memory_space<vmem>> -> memref<104x128xf32, #tpu.memory_space<vmem>>
        %dma_start3A_366 = arith.constant 0 : i32
        %dma_start3A_367 = tpu.memref_slice %arg8[%dma_start3A_366] : memref<200xi32, #tpu.memory_space<vmem>> -> memref<104xi32, #tpu.memory_space<vmem>>
        %dma_start3A_368 = arith.constant 0 : i32
        %dma_start3A_369 = arith.constant 0 : i32
        %dma_start3A_370 = tpu.memref_slice %arg3[%dma_start3A_368, %dma_start3A_369] : memref<100000x128xf32, #tpu.memory_space<hbm>> -> memref<100000x128xf32, #tpu.memory_space<hbm>>
        tpu.enqueue_indirect_dma source(%dma_start3A_370 : memref<100000x128xf32, #tpu.memory_space<hbm>>) target(%dma_start3A_365 : memref<104x128xf32, #tpu.memory_space<vmem>>) offsets(%dma_start3A_367 : memref<104xi32, #tpu.memory_space<vmem>>) semaphore(%arg20 : memref<!tpu.dma_semaphore, #tpu.memory_space<semaphore_mem>>)
        %dma_start3A_371 = arith.constant 104 : i32
        %dma_start3A_372 = arith.constant 0 : i32
        %dma_start3A_373 = tpu.memref_slice %arg12[%dma_start3A_371, %dma_start3A_372] : memref<200x128xf32, #tpu.memory_space<vmem>> -> memref<96x128xf32, #tpu.memory_space<vmem>>
        %dma_start3A_374 = arith.constant 104 : i32
        %dma_start3A_375 = tpu.memref_slice %arg8[%dma_start3A_374] : memref<200xi32, #tpu.memory_space<vmem>> -> memref<96xi32, #tpu.memory_space<vmem>>
        %dma_start3A_376 = arith.constant 0 : i32
        %dma_start3A_377 = arith.constant 0 : i32
        %dma_start3A_378 = tpu.memref_slice %arg3[%dma_start3A_376, %dma_start3A_377] : memref<100000x128xf32, #tpu.memory_space<hbm>> -> memref<100000x128xf32, #tpu.memory_space<hbm>>
        tpu.enqueue_indirect_dma source(%dma_start3A_378 : memref<100000x128xf32, #tpu.memory_space<hbm>>) target(%dma_start3A_373 : memref<96x128xf32, #tpu.memory_space<vmem>>) offsets(%dma_start3A_375 : memref<96xi32, #tpu.memory_space<vmem>>) semaphore(%arg20 : memref<!tpu.dma_semaphore, #tpu.memory_space<semaphore_mem>>)
      } else {
      }
      %mul3A_346 = arith.constant 4 : i32
      %mul3A_347 = arith.muli %add3A_303, %mul3A_346 : i32
      %add3A_348 = arith.addi %mul3A_2, %mul3A_347 : i32
      %dma_start3A_349 = arith.constant 0 : i32
      %dma_start3A_350 = tpu.memref_slice %arg4[%add3A_348, %dma_start3A_349] : memref<16384x128xf32, #tpu.memory_space<hbm>> -> memref<4x128xf32, #tpu.memory_space<hbm>>
      %dma_start3A_351 = arith.constant 0 : i32
      %dma_start3A_352 = tpu.memref_slice %arg4[%add3A_348, %dma_start3A_351] : memref<16384x128xf32, #tpu.memory_space<hbm>> -> memref<4x128xf32, #tpu.memory_space<hbm>>
      tpu.enqueue_dma source(%arg16 : memref<4x128xf32, #tpu.memory_space<vmem>>) target(%dma_start3A_352 : memref<4x128xf32, #tpu.memory_space<hbm>>) target_semaphore(%arg24 : memref<!tpu.dma_semaphore, #tpu.memory_space<semaphore_mem>>)
      %scan3A_353 = arith.constant 0 : i32
      scf.yield %scan3A_353 : i32
    }
    %scan3A_118 = arith.constant 32 : i32
    %add3A_119 = arith.constant 496 : i32
    %add3A_120 = arith.addi %mul3A_2, %add3A_119 : i32
    %dma_wait3A_121 = arith.constant 0 : i32
    %dma_wait3A_122 = tpu.memref_slice %arg4[%add3A_120, %dma_wait3A_121] : memref<16384x128xf32, #tpu.memory_space<hbm>> -> memref<4x128xf32, #tpu.memory_space<hbm>>
    %dma_wait3A_123 = arith.constant 0 : i32
    %dma_wait3A_124 = tpu.memref_slice %arg4[%add3A_120, %dma_wait3A_123] : memref<16384x128xf32, #tpu.memory_space<hbm>> -> memref<4x128xf32, #tpu.memory_space<hbm>>
    tpu.wait_dma2 semaphore(%arg21 : memref<!tpu.dma_semaphore, #tpu.memory_space<semaphore_mem>>) src(%arg13 : memref<4x128xf32, #tpu.memory_space<vmem>>) dst(%dma_wait3A_124 : memref<4x128xf32, #tpu.memory_space<hbm>>)
    %add3A_125 = arith.constant 500 : i32
    %add3A_126 = arith.addi %mul3A_2, %add3A_125 : i32
    %dma_wait3A_127 = arith.constant 0 : i32
    %dma_wait3A_128 = tpu.memref_slice %arg4[%add3A_126, %dma_wait3A_127] : memref<16384x128xf32, #tpu.memory_space<hbm>> -> memref<4x128xf32, #tpu.memory_space<hbm>>
    %dma_wait3A_129 = arith.constant 0 : i32
    %dma_wait3A_130 = tpu.memref_slice %arg4[%add3A_126, %dma_wait3A_129] : memref<16384x128xf32, #tpu.memory_space<hbm>> -> memref<4x128xf32, #tpu.memory_space<hbm>>
    tpu.wait_dma2 semaphore(%arg22 : memref<!tpu.dma_semaphore, #tpu.memory_space<semaphore_mem>>) src(%arg14 : memref<4x128xf32, #tpu.memory_space<vmem>>) dst(%dma_wait3A_130 : memref<4x128xf32, #tpu.memory_space<hbm>>)
    %add3A_131 = arith.constant 504 : i32
    %add3A_132 = arith.addi %mul3A_2, %add3A_131 : i32
    %dma_wait3A_133 = arith.constant 0 : i32
    %dma_wait3A_134 = tpu.memref_slice %arg4[%add3A_132, %dma_wait3A_133] : memref<16384x128xf32, #tpu.memory_space<hbm>> -> memref<4x128xf32, #tpu.memory_space<hbm>>
    %dma_wait3A_135 = arith.constant 0 : i32
    %dma_wait3A_136 = tpu.memref_slice %arg4[%add3A_132, %dma_wait3A_135] : memref<16384x128xf32, #tpu.memory_space<hbm>> -> memref<4x128xf32, #tpu.memory_space<hbm>>
    tpu.wait_dma2 semaphore(%arg23 : memref<!tpu.dma_semaphore, #tpu.memory_space<semaphore_mem>>) src(%arg15 : memref<4x128xf32, #tpu.memory_space<vmem>>) dst(%dma_wait3A_136 : memref<4x128xf32, #tpu.memory_space<hbm>>)
    %add3A_137 = arith.constant 508 : i32
    %add3A_138 = arith.addi %mul3A_2, %add3A_137 : i32
    %dma_wait3A_139 = arith.constant 0 : i32
    %dma_wait3A_140 = tpu.memref_slice %arg4[%add3A_138, %dma_wait3A_139] : memref<16384x128xf32, #tpu.memory_space<hbm>> -> memref<4x128xf32, #tpu.memory_space<hbm>>
    %dma_wait3A_141 = arith.constant 0 : i32
    %dma_wait3A_142 = tpu.memref_slice %arg4[%add3A_138, %dma_wait3A_141] : memref<16384x128xf32, #tpu.memory_space<hbm>> -> memref<4x128xf32, #tpu.memory_space<hbm>>
    tpu.wait_dma2 semaphore(%arg24 : memref<!tpu.dma_semaphore, #tpu.memory_space<semaphore_mem>>) src(%arg16 : memref<4x128xf32, #tpu.memory_space<vmem>>) dst(%dma_wait3A_142 : memref<4x128xf32, #tpu.memory_space<hbm>>)
    return
  }
}

module attributes {stable_mosaic.version = 14 : i64} {
  func.func @_mm_body(%arg0: i32, %arg1: memref<4096x128xf32, #tpu.memory_space<vmem>>, %arg2: memref<128x512xf32, #tpu.memory_space<vmem>>, %arg3: memref<1x512xf32, #tpu.memory_space<vmem>>, %arg4: memref<4096x512xf32, #tpu.memory_space<vmem>>) attributes {dimension_semantics = [#tpu.dimension_semantics<arbitrary>], iteration_bounds = array<i64: 4>, scalar_prefetch = 0 : i64, scratch_operands = 0 : i64, tpu.core_type = #tpu.core_type<tc>, window_params = [{transform_indices = @transform_0, window_bounds = array<i64: 4096, 128>}, {pipeline_mode = #tpu.pipeline_mode<synchronous>, transform_indices = @transform_1, window_bounds = array<i64: 128, 512>}, {pipeline_mode = #tpu.pipeline_mode<synchronous>, transform_indices = @transform_2, window_bounds = array<i64: 1, 512>}, {transform_indices = @transform_3, window_bounds = array<i64: 4096, 512>}]} {
    %get3A = arith.constant 0 : index
    %get3A_0 = arith.constant 0 : index
    %get3A_1 = vector.load %arg2[%get3A, %get3A_0] : memref<128x512xf32, #tpu.memory_space<vmem>>, vector<128x512xf32>
    %mul3A = arith.constant 2.000000e-02 : f32
    %mul3A_2 = vector.broadcast %mul3A : f32 to vector<128x512xf32>
    %mul3A_3 = arith.mulf %get3A_1, %mul3A_2 : vector<128x512xf32>
    %get3A_4 = arith.constant 0 : index
    %get3A_5 = arith.constant 0 : index
    %get3A_6 = vector.load %arg1[%get3A_4, %get3A_5] : memref<4096x128xf32, #tpu.memory_space<vmem>>, vector<4096x128xf32>
    %dot_general3A = arith.constant dense<0.000000e+00> : vector<4096x512xf32>
    %dot_general3A_7 = tpu.matmul %get3A_6, %mul3A_3, %dot_general3A {dimension_numbers = #tpu.dot_dimension_numbers<[1], [0], [0], [1], [0, 0, 1, 1], [], []>, transpose_lhs_hint = false} : vector<4096x128xf32>, vector<128x512xf32>, vector<4096x512xf32> -> vector<4096x512xf32>
    %get3A_8 = arith.constant 0 : index
    %get3A_9 = arith.constant 0 : index
    %get3A_10 = vector.load %arg3[%get3A_8, %get3A_9] : memref<1x512xf32, #tpu.memory_space<vmem>>, vector<1x512xf32>
    %add3A = vector.broadcast %get3A_10 : vector<1x512xf32> to vector<4096x512xf32>
    %add3A_11 = arith.addf %dot_general3A_7, %add3A : vector<4096x512xf32>
    %tanh3A = math.tanh %add3A_11 : vector<4096x512xf32>
    %swap3A = arith.constant 0 : index
    %swap3A_12 = arith.constant 0 : index
    %swap3A_13 = vector.load %arg4[%swap3A, %swap3A_12] : memref<4096x512xf32, #tpu.memory_space<vmem>>, vector<4096x512xf32>
    tpu.vector_store %arg4[%swap3A, %swap3A_12], %tanh3A {strides = array<i32>} : memref<4096x512xf32, #tpu.memory_space<vmem>>, vector<4096x512xf32>,
    return
  }
  func.func @transform_0(%arg0: i32) -> (i32, i32) {
    %c0_i32 = arith.constant 0 : i32
    %c0_i32_0 = arith.constant 0 : i32
    return %arg0, %c0_i32 : i32, i32
  }
  func.func @transform_1(%arg0: i32) -> (i32, i32) {
    %c0_i32 = arith.constant 0 : i32
    %c0_i32_0 = arith.constant 0 : i32
    %c0_i32_1 = arith.constant 0 : i32
    return %c0_i32, %c0_i32_0 : i32, i32
  }
  func.func @transform_2(%arg0: i32) -> (i32, i32) {
    %c0_i32 = arith.constant 0 : i32
    %c0_i32_0 = arith.constant 0 : i32
    %c0_i32_1 = arith.constant 0 : i32
    return %c0_i32, %c0_i32_0 : i32, i32
  }
  func.func @transform_3(%arg0: i32) -> (i32, i32) {
    %c0_i32 = arith.constant 0 : i32
    %c0_i32_0 = arith.constant 0 : i32
    return %arg0, %c0_i32 : i32, i32
  }
}

</mosaic_0001>

<sc_bundles>
// kernel: kernel.4.cloned.1.call-start
scs
__scs_entry_jumppad:
0x0: {  	(pc) =	sbr.rel $0x88, $3  }
0x1: {  	(tag) =	ssettag $0x0;
	lr =	simm.s32 $0x1  }
0x2: {  	[smem:$0x3F9D] =	sst lr;
	_ =	strace $0xD0000000  }
0x3: {  	_ = 	snop  }
0x4: {  	_ = 	snop  }
0x5: {  	_ = 	snop  }
0x6: {  	_ = 	snop  }
0x7: {  	_ = 	snop  }
__scs_overlays_trampoline_lowered:
0x8: {  	[smem:$0x3FAC] =	sst s0  }
0x9: {  	[smem:$0x3FAD] =	sst s1  }
0xa: {  	[smem:$0x3FAE] =	sst s2  }
0xb: {  	[smem:$0x3FAF] =	sst s3  }
0xc: {  	[smem:$0x3FB0] =	sst s4  }
0xd: {  	[smem:$0x3FB1] =	sst s5  }
0xe: {  	[smem:$0x3FB2] =	sst s6  }
0xf: {  	[smem:$0x3FB3] =	sst s7  }
0x10: {  	[smem:$0x3FB4] =	sst s8  }
0x11: {  	[smem:$0x3FB5] =	sst s9;
	s0 =	simm.s32 @!p0 $0x0  }
0x12: {  	s1 =	sld [smem:$0x3F9B];
	s0 =	simm.s32 @p0 $0x1  }
0x13: {  	[smem:$0x3FB6] =	sst s0;
	s0 =	simm.s32 @!p1 $0x0  }
0x14: {  	s2 =	sld [smem:$0x3F9A];
	s0 =	simm.s32 @p1 $0x1  }
0x15: {  	[smem:$0x3FB7] =	sst s0;
	s0 =	simm.s32 @!p2 $0x0  }
0x16: {  	s3 =	sld [smem:$0x3FDB];
	s0 =	simm.s32 @p2 $0x1  }
0x17: {  	s4 =	simm.s32 $0x1BF5;
	[smem:$0x3FB9] =	sst s0  }
0x18: {  	s0 =	sld [smem:$0x3F9C];
	_ =	swait.ge [sflag:s4], $0x0  }
0x19: {  	s7 =	sld [smem:$0x3F9D]  }
0x1a: {  	s8 =	sadd.s32 $0xFFFFE003, lr  }
0x1b: {  	s9 =	sadd.s32 $0xFFFFFEF7, lr;
	s5 =	simm.s32 $0xFFFFFFFF;
	p2 =	slt.u32 s8, $0xFFFFF086  }
0x1c: {  	p1 =	slt.u32 s9, $0xF7A;
	s5 =	simm.s32 @!p2 $0x0  }
0x1d: {  	s5 =	simm.s32 @p1 $0x1;
	p0 =	seq.s32 s7, s2  }
0x1e: {  	s7 =	smul.u32 @!p0 $0xF7A, s2;
	p2 =	seq.s32 @!p0 s5, $0x0  }
0x1f: {  	s9 =	smul.u32 $0xF7A, s1;
	s8 =	simm.s32 @!p0 $0x1BF5;
	p2 =	por !p2, p0  }
0x20: {  	[sflag:s8] =	ssyncset.s32 @!p0 $0xFFFFF086;
	s6 =	sadd.s32 @!p0 s3, s7;
	s7 =	simm.s32 @!p0 $0x108  }
0x21: {  	s3 =	sadd.s32 s3, s9;
	s6 =	sadd.s32 @!p0 $0x88, s6;
	s7 =	simm.s32 @p2 $0x1082  }
0x22: {  	[simem:s7], [sflag:s8] =	dma.local @!p0 [hbm:s6], $0xF7A  }
0x23: {  	s9 =	sor.u32 $0xD0000000, s2;
	s6 =	simm.s32 $0x108;
	_ =	swait.ge @!p0 [sflag:s8], $0x0  }
0x24: {  	s3 =	sadd.s32 $0x88, s3;
	s6 =	simm.s32 @!p1 $0x1082;
	[sflag:s4] =	ssyncset.s32 $0xFFFFF086  }
0x25: {  	[simem:s6], [sflag:s4] =	dma.local [hbm:s3], $0xF7A  }
0x26: {  	[smem:$0x3F9D] =	sst s1;
	(tag) =	ssettag s2;
	_ =	strace s9  }
0x27: {  	s1 =	sld [smem:$0x3FAD]  }
0x28: {  	s2 =	sld [smem:$0x3FAE]  }
0x29: {  	s4 =	sld [smem:$0x3FB0]  }
0x2a: {  	p0 =	seq.s32 s5, $0x0;
	s5 =	sld [smem:$0x3FB1]  }
0x2b: {  	s6 =	sld [smem:$0x3FB2]  }
0x2c: {  	s7 =	sld [smem:$0x3FB3]  }
0x2d: {  	s3 =	simm.s32 $0x108;
	s8 =	sld [smem:$0x3FB4]  }
0x2e: {  	s3 =	simm.s32 @!p0 $0x1082;
	s9 =	sld [smem:$0x3FB5]  }
0x2f: {  	lr =	sadd.s32 s0, s3;
	s0 =	sld [smem:$0x3FAC]  }
0x30: {  	s3 =	sld [smem:$0x3FAF]  }
0x31: {  	[smem:$0x3FB8] =	sst s10  }
0x32: {  	s10 =	sld [smem:$0x3FB6];
	_ =	sdelay $0x3  }
0x33: {  	p0 =	seq.s32 s10, $0x1;
	s10 =	sld [smem:$0x3FB8];
	_ =	sdelay $0x3  }
0x34: {  	[smem:$0x3FB8] =	sst s10  }
0x35: {  	s10 =	sld [smem:$0x3FB7];
	_ =	sdelay $0x3  }
0x36: {  	p1 =	seq.s32 s10, $0x1;
	s10 =	sld [smem:$0x3FB8];
	_ =	sdelay $0x3  }
0x37: {  	[smem:$0x3FB8] =	sst s10  }
0x38: {  	s10 =	sld [smem:$0x3FB9]  }
0x39: {  	_ = 	snop;
	(pc) =	sbr.ind lr, $3  }
0x3a: {  	_ = 	snop  }
0x3b: {  	_ = 	snop  }
0x3c: {  	p2 =	seq.s32 s10, $0x1;
	s10 =	sld [smem:$0x3FB8]  }
0x3d: {  	_ =	shalt  }
0x3e: {  	_ =	shalt  }
0x3f: {  	_ =	shalt  }
0x40: {  	_ =	shalt  }
0x41: {  	_ =	shalt  }
0x42: {  	_ =	shalt  }
0x43: {  	_ =	shalt  }
0x44: {  	_ =	shalt  }
0x45: {  	_ =	shalt  }
0x46: {  	_ =	shalt  }
0x47: {  	_ =	shalt  }
0x48: {  	_ =	shalt  }
0x49: {  	_ =	shalt  }
0x4a: {  	_ =	shalt  }
0x4b: {  	_ =	shalt  }
0x4c: {  	_ =	shalt  }
0x4d: {  	_ =	shalt  }
0x4e: {  	_ =	shalt  }
0x4f: {  	_ =	shalt  }
0x50: {  	_ =	shalt  }
0x51: {  	_ =	shalt  }
0x52: {  	_ =	shalt  }
0x53: {  	_ =	shalt  }
0x54: {  	_ =	shalt  }
0x55: {  	_ =	shalt  }
0x56: {  	_ =	shalt  }
0x57: {  	_ =	shalt  }
0x58: {  	_ =	shalt  }
0x59: {  	_ =	shalt  }
0x5a: {  	_ =	shalt  }
0x5b: {  	_ =	shalt  }
0x5c: {  	_ =	shalt  }
0x5d: {  	_ =	shalt  }
0x5e: {  	_ =	shalt  }
0x5f: {  	_ =	shalt  }
0x60: {  	_ =	shalt  }
0x61: {  	_ =	shalt  }
0x62: {  	_ =	shalt  }
0x63: {  	_ =	shalt  }
0x64: {  	_ =	shalt  }
0x65: {  	_ =	shalt  }
0x66: {  	_ =	shalt  }
0x67: {  	_ =	shalt  }
0x68: {  	_ =	shalt  }
0x69: {  	_ =	shalt  }
0x6a: {  	_ =	shalt  }
0x6b: {  	_ =	shalt  }
0x6c: {  	_ =	shalt  }
0x6d: {  	_ =	shalt  }
0x6e: {  	_ =	shalt  }
0x6f: {  	_ =	shalt  }
0x70: {  	_ =	shalt  }
0x71: {  	_ =	shalt  }
0x72: {  	_ =	shalt  }
0x73: {  	_ =	shalt  }
0x74: {  	_ =	shalt  }
0x75: {  	_ =	shalt  }
0x76: {  	_ =	shalt  }
0x77: {  	_ =	shalt  }
0x78: {  	_ =	shalt  }
0x79: {  	_ =	shalt  }
0x7a: {  	_ =	shalt  }
0x7b: {  	_ =	shalt  }
0x7c: {  	_ =	shalt  }
0x7d: {  	_ =	shalt  }
0x7e: {  	_ =	shalt  }
0x7f: {  	_ =	shalt  }
0x80: {  	_ =	shalt  }
0x81: {  	_ =	shalt  }
0x82: {  	_ =	shalt  }
0x83: {  	_ =	shalt  }
0x84: {  	_ =	shalt  }
0x85: {  	_ =	shalt  }
0x86: {  	_ =	shalt  }
0x87: {  	_ =	shalt  }
.Lfunc_end0:
.L_simem_size_0:
called_computation_lowered:
.L_overlay_start_0:
0x88: {  	s2 =	sld [smem:$0x3FD9]  }
0x89: {  	s3 =	sld [smem:$0x3FFE];
	_ =	sdelay $0x1  }
0x8a: {  	s1 =	srdreg.scid  }
0x8b: {  	s0 =	sand.u32 $0x1, s1  }
0x8c: {  	s17 =	sshll.u32 s0, $0xA;
	s2 =	sadd.s32 s3, s2  }
0x8d: {  	s2 =	sadd.s32 s2, s17  }
0x8e: {  	[smem:$0x3FC4] =	sst s2  }
0x8f: {  	_ = 	snop  }
0x90: {  	s2 =	sld [smem:$0x3FC8]  }
0x91: {  	s18 =	sld [smem:$0x3FD0];
	(tm) =	ssettm $0x1  }
0x92: {  	s4 =	sld [smem:$0x3FFB];
	_ =	sdelay $0x3  }
0x93: {  	_ =	strace s4  }
0x94: {  	s4 =	sld [smem:$0x3FFC];
	_ =	sdelay $0x3  }
0x95: {  	_ =	strace s4  }
0x96: {  	s4 =	sld [smem:$0x3FFD];
	_ =	sdelay $0x3  }
0x97: {  	_ =	strace s4  }
0x98: {  	_ =	strace $0x8FFFFFFF  }
0x99: {  	s19 =	sld [smem:$0x3FDB];
	_ =	sdelay $0x1  }
0x9a: {  	s5 =	simm.s32 $_scs_section_size  }
0x9b: {  	s6 =	simm.s32 $_size__tile_overlayer_lowered;
	s7 =	simm.s32 $_tile_overlayer_lowered  }
0x9c: {  	s22 =	simm.s32 $0x1BFF;
	s21 =	sshll.u32 s7, $0x1;
	s4 =	sadd.s32 s5, s19  }
0x9d: {  	s8 =	simm.s32 $0x0;
	s20 =	sshll.u32 s6, $0x1;
	s6 =	sadd.s32 s21, s4  }
0x9e: {  	[timem:s8], [sflag:s22] =	dma.local [hbm:s6], s20  }
0x9f: {  	_ =	swait.ge [sflag:s22], s20  }
0xa0: {  	s5 =	ssub.s32 $0x0, s20;
	[sflag:s22] =	ssyncset.done $0x0  }
0xa1: {  	[sflag:s22] =	ssyncadd.s32 s5;
	_ =	sdelay $0x1  }
0xa2: {  	s23 =	simm.s32 $0x1B8B  }
0xa3: {  	_ =	swait.ge [sflag:s23], $0x1  }
0xa4: {  	[sflag:s23] =	ssyncset.done $0x0  }
0xa5: {  	s25 =	simm.s32 $0x1B8E;
	s24 =	sld [smem:$0x3FFE];
	[sflag:s23] =	ssyncadd.s32 $0xFFFFFFFF  }
0xa6: {  	s26 =	simm.s32 $execute0_lowered;
	[smem:$0x3FD2] =	sst s25  }
0xa7: {  	s6 =	sshll.u32 s26, $0x1;
	_ =	strace $0x80000046;
	[dreg:$0x1] =	wrdreg $0xFFFFFFFF  }
0xa8: {  	s28 =	simm.s32 $_size_execute0_lowered;
	s4 =	sadd.s32 s4, s6;
	[dreg:$0x0] =	wrdreg $0x0  }
0xa9: {  	s6 =	sshll.u32 s28, $0x1;
	[dreg:$0x2] =	wrdreg s4  }
0xaa: {  	[dreg:$0x3] =	wrdreg s6  }
0xab: {  	[dreg:$0x4] =	wrdreg $0xC0  }
0xac: {  	_ =	task [dreg:s8], $0x5FFFF  }
0xad: {  	[dreg:$0x1] =	wrdreg $0xFFFFFFFF  }
0xae: {  	[dreg:$0x0] =	wrdreg $0x60  }
0xaf: {  	[dreg:$0x2] =	wrdreg s24  }
0xb0: {  	[dreg:$0x3] =	wrdreg s2  }
0xb1: {  	[dreg:$0x4] =	wrdreg s18  }
0xb2: {  	[dreg:$0x5] =	wrdreg $0x9  }
0xb3: {  	_ =	task.clear_ibuf [dreg:s8], $0x6FFFF;
	_ =	strace $0x90000046  }
0xb4: {  	s29 =	simm.s32 $0x9;
	_ =	strace $0x80000048  }
0xb5: {  	_ =	swait.ge [sflag:s29], $0x1  }
0xb6: {  	[sflag:s29] =	ssyncadd.s32 $0xFFFFFFFF  }
0xb7: {  	_ =	strace $0x90000048  }
0xb8: {  	_ =	sfence  }
0xb9: {  	s30 =	sld [smem:$0x0];
	_ =	sdelay $0x2  }
0xba: {  	s31 =	sshll.u32 s1, $0xD;
	s1 =	sshrl.u32 s1, $0x2  }
0xbb: {  	s3 =	sand.u32 $0x4000, s31;
	s1 =	sadd.s32 s1, s30  }
0xbc: {  	s0 =	sor.u32 s3, s0;
	s1 =	sshll.u32 s1, $0x11  }
0xbd: {  	s0 =	sor.u32 s1, s0  }
0xbe: {  	s0 =	sadd.s32 $0x8F2B, s0  }
0xbf: {  	[sflag:s0] =	ssyncadd.remote.s32 $0x1  }
0xc0: {  	_ =	sfence.sel $0xFFFF  }
0xc1: {  	[dreg:$0x0] =	wrdreg $0xFFFFFFFF;
	(pc) =	sbr.abs _section_cstart, $3  }
0xc2: {  	[dreg:$0x1] =	wrdreg $0xFFFFFFFF  }
0xc3: {  	_ =	task.clear_ibuf [dreg:s8], $0x2FFFF;
	_ =	strace $0x9FFFFFFF  }
0xc4: {  	(tm) =	ssettm $0x7FFFFFFF  }
0xc5: {  	_ =	shalt  }
tec
execute0_lowered:
.L_overlay_start_1:
0x0: {  	(tag) =	ssettag $0x1  }
0x1: {  	s1 =	rddreg [dreg:$0x0]  }
0x2: {  	s0 =	srdreg.scid;
	s2 =	rddreg [dreg:$0x1]  }
0x3: {  	s5 =	stileid.u32;
	s3 =	rddreg [dreg:$0x2];
	s22 =	simm.s32 $0x68  }
0x4: {  	s23 =	simm.s32 $0x2;
	s28 =	simm.s32 $0x19600;
	s29 =	simm.s32 $0x3  }
0x5: {  	s30 =	simm.s32 $0x19800;
	s18 =	simm.s32 $0x4;
	s19 =	simm.s32 $0x19A00  }
0x6: {  	s20 =	simm.s32 $0x5;
	s17 =	simm.s32 $0x0;
	s0 =	sand.u32 $0x1, s0  }
0x7: {  	s15 =	sadd.s32 $0x80, s3;
	s4 =	sshll.u32 s0, $0x4;
	s0 =	ssub.s32 $0x2, s0  }
0x8: {  	s6 =	sor.u32 s5, s4;
	s4 =	simm.s32 $0x0;
	s5 =	sadd.s32 $0xA00, s1  }
0x9: {  	s24 =	sshrl.u32 s0, $0x1;
	s1 =	simm.s32 $0x1;
	s7 =	smul.u32 $0xC80, s6  }
0xa: {  	[smem:$0x7FF] =	sst s4;
	s0 =	ssub.s32 s0, s24;
	s12 =	sshll.u32 s6, $0xD  }
0xb: {  	s24 =	simm.s32 $0x60;
	_ =	strace $0x80000047;
	s0 =	smax.u32 s0, $0x1  }
0xc: {  	s8 =	sadd.s32 s5, s7;
	s7 =	sshll.u32 s6, $0x9;
	[dreg:$0x8] =	wrdreg s0  }
0xd: {  	s0 =	simm.s32 $0x19400;
	s25 =	sadd.s32 $0x19, s8;
	[dreg:$0x4] =	wrdreg s8  }
0xe: {  	s26 =	sadd.s32 $0x32, s8;
	s31 =	sadd.s32 $0x4B, s8;
	[dreg:$0x5] =	wrdreg s25  }
0xf: {  	s11 =	sor.u32 $0x10, s7;
	s13 =	sor.u32 $0x14, s7;
	[dreg:$0x6] =	wrdreg s26  }
0x10: {  	s14 =	sor.u32 $0x18, s7;
	s16 =	sor.u32 $0x1C, s7;
	[dreg:$0x7] =	wrdreg s31  }
.LBB2_1:
0x11: {  	s6 =	rddreg [dreg:$0x4]  }
0x12: {  	[tilespmem:s4], [sflag:$0x9] =	stream.linear.gather [hbm4b:s6+s4], $0xC8, $0x38;
	[tilespmem:$0x19C00] =	vst v63  }
0x13: {  	s21 =	rddreg [dreg:$0x5];
	s8 =	simm.s32 $0x100  }
0x14: {  	[tilespmem:s8], [sflag:$0xA] =	stream.linear.gather [hbm4b:s21+s4], $0xC8, $0x38;
	[tilespmem:$0x19C00] =	vst v63  }
0x15: {  	s25 =	rddreg [dreg:$0x6];
	s9 =	simm.s32 $0x200  }
0x16: {  	[tilespmem:s9], [sflag:$0xB] =	stream.linear.gather [hbm4b:s25+s4], $0xC8, $0x38;
	[tilespmem:$0x19C00] =	vst v63  }
0x17: {  	s26 =	rddreg [dreg:$0x7];
	s10 =	simm.s32 $0x300;
	s31 =	simm.s32 $0x9  }
0x18: {  	[tilespmem:s10], [sflag:$0xC] =	stream.linear.gather [hbm4b:s26+s4], $0xC8, $0x38;
	[tilespmem:$0x19C00] =	vst v63  }
0x19: {  	_ =	swait.ge [sflag:s31], $0xC8  }
0x1a: {  	[sflag:s31] =	ssyncset.done $0x0  }
0x1b: {  	s21 =	simm.s32 $0x400;
	[sflag:s31] =	ssyncadd.s32 $0xFFFFFF38  }
0x1c: {  	[tilespmem:s21], [sflag:$0x1] =	stream.indirect.gather [hbm4b:s2+s22], $0x80, s4, s22, $0xb8;
	[tilespmem:$0x19C00] =	vst v63  }
0x1d: {  	s25 =	simm.s32 $0x3800;
	s26 =	simm.s32 $0xA  }
0x1e: {  	[tilespmem:s25], [sflag:$0x1] =	stream.indirect.gather [hbm4b:s2+s24], $0x80, s22, s24, $0xb8;
	[tilespmem:$0x19C00] =	vst v63  }
0x1f: {  	_ =	swait.ge [sflag:s26], $0xC8  }
0x20: {  	[sflag:s26] =	ssyncset.done $0x0  }
0x21: {  	s31 =	simm.s32 $0x6800;
	[sflag:s26] =	ssyncadd.s32 $0xFFFFFF38  }
0x22: {  	[tilespmem:s31], [sflag:$0x2] =	stream.indirect.gather [hbm4b:s2+s22], $0x80, s8, s22, $0xb8;
	[tilespmem:$0x19C00] =	vst v63  }
0x23: {  	s21 =	simm.s32 $0x168;
	s25 =	simm.s32 $0x9C00;
	s26 =	simm.s32 $0xB  }
0x24: {  	[tilespmem:s25], [sflag:$0x2] =	stream.indirect.gather [hbm4b:s2+s24], $0x80, s21, s24, $0xb8;
	[tilespmem:$0x19C00] =	vst v63  }
0x25: {  	_ =	swait.ge [sflag:s26], $0xC8  }
0x26: {  	[sflag:s26] =	ssyncset.done $0x0  }
0x27: {  	s31 =	simm.s32 $0xCC00;
	[sflag:s26] =	ssyncadd.s32 $0xFFFFFF38  }
0x28: {  	[tilespmem:s31], [sflag:$0x3] =	stream.indirect.gather [hbm4b:s2+s22], $0x80, s9, s22, $0xb8;
	[tilespmem:$0x19C00] =	vst v63  }
0x29: {  	s8 =	simm.s32 $0x268;
	s21 =	simm.s32 $0xC;
	s9 =	simm.s32 $0x10000  }
0x2a: {  	[tilespmem:s9], [sflag:$0x3] =	stream.indirect.gather [hbm4b:s2+s24], $0x80, s8, s24, $0xb8;
	[tilespmem:$0x19C00] =	vst v63  }
0x2b: {  	_ =	swait.ge [sflag:s21], $0xC8  }
0x2c: {  	[sflag:s21] =	ssyncset.done $0x0  }
0x2d: {  	s25 =	simm.s32 $0x13000;
	[sflag:s21] =	ssyncadd.s32 $0xFFFFFF38  }
0x2e: {  	[tilespmem:s25], [sflag:$0x4] =	stream.indirect.gather [hbm4b:s2+s22], $0x80, s10, s22, $0xb8;
	[tilespmem:$0x19C00] =	vst v63  }
0x2f: {  	s6 =	simm.s32 $0x0;
	s26 =	simm.s32 $0x368;
	s31 =	simm.s32 $0x16400  }
0x30: {  	[tilespmem:s31], [sflag:$0x4] =	stream.indirect.gather [hbm4b:s2+s24], $0x80, s26, s24, $0xb8;
	[tilespmem:$0x19C00] =	vst v63  }
.LBB2_2:
0x31: {  	p0 =	seq.s32 s6, $0x1F  }
0x32: {  	s26 =	sshll.u32 @!p0 s6, $0x4  }
0x33: {  	_ =	swait.ge [sflag:s1], $0x3400;
	p1 =	seq.s32 @!p0 s6, $0x0;
	s8 =	sadd.s32 @!p0 s26, s11  }
0x34: {  	[sflag:s1] =	ssyncset.done $0x0;
	p1 =	por p0, !p1;
	s8 =	smul.u32 @!p0 $0x32, s8  }
.Ltmp0:
0x35: {  	[sflag:s1] =	ssyncadd.s32 $0xFFFFCC00;
	(pc) =	sbr.rel @!p1 .LBB2_3-.Ltmp0, $4  }
0x36: {  	_ =	swait.ge [sflag:s1], $0x3000  }
0x37: {  	[sflag:s1] =	ssyncset.done $0x0;
	s8 =	sshrl.u32 @!p0 s8, $0x3  }
0x38: {  	s9 =	simm.s32 @!p0 $0x0;
	[sflag:s1] =	ssyncadd.s32 $0xFFFFD000;
	s8 =	sadd.s32 @!p0 s5, s8  }
0x39: {  	[tilespmem:s9], [sflag:$0x9] =	stream.linear.gather @!p0 [hbm4b:s8+s9], $0xC8, $0x38;
	[tilespmem:$0x19C00] =	vst v63  }
.Ltmp1:
0x3a: {  	(pc) =	sbr.rel .LBB2_5-.Ltmp1, $4  }
0x3b: {  	_ = 	snop  }
0x3c: {  	_ =	swait.ge [sflag:s20], $0x200  }
0x3d: {  	[sflag:s20] =	ssyncset.done $0x0  }
0x3e: {  	p1 =	por $0x0, $0x0;
	[sflag:s20] =	ssyncadd.s32 $0xFFFFFE00  }
.LBB2_3:
0x3f: {  	p1 =	por @!p0 $0x1, $0x1  }
.LBB2_5:
0x40: {  	s21 =	simm.s32 $0x0;
	s25 =	simm.s32 $0x540  }
.LBB2_6:
0x41: {  	v2 =	vmov s25;
	_ =	sdelay $0x3  }
0x42: {  	s8 =	simm.s32 $0x0  }
0x43: {  	v5 =	vld.idx.msk [tilespmem:v2+s8+$0xC0 ss:$0x1], $0xffff  }
0x44: {  	v6 =	vld.idx.msk [tilespmem:v2+s8+$0xD0 ss:$0x1], $0xffff  }
0x45: {  	v7 =	vld.idx.msk [tilespmem:v2+s8+$0xE0 ss:$0x1], $0xffff  }
0x46: {  	v8 =	vld.idx.msk [tilespmem:v2+s8+$0xF0 ss:$0x1], $0xffff  }
0x47: {  	v1 =	vld.idx.msk [tilespmem:v2+s8+$0x100 ss:$0x1], $0xffff  }
0x48: {  	v0 =	vld.idx.msk [tilespmem:v2+s8+$0x110 ss:$0x1], $0xffff  }
0x49: {  	v12 =	vld.idx.msk [tilespmem:v2+s8+$0x40 ss:$0x1], $0xffff  }
0x4a: {  	v16 =	vld.idx.msk [tilespmem:v2+s8+$0x50 ss:$0x1], $0xffff  }
0x4b: {  	v11 =	vld.idx.msk [tilespmem:v2+s8+$0x60 ss:$0x1], $0xffff  }
0x4c: {  	v13 =	vld.idx.msk [tilespmem:v2+s8+$0x70 ss:$0x1], $0xffff  }
0x4d: {  	v4 =	vld.idx.msk [tilespmem:v2+s8+$0x80 ss:$0x1], $0xffff  }
0x4e: {  	v3 =	vld.idx.msk [tilespmem:v2+s8+$0x90 ss:$0x1], $0xffff  }
0x4f: {  	v14 =	vld.idx.msk [tilespmem:v2+s8+$0xFFFFFFC0 ss:$0x1], $0xffff  }
0x50: {  	v17 =	vld.idx.msk [tilespmem:v2+s8+$0xFFFFFFD0 ss:$0x1], $0xffff  }
0x51: {  	v21 =	vld.idx.msk [tilespmem:v2+s8+$0xFFFFFFE0 ss:$0x1], $0xffff  }
0x52: {  	v22 =	vld.idx.msk [tilespmem:v2+s8+$0xFFFFFFF0 ss:$0x1], $0xffff  }
0x53: {  	v18 =	vld.idx.msk [tilespmem:v2+s8+$0xFFFFFF40 ss:$0x1], $0xffff  }
0x54: {  	v23 =	vld.idx.msk [tilespmem:v2+s8+$0xFFFFFF50 ss:$0x1], $0xffff  }
0x55: {  	v19 =	vld.idx.msk [tilespmem:v2+s8+$0xFFFFFEC0 ss:$0x1], $0xffff  }
0x56: {  	v20 =	vld.idx.msk [tilespmem:v2+s8+$0xFFFFFED0 ss:$0x1], $0xffff  }
0x57: {  	v24 =	vld.idx.msk [tilespmem:v2+s8+$0xFFFFFEE0 ss:$0x1], $0xffff  }
0x58: {  	v25 =	vld.idx.msk [tilespmem:v2+s8+$0xFFFFFEF0 ss:$0x1], $0xffff  }
0x59: {  	v26 =	vld.idx.msk [tilespmem:v2+s8+$0xFFFFFF60 ss:$0x1], $0xffff  }
0x5a: {  	v27 =	vld.idx.msk [tilespmem:v2+s8+$0xFFFFFF70 ss:$0x1], $0xffff  }
0x5b: {  	v9 =	vimm.f32 $0.0e+00;
	v15 =	vld.idx.msk [tilespmem:v2+s8+$0x0 ss:$0x1], $0xffff  }
0x5c: {  	v10 =	vld.idx.msk [tilespmem:v2+s8+$0x10 ss:$0x1], $0xffff;
	v28 =	vadd.f32 v19, v9;
	v29 =	vadd.f32 v20, v9  }
0x5d: {  	v19 =	vld.idx.msk [tilespmem:v2+s8+$0xFFFFFF80 ss:$0x1], $0xffff;
	v24 =	vadd.f32 v24, v9;
	v25 =	vadd.f32 v25, v9  }
0x5e: {  	v20 =	vld.idx.msk [tilespmem:v2+s8+$0xFFFFFF90 ss:$0x1], $0xffff;
	v18 =	vadd.f32 v18, v28;
	v29 =	vadd.f32 v23, v29  }
0x5f: {  	v23 =	vld.idx.msk [tilespmem:v2+s8+$0xFFFFFF00 ss:$0x1], $0xffff;
	v26 =	vadd.f32 v26, v24;
	v27 =	vadd.f32 v27, v25  }
0x60: {  	v24 =	vld.idx.msk [tilespmem:v2+s8+$0xFFFFFF10 ss:$0x1], $0xffff;
	v28 =	vadd.f32 v14, v18;
	v29 =	vadd.f32 v17, v29  }
0x61: {  	s9 =	simm.s32 $0xA00;
	v25 =	vld.idx.msk [tilespmem:v2+s8+$0xFFFFFF20 ss:$0x1], $0xffff;
	v18 =	vimm.f32 $0.0e+00;
	v17 =	vimm.f32 $0.0e+00;
	v14 =	vimm.f32 $0.0e+00  }
.LBB2_7:
0x62: {  	p2 =	sne.s32 s9, $0x5A00;
	v30 =	vld.idx.msk [tilespmem:v2+s8+$0xFFFFFF30 ss:$0x1], $0xffff;
	v21 =	vadd.f32 v21, v26;
	v22 =	vadd.f32 v22, v27  }
0x63: {  	v26 =	vld.idx.msk [tilespmem:v2+s8+$0xFFFFFFA0 ss:$0x1], $0xffff;
	v12 =	vadd.f32 v12, v28;
	v16 =	vadd.f32 v16, v29  }
0x64: {  	v27 =	vld.idx.msk [tilespmem:v2+s8+$0xFFFFFFB0 ss:$0x1], $0xffff;
	v11 =	vadd.f32 v11, v21;
	v13 =	vadd.f32 v13, v22  }
0x65: {  	v21 =	vld.idx.msk [tilespmem:v2+s8+$0x20 ss:$0x1], $0xffff;
	v28 =	vadd.f32 v5, v12;
	v29 =	vadd.f32 v6, v16  }
0x66: {  	v12 =	vld.idx.msk [tilespmem:v2+s8+$0x30 ss:$0x1], $0xffff;
	v31 =	vadd.f32 v7, v11;
	v32 =	vadd.f32 v8, v13  }
0x67: {  	v5 =	vadd.f32 v23, v9;
	v6 =	vadd.f32 v24, v18;
	v9 =	vld.idx.msk [tilespmem:v2+s8+$0xA0 ss:$0x1], $0xffff  }
0x68: {  	v7 =	vadd.f32 v25, v17;
	v8 =	vadd.f32 v30, v14;
	v11 =	vld.idx.msk [tilespmem:v2+s8+$0xB0 ss:$0x1], $0xffff  }
0x69: {  	v13 =	vadd.f32 v19, v5;
	v6 =	vadd.f32 v20, v6;
	v14 =	vld.idx.msk [tilespmem:v2+s8+$0x120 ss:$0x1], $0xffff  }
0x6a: {  	v7 =	vadd.f32 v26, v7;
	v8 =	vadd.f32 v27, v8;
	v16 =	vld.idx.msk [tilespmem:v2+s8+$0x130 ss:$0x1], $0xffff;
	s8 =	sshra.s32 s9, $0x2  }
0x6b: {  	v13 =	vadd.f32 v15, v13;
	v10 =	vadd.f32 v10, v6;
	v5 =	vld.idx.msk [tilespmem:v2+s8+$0xC0 ss:$0x1], $0xffff  }
0x6c: {  	v15 =	vadd.f32 v21, v7;
	v12 =	vadd.f32 v12, v8;
	v6 =	vld.idx.msk [tilespmem:v2+s8+$0xD0 ss:$0x1], $0xffff  }
0x6d: {  	v4 =	vadd.f32 v4, v13;
	v3 =	vadd.f32 v3, v10;
	v7 =	vld.idx.msk [tilespmem:v2+s8+$0xE0 ss:$0x1], $0xffff  }
0x6e: {  	v10 =	vadd.f32 v9, v15;
	v11 =	vadd.f32 v11, v12;
	v8 =	vld.idx.msk [tilespmem:v2+s8+$0xF0 ss:$0x1], $0xffff  }
0x6f: {  	v9 =	vadd.f32 v1, v4;
	v18 =	vadd.f32 v0, v3;
	v1 =	vld.idx.msk [tilespmem:v2+s8+$0x100 ss:$0x1], $0xffff  }
0x70: {  	v17 =	vadd.f32 v14, v10;
	v14 =	vadd.f32 v16, v11;
	v0 =	vld.idx.msk [tilespmem:v2+s8+$0x110 ss:$0x1], $0xffff  }
0x71: {  	v12 =	vld.idx.msk [tilespmem:v2+s8+$0x40 ss:$0x1], $0xffff  }
0x72: {  	v16 =	vld.idx.msk [tilespmem:v2+s8+$0x50 ss:$0x1], $0xffff  }
0x73: {  	v11 =	vld.idx.msk [tilespmem:v2+s8+$0x60 ss:$0x1], $0xffff  }
0x74: {  	v13 =	vld.idx.msk [tilespmem:v2+s8+$0x70 ss:$0x1], $0xffff  }
0x75: {  	v4 =	vld.idx.msk [tilespmem:v2+s8+$0x80 ss:$0x1], $0xffff  }
0x76: {  	v3 =	vld.idx.msk [tilespmem:v2+s8+$0x90 ss:$0x1], $0xffff  }
0x77: {  	v30 =	vld.idx.msk [tilespmem:v2+s8+$0xFFFFFFC0 ss:$0x1], $0xffff  }
0x78: {  	v33 =	vld.idx.msk [tilespmem:v2+s8+$0xFFFFFFD0 ss:$0x1], $0xffff  }
0x79: {  	v21 =	vld.idx.msk [tilespmem:v2+s8+$0xFFFFFFE0 ss:$0x1], $0xffff  }
0x7a: {  	v22 =	vld.idx.msk [tilespmem:v2+s8+$0xFFFFFFF0 ss:$0x1], $0xffff  }
0x7b: {  	v24 =	vld.idx.msk [tilespmem:v2+s8+$0xFFFFFF40 ss:$0x1], $0xffff  }
0x7c: {  	v25 =	vld.idx.msk [tilespmem:v2+s8+$0xFFFFFF50 ss:$0x1], $0xffff  }
0x7d: {  	v19 =	vld.idx.msk [tilespmem:v2+s8+$0xFFFFFEC0 ss:$0x1], $0xffff  }
0x7e: {  	v20 =	vld.idx.msk [tilespmem:v2+s8+$0xFFFFFED0 ss:$0x1], $0xffff  }
0x7f: {  	v23 =	vld.idx.msk [tilespmem:v2+s8+$0xFFFFFEE0 ss:$0x1], $0xffff  }
0x80: {  	v26 =	vld.idx.msk [tilespmem:v2+s8+$0xFFFFFEF0 ss:$0x1], $0xffff  }
0x81: {  	v27 =	vld.idx.msk [tilespmem:v2+s8+$0xFFFFFF60 ss:$0x1], $0xffff  }
0x82: {  	v34 =	vld.idx.msk [tilespmem:v2+s8+$0xFFFFFF70 ss:$0x1], $0xffff  }
0x83: {  	v15 =	vld.idx.msk [tilespmem:v2+s8+$0x0 ss:$0x1], $0xffff  }
0x84: {  	v10 =	vld.idx.msk [tilespmem:v2+s8+$0x10 ss:$0x1], $0xffff  }
.Ltmp2:
0x85: {  	v28 =	vadd.f32 v19, v28;
	v29 =	vadd.f32 v20, v29;
	v19 =	vld.idx.msk [tilespmem:v2+s8+$0xFFFFFF80 ss:$0x1], $0xffff;
	(pc) =	sbr.rel @p2 .LBB2_7-.Ltmp2, $4  }
0x86: {  	v31 =	vadd.f32 v23, v31;
	v32 =	vadd.f32 v26, v32;
	v20 =	vld.idx.msk [tilespmem:v2+s8+$0xFFFFFF90 ss:$0x1], $0xffff  }
0x87: {  	v28 =	vadd.f32 v24, v28;
	v29 =	vadd.f32 v25, v29;
	v23 =	vld.idx.msk [tilespmem:v2+s8+$0xFFFFFF00 ss:$0x1], $0xffff  }
0x88: {  	v26 =	vadd.f32 v27, v31;
	v27 =	vadd.f32 v34, v32;
	v24 =	vld.idx.msk [tilespmem:v2+s8+$0xFFFFFF10 ss:$0x1], $0xffff  }
0x89: {  	s9 =	sadd.s32 $0xA00, s9;
	v28 =	vadd.f32 v30, v28;
	v29 =	vadd.f32 v33, v29;
	v25 =	vld.idx.msk [tilespmem:v2+s8+$0xFFFFFF20 ss:$0x1], $0xffff  }
0x8a: {  	_ =	sdelay $0x1  }
0x8b: {  	v21 =	vadd.f32 v21, v26;
	v22 =	vadd.f32 v22, v27  }
0x8c: {  	v12 =	vadd.f32 v12, v28;
	v16 =	vadd.f32 v16, v29  }
0x8d: {  	v49 =	vld.idx.msk [tilespmem:v2+s8+$0xFFFFFF30 ss:$0x1], $0xffff;
	v11 =	vadd.f32 v11, v21;
	v13 =	vadd.f32 v13, v22  }
0x8e: {  	v50 =	vld.idx.msk [tilespmem:v2+s8+$0xFFFFFFA0 ss:$0x1], $0xffff;
	v9 =	vadd.f32 v23, v9;
	v5 =	vadd.f32 v5, v12  }
0x8f: {  	v51 =	vld.idx.msk [tilespmem:v2+s8+$0xFFFFFFB0 ss:$0x1], $0xffff;
	v6 =	vadd.f32 v6, v16;
	v54 =	vadd.f32 v24, v18  }
0x90: {  	v52 =	vld.idx.msk [tilespmem:v2+s8+$0x20 ss:$0x1], $0xffff;
	v7 =	vadd.f32 v7, v11;
	v8 =	vadd.f32 v8, v13  }
0x91: {  	v53 =	vld.idx.msk [tilespmem:v2+s8+$0x30 ss:$0x1], $0xffff;
	v17 =	vadd.f32 v25, v17;
	v9 =	vadd.f32 v19, v9  }
0x92: {  	v55 =	vld.idx.msk [tilespmem:v2+s8+$0xA0 ss:$0x1], $0xffff;
	v14 =	vadd.f32 v49, v14;
	v13 =	vadd.f32 v20, v54  }
0x93: {  	v56 =	vld.idx.msk [tilespmem:v2+s8+$0xB0 ss:$0x1], $0xffff;
	s9 =	sshll.u32 s21, $0x7;
	v17 =	vadd.f32 v50, v17;
	v9 =	vadd.f32 v15, v9  }
0x94: {  	v57 =	vld.idx.msk [tilespmem:v2+s8+$0x120 ss:$0x1], $0xffff;
	s31 =	sand.u32 $0x3FFFFF80, s9;
	v14 =	vadd.f32 v51, v14;
	v10 =	vadd.f32 v10, v13  }
0x95: {  	v58 =	vld.idx.msk [tilespmem:v2+s8+$0x130 ss:$0x1], $0xffff;
	[tilespmem:s31+$0x19400] =	vst v5;
	v12 =	vadd.f32 v52, v17;
	v4 =	vadd.f32 v4, v9  }
0x96: {  	s21 =	sadd.s32 $0x1, s21;
	[tilespmem:s31+$0x19410] =	vst v6;
	v59 =	vadd.f32 v53, v14;
	v3 =	vadd.f32 v3, v10  }
0x97: {  	p2 =	sne.s32 s21, $0x4;
	[tilespmem:s31+$0x19420] =	vst v7;
	v60 =	vadd.f32 v55, v12;
	v1 =	vadd.f32 v1, v4  }
.Ltmp3:
0x98: {  	[tilespmem:s31+$0x19430] =	vst v8;
	v61 =	vadd.f32 v56, v59;
	v0 =	vadd.f32 v0, v3;
	(pc) =	sbr.rel @p2 .LBB2_6-.Ltmp3, $4  }
0x99: {  	v62 =	vadd.f32 v57, v60;
	[tilespmem:s31+$0x19440] =	vst v1  }
0x9a: {  	v63 =	vadd.f32 v58, v61;
	[tilespmem:s31+$0x19450] =	vst v0  }
0x9b: {  	[tilespmem:s31+$0x19460] =	vst v62  }
0x9c: {  	s25 =	sadd.s32 $0x1900, s25;
	[tilespmem:s31+$0x19470] =	vst v63  }
0x9d: {  	s8 =	simm.s32 @!p0 $0x9  }
0x9e: {  	_ =	swait.ge @!p0 [sflag:s8], $0xC8  }
0x9f: {  	s9 =	simm.s32 @!p0 $0x0;
	[sflag:s8] =	ssyncset.done @!p0 $0x0  }
0xa0: {  	s10 =	simm.s32 @!p0 $0x400;
	[sflag:s8] =	ssyncadd.s32 @!p0 $0xFFFFFF38;
	s8 =	simm.s32 @!p0 $0x68  }
0xa1: {  	[tilespmem:s10], [sflag:$0x1] =	stream.indirect.gather @!p0 [hbm4b:s2+s8], $0x80, s9, s8, $0xb8;
	[tilespmem:$0x19C00] =	vst v63  }
0xa2: {  	s21 =	simm.s32 @!p0 $0x3800;
	s31 =	sshll.u32 s6, $0x8;
	s10 =	simm.s32 @!p0 $0x60  }
0xa3: {  	[tilespmem:s21], [sflag:$0x1] =	stream.indirect.gather @!p0 [hbm4b:s2+s10], $0x80, s8, s10, $0xb8;
	[tilespmem:$0x19C00] =	vst v63  }
0xa4: {  	s21 =	sadd.s32 s12, s31  }
0xa5: {  	s8 =	sadd.s32 s3, s21  }
0xa6: {  	[hbm4b:s8+s4] =	stream.linear.scatter [tilespmem:s0], [sflag:$0x5], $0x200, $0x38;
	[tilespmem:$0x19C00] =	vst v63  }
0xa7: {  	_ =	swait.ge [sflag:s23], $0x3400  }
0xa8: {  	s8 =	sadd.s32 @!p0 s26, s13;
	[sflag:s23] =	ssyncset.done $0x0  }
0xa9: {  	s8 =	smul.u32 @!p0 $0x32, s8;
	[sflag:s23] =	ssyncadd.s32 $0xFFFFCC00  }
0xaa: {  	_ =	swait.ge [sflag:s23], $0x3000  }
0xab: {  	s8 =	sshrl.u32 @!p0 s8, $0x3;
	[sflag:s23] =	ssyncset.done $0x0  }
0xac: {  	s10 =	simm.s32 @!p0 $0x100;
	s8 =	sadd.s32 @!p0 s5, s8;
	[sflag:s23] =	ssyncadd.s32 $0xFFFFD000  }
0xad: {  	[tilespmem:s10], [sflag:$0xA] =	stream.linear.gather @!p0 [hbm4b:s8+s9], $0xC8, $0x38;
	[tilespmem:$0x19C00] =	vst v63  }
0xae: {  	s8 =	simm.s32 @!p1 $0x6  }
0xaf: {  	_ =	swait.ge @!p1 [sflag:s8], $0x200  }
0xb0: {  	[sflag:s8] =	ssyncset.done @!p1 $0x0  }
0xb1: {  	s25 =	simm.s32 $0x6940;
	s26 =	simm.s32 $0x0;
	[sflag:s8] =	ssyncadd.s32 @!p1 $0xFFFFFE00  }
.LBB2_10:
0xb2: {  	v2 =	vmov s25;
	_ =	sdelay $0x3  }
0xb3: {  	s8 =	simm.s32 $0x0  }
0xb4: {  	v5 =	vld.idx.msk [tilespmem:v2+s8+$0xC0 ss:$0x1], $0xffff  }
0xb5: {  	v6 =	vld.idx.msk [tilespmem:v2+s8+$0xD0 ss:$0x1], $0xffff  }
0xb6: {  	v7 =	vld.idx.msk [tilespmem:v2+s8+$0xE0 ss:$0x1], $0xffff  }
0xb7: {  	v8 =	vld.idx.msk [tilespmem:v2+s8+$0xF0 ss:$0x1], $0xffff  }
0xb8: {  	v1 =	vld.idx.msk [tilespmem:v2+s8+$0x100 ss:$0x1], $0xffff  }
0xb9: {  	v0 =	vld.idx.msk [tilespmem:v2+s8+$0x110 ss:$0x1], $0xffff  }
0xba: {  	v12 =	vld.idx.msk [tilespmem:v2+s8+$0x40 ss:$0x1], $0xffff  }
0xbb: {  	v16 =	vld.idx.msk [tilespmem:v2+s8+$0x50 ss:$0x1], $0xffff  }
0xbc: {  	v11 =	vld.idx.msk [tilespmem:v2+s8+$0x60 ss:$0x1], $0xffff  }
0xbd: {  	v13 =	vld.idx.msk [tilespmem:v2+s8+$0x70 ss:$0x1], $0xffff  }
0xbe: {  	v4 =	vld.idx.msk [tilespmem:v2+s8+$0x80 ss:$0x1], $0xffff  }
0xbf: {  	v3 =	vld.idx.msk [tilespmem:v2+s8+$0x90 ss:$0x1], $0xffff  }
0xc0: {  	v14 =	vld.idx.msk [tilespmem:v2+s8+$0xFFFFFFC0 ss:$0x1], $0xffff  }
0xc1: {  	v17 =	vld.idx.msk [tilespmem:v2+s8+$0xFFFFFFD0 ss:$0x1], $0xffff  }
0xc2: {  	v21 =	vld.idx.msk [tilespmem:v2+s8+$0xFFFFFFE0 ss:$0x1], $0xffff  }
0xc3: {  	v22 =	vld.idx.msk [tilespmem:v2+s8+$0xFFFFFFF0 ss:$0x1], $0xffff  }
0xc4: {  	v18 =	vld.idx.msk [tilespmem:v2+s8+$0xFFFFFF40 ss:$0x1], $0xffff  }
0xc5: {  	v23 =	vld.idx.msk [tilespmem:v2+s8+$0xFFFFFF50 ss:$0x1], $0xffff  }
0xc6: {  	v19 =	vld.idx.msk [tilespmem:v2+s8+$0xFFFFFEC0 ss:$0x1], $0xffff  }
0xc7: {  	v20 =	vld.idx.msk [tilespmem:v2+s8+$0xFFFFFED0 ss:$0x1], $0xffff  }
0xc8: {  	v24 =	vld.idx.msk [tilespmem:v2+s8+$0xFFFFFEE0 ss:$0x1], $0xffff  }
0xc9: {  	v25 =	vld.idx.msk [tilespmem:v2+s8+$0xFFFFFEF0 ss:$0x1], $0xffff  }
0xca: {  	v26 =	vld.idx.msk [tilespmem:v2+s8+$0xFFFFFF60 ss:$0x1], $0xffff  }
0xcb: {  	v27 =	vld.idx.msk [tilespmem:v2+s8+$0xFFFFFF70 ss:$0x1], $0xffff  }
0xcc: {  	v9 =	vimm.f32 $0.0e+00;
	v15 =	vld.idx.msk [tilespmem:v2+s8+$0x0 ss:$0x1], $0xffff  }
0xcd: {  	v10 =	vld.idx.msk [tilespmem:v2+s8+$0x10 ss:$0x1], $0xffff;
	v28 =	vadd.f32 v19, v9;
	v29 =	vadd.f32 v20, v9  }
0xce: {  	v19 =	vld.idx.msk [tilespmem:v2+s8+$0xFFFFFF80 ss:$0x1], $0xffff;
	v24 =	vadd.f32 v24, v9;
	v25 =	vadd.f32 v25, v9  }
0xcf: {  	v20 =	vld.idx.msk [tilespmem:v2+s8+$0xFFFFFF90 ss:$0x1], $0xffff;
	v18 =	vadd.f32 v18, v28;
	v29 =	vadd.f32 v23, v29  }
0xd0: {  	v23 =	vld.idx.msk [tilespmem:v2+s8+$0xFFFFFF00 ss:$0x1], $0xffff;
	v26 =	vadd.f32 v26, v24;
	v27 =	vadd.f32 v27, v25  }
0xd1: {  	v24 =	vld.idx.msk [tilespmem:v2+s8+$0xFFFFFF10 ss:$0x1], $0xffff;
	v28 =	vadd.f32 v14, v18;
	v29 =	vadd.f32 v17, v29  }
0xd2: {  	s9 =	simm.s32 $0xA00;
	v25 =	vld.idx.msk [tilespmem:v2+s8+$0xFFFFFF20 ss:$0x1], $0xffff;
	v18 =	vimm.f32 $0.0e+00;
	v17 =	vimm.f32 $0.0e+00;
	v14 =	vimm.f32 $0.0e+00  }
.LBB2_11:
0xd3: {  	p2 =	sne.s32 s9, $0x5A00;
	v30 =	vld.idx.msk [tilespmem:v2+s8+$0xFFFFFF30 ss:$0x1], $0xffff;
	v21 =	vadd.f32 v21, v26;
	v22 =	vadd.f32 v22, v27  }
0xd4: {  	v26 =	vld.idx.msk [tilespmem:v2+s8+$0xFFFFFFA0 ss:$0x1], $0xffff;
	v12 =	vadd.f32 v12, v28;
	v16 =	vadd.f32 v16, v29  }
0xd5: {  	v27 =	vld.idx.msk [tilespmem:v2+s8+$0xFFFFFFB0 ss:$0x1], $0xffff;
	v11 =	vadd.f32 v11, v21;
	v13 =	vadd.f32 v13, v22  }
0xd6: {  	v21 =	vld.idx.msk [tilespmem:v2+s8+$0x20 ss:$0x1], $0xffff;
	v28 =	vadd.f32 v5, v12;
	v29 =	vadd.f32 v6, v16  }
0xd7: {  	v12 =	vld.idx.msk [tilespmem:v2+s8+$0x30 ss:$0x1], $0xffff;
	v31 =	vadd.f32 v7, v11;
	v32 =	vadd.f32 v8, v13  }
0xd8: {  	v5 =	vadd.f32 v23, v9;
	v6 =	vadd.f32 v24, v18;
	v9 =	vld.idx.msk [tilespmem:v2+s8+$0xA0 ss:$0x1], $0xffff  }
0xd9: {  	v7 =	vadd.f32 v25, v17;
	v8 =	vadd.f32 v30, v14;
	v11 =	vld.idx.msk [tilespmem:v2+s8+$0xB0 ss:$0x1], $0xffff  }
0xda: {  	v13 =	vadd.f32 v19, v5;
	v6 =	vadd.f32 v20, v6;
	v14 =	vld.idx.msk [tilespmem:v2+s8+$0x120 ss:$0x1], $0xffff  }
0xdb: {  	v7 =	vadd.f32 v26, v7;
	v8 =	vadd.f32 v27, v8;
	v16 =	vld.idx.msk [tilespmem:v2+s8+$0x130 ss:$0x1], $0xffff;
	s8 =	sshra.s32 s9, $0x2  }
0xdc: {  	v13 =	vadd.f32 v15, v13;
	v10 =	vadd.f32 v10, v6;
	v5 =	vld.idx.msk [tilespmem:v2+s8+$0xC0 ss:$0x1], $0xffff  }
0xdd: {  	v15 =	vadd.f32 v21, v7;
	v12 =	vadd.f32 v12, v8;
	v6 =	vld.idx.msk [tilespmem:v2+s8+$0xD0 ss:$0x1], $0xffff  }
0xde: {  	v4 =	vadd.f32 v4, v13;
	v3 =	vadd.f32 v3, v10;
	v7 =	vld.idx.msk [tilespmem:v2+s8+$0xE0 ss:$0x1], $0xffff  }
0xdf: {  	v10 =	vadd.f32 v9, v15;
	v11 =	vadd.f32 v11, v12;
	v8 =	vld.idx.msk [tilespmem:v2+s8+$0xF0 ss:$0x1], $0xffff  }
0xe0: {  	v9 =	vadd.f32 v1, v4;
	v18 =	vadd.f32 v0, v3;
	v1 =	vld.idx.msk [tilespmem:v2+s8+$0x100 ss:$0x1], $0xffff  }
0xe1: {  	v17 =	vadd.f32 v14, v10;
	v14 =	vadd.f32 v16, v11;
	v0 =	vld.idx.msk [tilespmem:v2+s8+$0x110 ss:$0x1], $0xffff  }
0xe2: {  	v12 =	vld.idx.msk [tilespmem:v2+s8+$0x40 ss:$0x1], $0xffff  }
0xe3: {  	v16 =	vld.idx.msk [tilespmem:v2+s8+$0x50 ss:$0x1], $0xffff  }
0xe4: {  	v11 =	vld.idx.msk [tilespmem:v2+s8+$0x60 ss:$0x1], $0xffff  }
0xe5: {  	v13 =	vld.idx.msk [tilespmem:v2+s8+$0x70 ss:$0x1], $0xffff  }
0xe6: {  	v4 =	vld.idx.msk [tilespmem:v2+s8+$0x80 ss:$0x1], $0xffff  }
0xe7: {  	v3 =	vld.idx.msk [tilespmem:v2+s8+$0x90 ss:$0x1], $0xffff  }
0xe8: {  	v30 =	vld.idx.msk [tilespmem:v2+s8+$0xFFFFFFC0 ss:$0x1], $0xffff  }
0xe9: {  	v33 =	vld.idx.msk [tilespmem:v2+s8+$0xFFFFFFD0 ss:$0x1], $0xffff  }
0xea: {  	v21 =	vld.idx.msk [tilespmem:v2+s8+$0xFFFFFFE0 ss:$0x1], $0xffff  }
0xeb: {  	v22 =	vld.idx.msk [tilespmem:v2+s8+$0xFFFFFFF0 ss:$0x1], $0xffff  }
0xec: {  	v24 =	vld.idx.msk [tilespmem:v2+s8+$0xFFFFFF40 ss:$0x1], $0xffff  }
0xed: {  	v25 =	vld.idx.msk [tilespmem:v2+s8+$0xFFFFFF50 ss:$0x1], $0xffff  }
0xee: {  	v19 =	vld.idx.msk [tilespmem:v2+s8+$0xFFFFFEC0 ss:$0x1], $0xffff  }
0xef: {  	v20 =	vld.idx.msk [tilespmem:v2+s8+$0xFFFFFED0 ss:$0x1], $0xffff  }
0xf0: {  	v23 =	vld.idx.msk [tilespmem:v2+s8+$0xFFFFFEE0 ss:$0x1], $0xffff  }
0xf1: {  	v26 =	vld.idx.msk [tilespmem:v2+s8+$0xFFFFFEF0 ss:$0x1], $0xffff  }
0xf2: {  	v27 =	vld.idx.msk [tilespmem:v2+s8+$0xFFFFFF60 ss:$0x1], $0xffff  }
0xf3: {  	v34 =	vld.idx.msk [tilespmem:v2+s8+$0xFFFFFF70 ss:$0x1], $0xffff  }
0xf4: {  	v15 =	vld.idx.msk [tilespmem:v2+s8+$0x0 ss:$0x1], $0xffff  }
0xf5: {  	v10 =	vld.idx.msk [tilespmem:v2+s8+$0x10 ss:$0x1], $0xffff  }
.Ltmp4:
0xf6: {  	v28 =	vadd.f32 v19, v28;
	v29 =	vadd.f32 v20, v29;
	v19 =	vld.idx.msk [tilespmem:v2+s8+$0xFFFFFF80 ss:$0x1], $0xffff;
	(pc) =	sbr.rel @p2 .LBB2_11-.Ltmp4, $4  }
0xf7: {  	v31 =	vadd.f32 v23, v31;
	v32 =	vadd.f32 v26, v32;
	v20 =	vld.idx.msk [tilespmem:v2+s8+$0xFFFFFF90 ss:$0x1], $0xffff  }
0xf8: {  	v28 =	vadd.f32 v24, v28;
	v29 =	vadd.f32 v25, v29;
	v23 =	vld.idx.msk [tilespmem:v2+s8+$0xFFFFFF00 ss:$0x1], $0xffff  }
0xf9: {  	v26 =	vadd.f32 v27, v31;
	v27 =	vadd.f32 v34, v32;
	v24 =	vld.idx.msk [tilespmem:v2+s8+$0xFFFFFF10 ss:$0x1], $0xffff  }
0xfa: {  	s9 =	sadd.s32 $0xA00, s9;
	v28 =	vadd.f32 v30, v28;
	v29 =	vadd.f32 v33, v29;
	v25 =	vld.idx.msk [tilespmem:v2+s8+$0xFFFFFF20 ss:$0x1], $0xffff  }
0xfb: {  	_ =	sdelay $0x1  }
0xfc: {  	v21 =	vadd.f32 v21, v26;
	v22 =	vadd.f32 v22, v27  }
0xfd: {  	v12 =	vadd.f32 v12, v28;
	v16 =	vadd.f32 v16, v29  }
0xfe: {  	v49 =	vld.idx.msk [tilespmem:v2+s8+$0xFFFFFF30 ss:$0x1], $0xffff;
	v11 =	vadd.f32 v11, v21;
	v13 =	vadd.f32 v13, v22  }
0xff: {  	v50 =	vld.idx.msk [tilespmem:v2+s8+$0xFFFFFFA0 ss:$0x1], $0xffff;
	v9 =	vadd.f32 v23, v9;
	v5 =	vadd.f32 v5, v12  }
0x100: {  	v51 =	vld.idx.msk [tilespmem:v2+s8+$0xFFFFFFB0 ss:$0x1], $0xffff;
	v6 =	vadd.f32 v6, v16;
	v54 =	vadd.f32 v24, v18  }
0x101: {  	v52 =	vld.idx.msk [tilespmem:v2+s8+$0x20 ss:$0x1], $0xffff;
	v7 =	vadd.f32 v7, v11;
	v8 =	vadd.f32 v8, v13  }
0x102: {  	v53 =	vld.idx.msk [tilespmem:v2+s8+$0x30 ss:$0x1], $0xffff;
	v17 =	vadd.f32 v25, v17;
	v9 =	vadd.f32 v19, v9  }
0x103: {  	v55 =	vld.idx.msk [tilespmem:v2+s8+$0xA0 ss:$0x1], $0xffff;
	v14 =	vadd.f32 v49, v14;
	v13 =	vadd.f32 v20, v54  }
0x104: {  	v56 =	vld.idx.msk [tilespmem:v2+s8+$0xB0 ss:$0x1], $0xffff;
	s9 =	sshll.u32 s26, $0x7;
	v17 =	vadd.f32 v50, v17;
	v9 =	vadd.f32 v15, v9  }
0x105: {  	v57 =	vld.idx.msk [tilespmem:v2+s8+$0x120 ss:$0x1], $0xffff;
	s31 =	sand.u32 $0x3FFFFF80, s9;
	v14 =	vadd.f32 v51, v14;
	v10 =	vadd.f32 v10, v13  }
0x106: {  	v58 =	vld.idx.msk [tilespmem:v2+s8+$0x130 ss:$0x1], $0xffff;
	[tilespmem:s31+$0x19600] =	vst v5;
	v12 =	vadd.f32 v52, v17;
	v4 =	vadd.f32 v4, v9  }
0x107: {  	s26 =	sadd.s32 $0x1, s26;
	[tilespmem:s31+$0x19610] =	vst v6;
	v59 =	vadd.f32 v53, v14;
	v3 =	vadd.f32 v3, v10  }
0x108: {  	p2 =	sne.s32 s26, $0x4;
	[tilespmem:s31+$0x19620] =	vst v7;
	v60 =	vadd.f32 v55, v12;
	v1 =	vadd.f32 v1, v4  }
.Ltmp5:
0x109: {  	[tilespmem:s31+$0x19630] =	vst v8;
	v61 =	vadd.f32 v56, v59;
	v0 =	vadd.f32 v0, v3;
	(pc) =	sbr.rel @p2 .LBB2_10-.Ltmp5, $4  }
0x10a: {  	v62 =	vadd.f32 v57, v60;
	[tilespmem:s31+$0x19640] =	vst v1  }
0x10b: {  	v63 =	vadd.f32 v58, v61;
	[tilespmem:s31+$0x19650] =	vst v0  }
0x10c: {  	[tilespmem:s31+$0x19660] =	vst v62  }
0x10d: {  	s25 =	sadd.s32 $0x1900, s25;
	[tilespmem:s31+$0x19670] =	vst v63  }
0x10e: {  	s8 =	simm.s32 @!p0 $0xA  }
0x10f: {  	s9 =	simm.s32 @!p0 $0x100;
	s31 =	sshll.u32 s6, $0x4;
	_ =	swait.ge @!p0 [sflag:s8], $0xC8  }
0x110: {  	s10 =	simm.s32 @!p0 $0x6800;
	s26 =	sadd.s32 s31, s7;
	[sflag:s8] =	ssyncset.done @!p0 $0x0  }
0x111: {  	s26 =	sshll.u32 s26, $0x4;
	[sflag:s8] =	ssyncadd.s32 @!p0 $0xFFFFFF38;
	s8 =	simm.s32 @!p0 $0x68  }
0x112: {  	[tilespmem:s10], [sflag:$0x2] =	stream.indirect.gather @!p0 [hbm4b:s2+s8], $0x80, s9, s8, $0xb8;
	[tilespmem:$0x19C00] =	vst v63  }
0x113: {  	s8 =	simm.s32 @!p0 $0x60;
	s9 =	simm.s32 @!p0 $0x168;
	s10 =	simm.s32 @!p0 $0x9C00  }
0x114: {  	[tilespmem:s10], [sflag:$0x2] =	stream.indirect.gather @!p0 [hbm4b:s2+s8], $0x80, s9, s8, $0xb8;
	[tilespmem:$0x19C00] =	vst v63  }
0x115: {  	s8 =	sadd.s32 $0x40, s26  }
0x116: {  	s8 =	sand.u32 $0x1FFFFF40, s8  }
0x117: {  	s8 =	sadd.s32 s3, s8  }
0x118: {  	[hbm4b:s8+s4] =	stream.linear.scatter [tilespmem:s28], [sflag:$0x6], $0x200, $0x38;
	[tilespmem:$0x19C00] =	vst v63  }
0x119: {  	_ =	swait.ge [sflag:s29], $0x3400  }
0x11a: {  	s8 =	sadd.s32 @!p0 s31, s14;
	[sflag:s29] =	ssyncset.done $0x0  }
0x11b: {  	s8 =	smul.u32 @!p0 $0x32, s8;
	[sflag:s29] =	ssyncadd.s32 $0xFFFFCC00  }
0x11c: {  	_ =	swait.ge [sflag:s29], $0x3000  }
0x11d: {  	s9 =	simm.s32 @!p0 $0x0;
	s8 =	sshrl.u32 @!p0 s8, $0x3;
	[sflag:s29] =	ssyncset.done $0x0  }
0x11e: {  	s10 =	simm.s32 @!p0 $0x200;
	s8 =	sadd.s32 @!p0 s5, s8;
	[sflag:s29] =	ssyncadd.s32 $0xFFFFD000  }
0x11f: {  	[tilespmem:s10], [sflag:$0xB] =	stream.linear.gather @!p0 [hbm4b:s8+s9], $0xC8, $0x38;
	[tilespmem:$0x19C00] =	vst v63  }
0x120: {  	s8 =	simm.s32 @!p1 $0x7  }
0x121: {  	_ =	swait.ge @!p1 [sflag:s8], $0x200  }
0x122: {  	[sflag:s8] =	ssyncset.done @!p1 $0x0  }
0x123: {  	s25 =	simm.s32 $0x0;
	[sflag:s8] =	ssyncadd.s32 @!p1 $0xFFFFFE00;
	s8 =	simm.s32 $0xCD40  }
.LBB2_14:
0x124: {  	v2 =	vmov s8;
	_ =	sdelay $0x3  }
0x125: {  	s9 =	simm.s32 $0x0  }
0x126: {  	v5 =	vld.idx.msk [tilespmem:v2+s9+$0xC0 ss:$0x1], $0xffff  }
0x127: {  	v6 =	vld.idx.msk [tilespmem:v2+s9+$0xD0 ss:$0x1], $0xffff  }
0x128: {  	v7 =	vld.idx.msk [tilespmem:v2+s9+$0xE0 ss:$0x1], $0xffff  }
0x129: {  	v8 =	vld.idx.msk [tilespmem:v2+s9+$0xF0 ss:$0x1], $0xffff  }
0x12a: {  	v1 =	vld.idx.msk [tilespmem:v2+s9+$0x100 ss:$0x1], $0xffff  }
0x12b: {  	v0 =	vld.idx.msk [tilespmem:v2+s9+$0x110 ss:$0x1], $0xffff  }
0x12c: {  	v12 =	vld.idx.msk [tilespmem:v2+s9+$0x40 ss:$0x1], $0xffff  }
0x12d: {  	v16 =	vld.idx.msk [tilespmem:v2+s9+$0x50 ss:$0x1], $0xffff  }
0x12e: {  	v11 =	vld.idx.msk [tilespmem:v2+s9+$0x60 ss:$0x1], $0xffff  }
0x12f: {  	v13 =	vld.idx.msk [tilespmem:v2+s9+$0x70 ss:$0x1], $0xffff  }
0x130: {  	v4 =	vld.idx.msk [tilespmem:v2+s9+$0x80 ss:$0x1], $0xffff  }
0x131: {  	v3 =	vld.idx.msk [tilespmem:v2+s9+$0x90 ss:$0x1], $0xffff  }
0x132: {  	v14 =	vld.idx.msk [tilespmem:v2+s9+$0xFFFFFFC0 ss:$0x1], $0xffff  }
0x133: {  	v17 =	vld.idx.msk [tilespmem:v2+s9+$0xFFFFFFD0 ss:$0x1], $0xffff  }
0x134: {  	v21 =	vld.idx.msk [tilespmem:v2+s9+$0xFFFFFFE0 ss:$0x1], $0xffff  }
0x135: {  	v22 =	vld.idx.msk [tilespmem:v2+s9+$0xFFFFFFF0 ss:$0x1], $0xffff  }
0x136: {  	v18 =	vld.idx.msk [tilespmem:v2+s9+$0xFFFFFF40 ss:$0x1], $0xffff  }
0x137: {  	v23 =	vld.idx.msk [tilespmem:v2+s9+$0xFFFFFF50 ss:$0x1], $0xffff  }
0x138: {  	v19 =	vld.idx.msk [tilespmem:v2+s9+$0xFFFFFEC0 ss:$0x1], $0xffff  }
0x139: {  	v20 =	vld.idx.msk [tilespmem:v2+s9+$0xFFFFFED0 ss:$0x1], $0xffff  }
0x13a: {  	v24 =	vld.idx.msk [tilespmem:v2+s9+$0xFFFFFEE0 ss:$0x1], $0xffff  }
0x13b: {  	v25 =	vld.idx.msk [tilespmem:v2+s9+$0xFFFFFEF0 ss:$0x1], $0xffff  }
0x13c: {  	v26 =	vld.idx.msk [tilespmem:v2+s9+$0xFFFFFF60 ss:$0x1], $0xffff  }
0x13d: {  	v27 =	vld.idx.msk [tilespmem:v2+s9+$0xFFFFFF70 ss:$0x1], $0xffff  }
0x13e: {  	v9 =	vimm.f32 $0.0e+00;
	v15 =	vld.idx.msk [tilespmem:v2+s9+$0x0 ss:$0x1], $0xffff  }
0x13f: {  	v10 =	vld.idx.msk [tilespmem:v2+s9+$0x10 ss:$0x1], $0xffff;
	v28 =	vadd.f32 v19, v9;
	v29 =	vadd.f32 v20, v9  }
0x140: {  	v19 =	vld.idx.msk [tilespmem:v2+s9+$0xFFFFFF80 ss:$0x1], $0xffff;
	v24 =	vadd.f32 v24, v9;
	v25 =	vadd.f32 v25, v9  }
0x141: {  	v20 =	vld.idx.msk [tilespmem:v2+s9+$0xFFFFFF90 ss:$0x1], $0xffff;
	v18 =	vadd.f32 v18, v28;
	v29 =	vadd.f32 v23, v29  }
0x142: {  	v23 =	vld.idx.msk [tilespmem:v2+s9+$0xFFFFFF00 ss:$0x1], $0xffff;
	v26 =	vadd.f32 v26, v24;
	v27 =	vadd.f32 v27, v25  }
0x143: {  	v24 =	vld.idx.msk [tilespmem:v2+s9+$0xFFFFFF10 ss:$0x1], $0xffff;
	v28 =	vadd.f32 v14, v18;
	v29 =	vadd.f32 v17, v29  }
0x144: {  	s10 =	simm.s32 $0xA00;
	v25 =	vld.idx.msk [tilespmem:v2+s9+$0xFFFFFF20 ss:$0x1], $0xffff;
	v18 =	vimm.f32 $0.0e+00;
	v17 =	vimm.f32 $0.0e+00;
	v14 =	vimm.f32 $0.0e+00  }
.LBB2_15:
0x145: {  	p2 =	sne.s32 s10, $0x5A00;
	v30 =	vld.idx.msk [tilespmem:v2+s9+$0xFFFFFF30 ss:$0x1], $0xffff;
	v21 =	vadd.f32 v21, v26;
	v22 =	vadd.f32 v22, v27  }
0x146: {  	v26 =	vld.idx.msk [tilespmem:v2+s9+$0xFFFFFFA0 ss:$0x1], $0xffff;
	v12 =	vadd.f32 v12, v28;
	v16 =	vadd.f32 v16, v29  }
0x147: {  	v27 =	vld.idx.msk [tilespmem:v2+s9+$0xFFFFFFB0 ss:$0x1], $0xffff;
	v11 =	vadd.f32 v11, v21;
	v13 =	vadd.f32 v13, v22  }
0x148: {  	v21 =	vld.idx.msk [tilespmem:v2+s9+$0x20 ss:$0x1], $0xffff;
	v28 =	vadd.f32 v5, v12;
	v29 =	vadd.f32 v6, v16  }
0x149: {  	v12 =	vld.idx.msk [tilespmem:v2+s9+$0x30 ss:$0x1], $0xffff;
	v31 =	vadd.f32 v7, v11;
	v32 =	vadd.f32 v8, v13  }
0x14a: {  	v5 =	vadd.f32 v23, v9;
	v6 =	vadd.f32 v24, v18;
	v9 =	vld.idx.msk [tilespmem:v2+s9+$0xA0 ss:$0x1], $0xffff  }
0x14b: {  	v7 =	vadd.f32 v25, v17;
	v8 =	vadd.f32 v30, v14;
	v11 =	vld.idx.msk [tilespmem:v2+s9+$0xB0 ss:$0x1], $0xffff  }
0x14c: {  	v13 =	vadd.f32 v19, v5;
	v6 =	vadd.f32 v20, v6;
	v14 =	vld.idx.msk [tilespmem:v2+s9+$0x120 ss:$0x1], $0xffff  }
0x14d: {  	v7 =	vadd.f32 v26, v7;
	v8 =	vadd.f32 v27, v8;
	v16 =	vld.idx.msk [tilespmem:v2+s9+$0x130 ss:$0x1], $0xffff;
	s9 =	sshra.s32 s10, $0x2  }
0x14e: {  	v13 =	vadd.f32 v15, v13;
	v10 =	vadd.f32 v10, v6;
	v5 =	vld.idx.msk [tilespmem:v2+s9+$0xC0 ss:$0x1], $0xffff  }
0x14f: {  	v15 =	vadd.f32 v21, v7;
	v12 =	vadd.f32 v12, v8;
	v6 =	vld.idx.msk [tilespmem:v2+s9+$0xD0 ss:$0x1], $0xffff  }
0x150: {  	v4 =	vadd.f32 v4, v13;
	v3 =	vadd.f32 v3, v10;
	v7 =	vld.idx.msk [tilespmem:v2+s9+$0xE0 ss:$0x1], $0xffff  }
0x151: {  	v10 =	vadd.f32 v9, v15;
	v11 =	vadd.f32 v11, v12;
	v8 =	vld.idx.msk [tilespmem:v2+s9+$0xF0 ss:$0x1], $0xffff  }
0x152: {  	v9 =	vadd.f32 v1, v4;
	v18 =	vadd.f32 v0, v3;
	v1 =	vld.idx.msk [tilespmem:v2+s9+$0x100 ss:$0x1], $0xffff  }
0x153: {  	v17 =	vadd.f32 v14, v10;
	v14 =	vadd.f32 v16, v11;
	v0 =	vld.idx.msk [tilespmem:v2+s9+$0x110 ss:$0x1], $0xffff  }
0x154: {  	v12 =	vld.idx.msk [tilespmem:v2+s9+$0x40 ss:$0x1], $0xffff  }
0x155: {  	v16 =	vld.idx.msk [tilespmem:v2+s9+$0x50 ss:$0x1], $0xffff  }
0x156: {  	v11 =	vld.idx.msk [tilespmem:v2+s9+$0x60 ss:$0x1], $0xffff  }
0x157: {  	v13 =	vld.idx.msk [tilespmem:v2+s9+$0x70 ss:$0x1], $0xffff  }
0x158: {  	v4 =	vld.idx.msk [tilespmem:v2+s9+$0x80 ss:$0x1], $0xffff  }
0x159: {  	v3 =	vld.idx.msk [tilespmem:v2+s9+$0x90 ss:$0x1], $0xffff  }
0x15a: {  	v30 =	vld.idx.msk [tilespmem:v2+s9+$0xFFFFFFC0 ss:$0x1], $0xffff  }
0x15b: {  	v33 =	vld.idx.msk [tilespmem:v2+s9+$0xFFFFFFD0 ss:$0x1], $0xffff  }
0x15c: {  	v21 =	vld.idx.msk [tilespmem:v2+s9+$0xFFFFFFE0 ss:$0x1], $0xffff  }
0x15d: {  	v22 =	vld.idx.msk [tilespmem:v2+s9+$0xFFFFFFF0 ss:$0x1], $0xffff  }
0x15e: {  	v24 =	vld.idx.msk [tilespmem:v2+s9+$0xFFFFFF40 ss:$0x1], $0xffff  }
0x15f: {  	v25 =	vld.idx.msk [tilespmem:v2+s9+$0xFFFFFF50 ss:$0x1], $0xffff  }
0x160: {  	v19 =	vld.idx.msk [tilespmem:v2+s9+$0xFFFFFEC0 ss:$0x1], $0xffff  }
0x161: {  	v20 =	vld.idx.msk [tilespmem:v2+s9+$0xFFFFFED0 ss:$0x1], $0xffff  }
0x162: {  	v23 =	vld.idx.msk [tilespmem:v2+s9+$0xFFFFFEE0 ss:$0x1], $0xffff  }
0x163: {  	v26 =	vld.idx.msk [tilespmem:v2+s9+$0xFFFFFEF0 ss:$0x1], $0xffff  }
0x164: {  	v27 =	vld.idx.msk [tilespmem:v2+s9+$0xFFFFFF60 ss:$0x1], $0xffff  }
0x165: {  	v34 =	vld.idx.msk [tilespmem:v2+s9+$0xFFFFFF70 ss:$0x1], $0xffff  }
0x166: {  	v15 =	vld.idx.msk [tilespmem:v2+s9+$0x0 ss:$0x1], $0xffff  }
0x167: {  	v10 =	vld.idx.msk [tilespmem:v2+s9+$0x10 ss:$0x1], $0xffff  }
.Ltmp6:
0x168: {  	v28 =	vadd.f32 v19, v28;
	v29 =	vadd.f32 v20, v29;
	v19 =	vld.idx.msk [tilespmem:v2+s9+$0xFFFFFF80 ss:$0x1], $0xffff;
	(pc) =	sbr.rel @p2 .LBB2_15-.Ltmp6, $4  }
0x169: {  	v31 =	vadd.f32 v23, v31;
	v32 =	vadd.f32 v26, v32;
	v20 =	vld.idx.msk [tilespmem:v2+s9+$0xFFFFFF90 ss:$0x1], $0xffff  }
0x16a: {  	v28 =	vadd.f32 v24, v28;
	v29 =	vadd.f32 v25, v29;
	v23 =	vld.idx.msk [tilespmem:v2+s9+$0xFFFFFF00 ss:$0x1], $0xffff  }
0x16b: {  	v26 =	vadd.f32 v27, v31;
	v27 =	vadd.f32 v34, v32;
	v24 =	vld.idx.msk [tilespmem:v2+s9+$0xFFFFFF10 ss:$0x1], $0xffff  }
0x16c: {  	s10 =	sadd.s32 $0xA00, s10;
	v28 =	vadd.f32 v30, v28;
	v29 =	vadd.f32 v33, v29;
	v25 =	vld.idx.msk [tilespmem:v2+s9+$0xFFFFFF20 ss:$0x1], $0xffff  }
0x16d: {  	_ =	sdelay $0x1  }
0x16e: {  	v21 =	vadd.f32 v21, v26;
	v22 =	vadd.f32 v22, v27  }
0x16f: {  	v12 =	vadd.f32 v12, v28;
	v16 =	vadd.f32 v16, v29  }
0x170: {  	v49 =	vld.idx.msk [tilespmem:v2+s9+$0xFFFFFF30 ss:$0x1], $0xffff;
	v11 =	vadd.f32 v11, v21;
	v13 =	vadd.f32 v13, v22  }
0x171: {  	v50 =	vld.idx.msk [tilespmem:v2+s9+$0xFFFFFFA0 ss:$0x1], $0xffff;
	v9 =	vadd.f32 v23, v9;
	v5 =	vadd.f32 v5, v12  }
0x172: {  	v51 =	vld.idx.msk [tilespmem:v2+s9+$0xFFFFFFB0 ss:$0x1], $0xffff;
	v6 =	vadd.f32 v6, v16;
	v54 =	vadd.f32 v24, v18  }
0x173: {  	v52 =	vld.idx.msk [tilespmem:v2+s9+$0x20 ss:$0x1], $0xffff;
	v7 =	vadd.f32 v7, v11;
	v8 =	vadd.f32 v8, v13  }
0x174: {  	v53 =	vld.idx.msk [tilespmem:v2+s9+$0x30 ss:$0x1], $0xffff;
	v17 =	vadd.f32 v25, v17;
	v9 =	vadd.f32 v19, v9  }
0x175: {  	v55 =	vld.idx.msk [tilespmem:v2+s9+$0xA0 ss:$0x1], $0xffff;
	v14 =	vadd.f32 v49, v14;
	v13 =	vadd.f32 v20, v54  }
0x176: {  	v56 =	vld.idx.msk [tilespmem:v2+s9+$0xB0 ss:$0x1], $0xffff;
	s10 =	sshll.u32 s25, $0x7;
	v17 =	vadd.f32 v50, v17;
	v9 =	vadd.f32 v15, v9  }
0x177: {  	v57 =	vld.idx.msk [tilespmem:v2+s9+$0x120 ss:$0x1], $0xffff;
	s10 =	sand.u32 $0x3FFFFF80, s10;
	v14 =	vadd.f32 v51, v14;
	v10 =	vadd.f32 v10, v13  }
0x178: {  	v58 =	vld.idx.msk [tilespmem:v2+s9+$0x130 ss:$0x1], $0xffff;
	[tilespmem:s10+$0x19800] =	vst v5;
	v12 =	vadd.f32 v52, v17;
	v4 =	vadd.f32 v4, v9  }
0x179: {  	s25 =	sadd.s32 $0x1, s25;
	[tilespmem:s10+$0x19810] =	vst v6;
	v59 =	vadd.f32 v53, v14;
	v3 =	vadd.f32 v3, v10  }
0x17a: {  	p2 =	sne.s32 s25, $0x4;
	[tilespmem:s10+$0x19820] =	vst v7;
	v60 =	vadd.f32 v55, v12;
	v1 =	vadd.f32 v1, v4  }
.Ltmp7:
0x17b: {  	[tilespmem:s10+$0x19830] =	vst v8;
	v61 =	vadd.f32 v56, v59;
	v0 =	vadd.f32 v0, v3;
	(pc) =	sbr.rel @p2 .LBB2_14-.Ltmp7, $4  }
0x17c: {  	v62 =	vadd.f32 v57, v60;
	[tilespmem:s10+$0x19840] =	vst v1  }
0x17d: {  	v63 =	vadd.f32 v58, v61;
	[tilespmem:s10+$0x19850] =	vst v0  }
0x17e: {  	[tilespmem:s10+$0x19860] =	vst v62  }
0x17f: {  	s8 =	sadd.s32 $0x1900, s8;
	[tilespmem:s10+$0x19870] =	vst v63  }
0x180: {  	s8 =	simm.s32 @!p0 $0xB  }
0x181: {  	_ =	swait.ge @!p0 [sflag:s8], $0xC8  }
0x182: {  	s9 =	simm.s32 @!p0 $0x200;
	[sflag:s8] =	ssyncset.done @!p0 $0x0  }
0x183: {  	s10 =	simm.s32 @!p0 $0xCC00;
	[sflag:s8] =	ssyncadd.s32 @!p0 $0xFFFFFF38;
	s8 =	simm.s32 @!p0 $0x68  }
0x184: {  	[tilespmem:s10], [sflag:$0x3] =	stream.indirect.gather @!p0 [hbm4b:s2+s8], $0x80, s9, s8, $0xb8;
	[tilespmem:$0x19C00] =	vst v63  }
0x185: {  	s8 =	simm.s32 @!p0 $0x60;
	s9 =	simm.s32 @!p0 $0x268;
	s10 =	simm.s32 @!p0 $0x10000  }
0x186: {  	[tilespmem:s10], [sflag:$0x3] =	stream.indirect.gather @!p0 [hbm4b:s2+s8], $0x80, s9, s8, $0xb8;
	[tilespmem:$0x19C00] =	vst v63  }
0x187: {  	s25 =	sadd.s32 s21, s15  }
0x188: {  	[hbm4b:s25+s4] =	stream.linear.scatter [tilespmem:s30], [sflag:$0x7], $0x200, $0x38;
	[tilespmem:$0x19C00] =	vst v63  }
0x189: {  	_ =	swait.ge [sflag:s18], $0x3400  }
0x18a: {  	s8 =	sadd.s32 @!p0 s31, s16;
	[sflag:s18] =	ssyncset.done $0x0  }
0x18b: {  	s8 =	smul.u32 @!p0 $0x32, s8;
	[sflag:s18] =	ssyncadd.s32 $0xFFFFCC00  }
0x18c: {  	_ =	swait.ge [sflag:s18], $0x3000  }
0x18d: {  	s9 =	simm.s32 @!p0 $0x0;
	s8 =	sshrl.u32 @!p0 s8, $0x3;
	[sflag:s18] =	ssyncset.done $0x0  }
0x18e: {  	s10 =	simm.s32 @!p0 $0x300;
	s8 =	sadd.s32 @!p0 s5, s8;
	[sflag:s18] =	ssyncadd.s32 $0xFFFFD000  }
0x18f: {  	[tilespmem:s10], [sflag:$0xC] =	stream.linear.gather @!p0 [hbm4b:s8+s9], $0xC8, $0x38;
	[tilespmem:$0x19C00] =	vst v63  }
0x190: {  	s8 =	simm.s32 @!p1 $0x8  }
0x191: {  	_ =	swait.ge @!p1 [sflag:s8], $0x200  }
0x192: {  	[sflag:s8] =	ssyncset.done @!p1 $0x0  }
0x193: {  	s21 =	simm.s32 $0x0;
	[sflag:s8] =	ssyncadd.s32 @!p1 $0xFFFFFE00;
	s8 =	simm.s32 $0x13140  }
.LBB2_18:
0x194: {  	v2 =	vmov s8;
	_ =	sdelay $0x3  }
0x195: {  	s9 =	simm.s32 $0x0  }
0x196: {  	v5 =	vld.idx.msk [tilespmem:v2+s9+$0xC0 ss:$0x1], $0xffff  }
0x197: {  	v6 =	vld.idx.msk [tilespmem:v2+s9+$0xD0 ss:$0x1], $0xffff  }
0x198: {  	v7 =	vld.idx.msk [tilespmem:v2+s9+$0xE0 ss:$0x1], $0xffff  }
0x199: {  	v8 =	vld.idx.msk [tilespmem:v2+s9+$0xF0 ss:$0x1], $0xffff  }
0x19a: {  	v1 =	vld.idx.msk [tilespmem:v2+s9+$0x100 ss:$0x1], $0xffff  }
0x19b: {  	v0 =	vld.idx.msk [tilespmem:v2+s9+$0x110 ss:$0x1], $0xffff  }
0x19c: {  	v12 =	vld.idx.msk [tilespmem:v2+s9+$0x40 ss:$0x1], $0xffff  }
0x19d: {  	v16 =	vld.idx.msk [tilespmem:v2+s9+$0x50 ss:$0x1], $0xffff  }
0x19e: {  	v11 =	vld.idx.msk [tilespmem:v2+s9+$0x60 ss:$0x1], $0xffff  }
0x19f: {  	v13 =	vld.idx.msk [tilespmem:v2+s9+$0x70 ss:$0x1], $0xffff  }
0x1a0: {  	v4 =	vld.idx.msk [tilespmem:v2+s9+$0x80 ss:$0x1], $0xffff  }
0x1a1: {  	v3 =	vld.idx.msk [tilespmem:v2+s9+$0x90 ss:$0x1], $0xffff  }
0x1a2: {  	v14 =	vld.idx.msk [tilespmem:v2+s9+$0xFFFFFFC0 ss:$0x1], $0xffff  }
0x1a3: {  	v17 =	vld.idx.msk [tilespmem:v2+s9+$0xFFFFFFD0 ss:$0x1], $0xffff  }
0x1a4: {  	v21 =	vld.idx.msk [tilespmem:v2+s9+$0xFFFFFFE0 ss:$0x1], $0xffff  }
0x1a5: {  	v22 =	vld.idx.msk [tilespmem:v2+s9+$0xFFFFFFF0 ss:$0x1], $0xffff  }
0x1a6: {  	v18 =	vld.idx.msk [tilespmem:v2+s9+$0xFFFFFF40 ss:$0x1], $0xffff  }
0x1a7: {  	v23 =	vld.idx.msk [tilespmem:v2+s9+$0xFFFFFF50 ss:$0x1], $0xffff  }
0x1a8: {  	v19 =	vld.idx.msk [tilespmem:v2+s9+$0xFFFFFEC0 ss:$0x1], $0xffff  }
0x1a9: {  	v20 =	vld.idx.msk [tilespmem:v2+s9+$0xFFFFFED0 ss:$0x1], $0xffff  }
0x1aa: {  	v24 =	vld.idx.msk [tilespmem:v2+s9+$0xFFFFFEE0 ss:$0x1], $0xffff  }
0x1ab: {  	v25 =	vld.idx.msk [tilespmem:v2+s9+$0xFFFFFEF0 ss:$0x1], $0xffff  }
0x1ac: {  	v26 =	vld.idx.msk [tilespmem:v2+s9+$0xFFFFFF60 ss:$0x1], $0xffff  }
0x1ad: {  	v27 =	vld.idx.msk [tilespmem:v2+s9+$0xFFFFFF70 ss:$0x1], $0xffff  }
0x1ae: {  	v9 =	vimm.f32 $0.0e+00;
	v15 =	vld.idx.msk [tilespmem:v2+s9+$0x0 ss:$0x1], $0xffff  }
0x1af: {  	v10 =	vld.idx.msk [tilespmem:v2+s9+$0x10 ss:$0x1], $0xffff;
	v28 =	vadd.f32 v19, v9;
	v29 =	vadd.f32 v20, v9  }
0x1b0: {  	v19 =	vld.idx.msk [tilespmem:v2+s9+$0xFFFFFF80 ss:$0x1], $0xffff;
	v24 =	vadd.f32 v24, v9;
	v25 =	vadd.f32 v25, v9  }
0x1b1: {  	v20 =	vld.idx.msk [tilespmem:v2+s9+$0xFFFFFF90 ss:$0x1], $0xffff;
	v18 =	vadd.f32 v18, v28;
	v29 =	vadd.f32 v23, v29  }
0x1b2: {  	v23 =	vld.idx.msk [tilespmem:v2+s9+$0xFFFFFF00 ss:$0x1], $0xffff;
	v26 =	vadd.f32 v26, v24;
	v27 =	vadd.f32 v27, v25  }
0x1b3: {  	v24 =	vld.idx.msk [tilespmem:v2+s9+$0xFFFFFF10 ss:$0x1], $0xffff;
	v28 =	vadd.f32 v14, v18;
	v29 =	vadd.f32 v17, v29  }
0x1b4: {  	s10 =	simm.s32 $0xA00;
	v25 =	vld.idx.msk [tilespmem:v2+s9+$0xFFFFFF20 ss:$0x1], $0xffff;
	v18 =	vimm.f32 $0.0e+00;
	v17 =	vimm.f32 $0.0e+00;
	v14 =	vimm.f32 $0.0e+00  }
.LBB2_19:
0x1b5: {  	p1 =	sne.s32 s10, $0x5A00;
	v30 =	vld.idx.msk [tilespmem:v2+s9+$0xFFFFFF30 ss:$0x1], $0xffff;
	v21 =	vadd.f32 v21, v26;
	v22 =	vadd.f32 v22, v27  }
0x1b6: {  	v26 =	vld.idx.msk [tilespmem:v2+s9+$0xFFFFFFA0 ss:$0x1], $0xffff;
	v12 =	vadd.f32 v12, v28;
	v16 =	vadd.f32 v16, v29  }
0x1b7: {  	v27 =	vld.idx.msk [tilespmem:v2+s9+$0xFFFFFFB0 ss:$0x1], $0xffff;
	v11 =	vadd.f32 v11, v21;
	v13 =	vadd.f32 v13, v22  }
0x1b8: {  	v21 =	vld.idx.msk [tilespmem:v2+s9+$0x20 ss:$0x1], $0xffff;
	v28 =	vadd.f32 v5, v12;
	v29 =	vadd.f32 v6, v16  }
0x1b9: {  	v12 =	vld.idx.msk [tilespmem:v2+s9+$0x30 ss:$0x1], $0xffff;
	v31 =	vadd.f32 v7, v11;
	v32 =	vadd.f32 v8, v13  }
0x1ba: {  	v5 =	vadd.f32 v23, v9;
	v6 =	vadd.f32 v24, v18;
	v9 =	vld.idx.msk [tilespmem:v2+s9+$0xA0 ss:$0x1], $0xffff  }
0x1bb: {  	v7 =	vadd.f32 v25, v17;
	v8 =	vadd.f32 v30, v14;
	v11 =	vld.idx.msk [tilespmem:v2+s9+$0xB0 ss:$0x1], $0xffff  }
0x1bc: {  	v13 =	vadd.f32 v19, v5;
	v6 =	vadd.f32 v20, v6;
	v14 =	vld.idx.msk [tilespmem:v2+s9+$0x120 ss:$0x1], $0xffff  }
0x1bd: {  	v7 =	vadd.f32 v26, v7;
	v8 =	vadd.f32 v27, v8;
	v16 =	vld.idx.msk [tilespmem:v2+s9+$0x130 ss:$0x1], $0xffff;
	s9 =	sshra.s32 s10, $0x2  }
0x1be: {  	v13 =	vadd.f32 v15, v13;
	v10 =	vadd.f32 v10, v6;
	v5 =	vld.idx.msk [tilespmem:v2+s9+$0xC0 ss:$0x1], $0xffff  }
0x1bf: {  	v15 =	vadd.f32 v21, v7;
	v12 =	vadd.f32 v12, v8;
	v6 =	vld.idx.msk [tilespmem:v2+s9+$0xD0 ss:$0x1], $0xffff  }
0x1c0: {  	v4 =	vadd.f32 v4, v13;
	v3 =	vadd.f32 v3, v10;
	v7 =	vld.idx.msk [tilespmem:v2+s9+$0xE0 ss:$0x1], $0xffff  }
0x1c1: {  	v10 =	vadd.f32 v9, v15;
	v11 =	vadd.f32 v11, v12;
	v8 =	vld.idx.msk [tilespmem:v2+s9+$0xF0 ss:$0x1], $0xffff  }
0x1c2: {  	v9 =	vadd.f32 v1, v4;
	v18 =	vadd.f32 v0, v3;
	v1 =	vld.idx.msk [tilespmem:v2+s9+$0x100 ss:$0x1], $0xffff  }
0x1c3: {  	v17 =	vadd.f32 v14, v10;
	v14 =	vadd.f32 v16, v11;
	v0 =	vld.idx.msk [tilespmem:v2+s9+$0x110 ss:$0x1], $0xffff  }
0x1c4: {  	v12 =	vld.idx.msk [tilespmem:v2+s9+$0x40 ss:$0x1], $0xffff  }
0x1c5: {  	v16 =	vld.idx.msk [tilespmem:v2+s9+$0x50 ss:$0x1], $0xffff  }
0x1c6: {  	v11 =	vld.idx.msk [tilespmem:v2+s9+$0x60 ss:$0x1], $0xffff  }
0x1c7: {  	v13 =	vld.idx.msk [tilespmem:v2+s9+$0x70 ss:$0x1], $0xffff  }
0x1c8: {  	v4 =	vld.idx.msk [tilespmem:v2+s9+$0x80 ss:$0x1], $0xffff  }
0x1c9: {  	v3 =	vld.idx.msk [tilespmem:v2+s9+$0x90 ss:$0x1], $0xffff  }
0x1ca: {  	v30 =	vld.idx.msk [tilespmem:v2+s9+$0xFFFFFFC0 ss:$0x1], $0xffff  }
0x1cb: {  	v33 =	vld.idx.msk [tilespmem:v2+s9+$0xFFFFFFD0 ss:$0x1], $0xffff  }
0x1cc: {  	v21 =	vld.idx.msk [tilespmem:v2+s9+$0xFFFFFFE0 ss:$0x1], $0xffff  }
0x1cd: {  	v22 =	vld.idx.msk [tilespmem:v2+s9+$0xFFFFFFF0 ss:$0x1], $0xffff  }
0x1ce: {  	v24 =	vld.idx.msk [tilespmem:v2+s9+$0xFFFFFF40 ss:$0x1], $0xffff  }
0x1cf: {  	v25 =	vld.idx.msk [tilespmem:v2+s9+$0xFFFFFF50 ss:$0x1], $0xffff  }
0x1d0: {  	v19 =	vld.idx.msk [tilespmem:v2+s9+$0xFFFFFEC0 ss:$0x1], $0xffff  }
0x1d1: {  	v20 =	vld.idx.msk [tilespmem:v2+s9+$0xFFFFFED0 ss:$0x1], $0xffff  }
0x1d2: {  	v23 =	vld.idx.msk [tilespmem:v2+s9+$0xFFFFFEE0 ss:$0x1], $0xffff  }
0x1d3: {  	v26 =	vld.idx.msk [tilespmem:v2+s9+$0xFFFFFEF0 ss:$0x1], $0xffff  }
0x1d4: {  	v27 =	vld.idx.msk [tilespmem:v2+s9+$0xFFFFFF60 ss:$0x1], $0xffff  }
0x1d5: {  	v34 =	vld.idx.msk [tilespmem:v2+s9+$0xFFFFFF70 ss:$0x1], $0xffff  }
0x1d6: {  	v15 =	vld.idx.msk [tilespmem:v2+s9+$0x0 ss:$0x1], $0xffff  }
0x1d7: {  	v10 =	vld.idx.msk [tilespmem:v2+s9+$0x10 ss:$0x1], $0xffff  }
.Ltmp8:
0x1d8: {  	v28 =	vadd.f32 v19, v28;
	v29 =	vadd.f32 v20, v29;
	v19 =	vld.idx.msk [tilespmem:v2+s9+$0xFFFFFF80 ss:$0x1], $0xffff;
	(pc) =	sbr.rel @p1 .LBB2_19-.Ltmp8, $4  }
0x1d9: {  	v31 =	vadd.f32 v23, v31;
	v32 =	vadd.f32 v26, v32;
	v20 =	vld.idx.msk [tilespmem:v2+s9+$0xFFFFFF90 ss:$0x1], $0xffff  }
0x1da: {  	v28 =	vadd.f32 v24, v28;
	v29 =	vadd.f32 v25, v29;
	v23 =	vld.idx.msk [tilespmem:v2+s9+$0xFFFFFF00 ss:$0x1], $0xffff  }
0x1db: {  	v26 =	vadd.f32 v27, v31;
	v27 =	vadd.f32 v34, v32;
	v24 =	vld.idx.msk [tilespmem:v2+s9+$0xFFFFFF10 ss:$0x1], $0xffff  }
0x1dc: {  	s10 =	sadd.s32 $0xA00, s10;
	v28 =	vadd.f32 v30, v28;
	v29 =	vadd.f32 v33, v29;
	v25 =	vld.idx.msk [tilespmem:v2+s9+$0xFFFFFF20 ss:$0x1], $0xffff  }
0x1dd: {  	_ =	sdelay $0x1  }
0x1de: {  	v21 =	vadd.f32 v21, v26;
	v22 =	vadd.f32 v22, v27  }
0x1df: {  	v12 =	vadd.f32 v12, v28;
	v16 =	vadd.f32 v16, v29  }
0x1e0: {  	v49 =	vld.idx.msk [tilespmem:v2+s9+$0xFFFFFF30 ss:$0x1], $0xffff;
	v11 =	vadd.f32 v11, v21;
	v13 =	vadd.f32 v13, v22  }
0x1e1: {  	v50 =	vld.idx.msk [tilespmem:v2+s9+$0xFFFFFFA0 ss:$0x1], $0xffff;
	v9 =	vadd.f32 v23, v9;
	v5 =	vadd.f32 v5, v12  }
0x1e2: {  	v51 =	vld.idx.msk [tilespmem:v2+s9+$0xFFFFFFB0 ss:$0x1], $0xffff;
	v6 =	vadd.f32 v6, v16;
	v54 =	vadd.f32 v24, v18  }
0x1e3: {  	v52 =	vld.idx.msk [tilespmem:v2+s9+$0x20 ss:$0x1], $0xffff;
	v7 =	vadd.f32 v7, v11;
	v8 =	vadd.f32 v8, v13  }
0x1e4: {  	v53 =	vld.idx.msk [tilespmem:v2+s9+$0x30 ss:$0x1], $0xffff;
	v17 =	vadd.f32 v25, v17;
	v9 =	vadd.f32 v19, v9  }
0x1e5: {  	v55 =	vld.idx.msk [tilespmem:v2+s9+$0xA0 ss:$0x1], $0xffff;
	v14 =	vadd.f32 v49, v14;
	v13 =	vadd.f32 v20, v54  }
0x1e6: {  	v56 =	vld.idx.msk [tilespmem:v2+s9+$0xB0 ss:$0x1], $0xffff;
	s10 =	sshll.u32 s21, $0x7;
	v17 =	vadd.f32 v50, v17;
	v9 =	vadd.f32 v15, v9  }
0x1e7: {  	v57 =	vld.idx.msk [tilespmem:v2+s9+$0x120 ss:$0x1], $0xffff;
	s31 =	sand.u32 $0x3FFFFF80, s10;
	v14 =	vadd.f32 v51, v14;
	v10 =	vadd.f32 v10, v13  }
0x1e8: {  	v58 =	vld.idx.msk [tilespmem:v2+s9+$0x130 ss:$0x1], $0xffff;
	[tilespmem:s31+$0x19A00] =	vst v5;
	v12 =	vadd.f32 v52, v17;
	v4 =	vadd.f32 v4, v9  }
0x1e9: {  	s21 =	sadd.s32 $0x1, s21;
	[tilespmem:s31+$0x19A10] =	vst v6;
	v59 =	vadd.f32 v53, v14;
	v3 =	vadd.f32 v3, v10  }
0x1ea: {  	p1 =	sne.s32 s21, $0x4;
	[tilespmem:s31+$0x19A20] =	vst v7;
	v60 =	vadd.f32 v55, v12;
	v1 =	vadd.f32 v1, v4  }
.Ltmp9:
0x1eb: {  	[tilespmem:s31+$0x19A30] =	vst v8;
	v61 =	vadd.f32 v56, v59;
	v0 =	vadd.f32 v0, v3;
	(pc) =	sbr.rel @p1 .LBB2_18-.Ltmp9, $4  }
0x1ec: {  	v62 =	vadd.f32 v57, v60;
	[tilespmem:s31+$0x19A40] =	vst v1  }
0x1ed: {  	v63 =	vadd.f32 v58, v61;
	[tilespmem:s31+$0x19A50] =	vst v0  }
0x1ee: {  	[tilespmem:s31+$0x19A60] =	vst v62  }
0x1ef: {  	s8 =	sadd.s32 $0x1900, s8;
	[tilespmem:s31+$0x19A70] =	vst v63  }
0x1f0: {  	s8 =	simm.s32 @!p0 $0xC  }
0x1f1: {  	_ =	swait.ge @!p0 [sflag:s8], $0xC8  }
0x1f2: {  	s9 =	simm.s32 @!p0 $0x300;
	s10 =	simm.s32 @!p0 $0x13000;
	[sflag:s8] =	ssyncset.done @!p0 $0x0  }
0x1f3: {  	s6 =	sadd.s32 $0x1, s6;
	[sflag:s8] =	ssyncadd.s32 @!p0 $0xFFFFFF38;
	s8 =	simm.s32 @!p0 $0x68  }
0x1f4: {  	[tilespmem:s10], [sflag:$0x4] =	stream.indirect.gather @!p0 [hbm4b:s2+s8], $0x80, s9, s8, $0xb8;
	[tilespmem:$0x19C00] =	vst v63  }
0x1f5: {  	s8 =	simm.s32 @!p0 $0x60;
	s9 =	simm.s32 @!p0 $0x368;
	s10 =	simm.s32 @!p0 $0x16400  }
0x1f6: {  	[tilespmem:s10], [sflag:$0x4] =	stream.indirect.gather @!p0 [hbm4b:s2+s8], $0x80, s9, s8, $0xb8;
	[tilespmem:$0x19C00] =	vst v63  }
0x1f7: {  	p0 =	sne.s32 s6, $0x20  }
.Ltmp10:
0x1f8: {  	_ = 	snop;
	(pc) =	sbr.rel @p0 .LBB2_2-.Ltmp10, $4  }
0x1f9: {  	s31 =	sadd.s32 $0xC0, s26  }
0x1fa: {  	s8 =	sand.u32 $0x1FFFFFC0, s31  }
0x1fb: {  	s8 =	sadd.s32 s3, s8  }
0x1fc: {  	[hbm4b:s8+s4] =	stream.linear.scatter [tilespmem:s19], [sflag:$0x8], $0x200, $0x38;
	[tilespmem:$0x19C00] =	vst v63  }
0x1fd: {  	_ =	swait.ge [sflag:s20], $0x200  }
0x1fe: {  	[sflag:s20] =	ssyncset.done $0x0  }
0x1ff: {  	s6 =	simm.s32 $0x6;
	[sflag:s20] =	ssyncadd.s32 $0xFFFFFE00  }
0x200: {  	_ =	swait.ge [sflag:s6], $0x200  }
0x201: {  	[sflag:s6] =	ssyncset.done $0x0  }
0x202: {  	s26 =	simm.s32 $0x7;
	[sflag:s6] =	ssyncadd.s32 $0xFFFFFE00  }
0x203: {  	_ =	swait.ge [sflag:s26], $0x200  }
0x204: {  	[sflag:s26] =	ssyncset.done $0x0  }
0x205: {  	s8 =	simm.s32 $0x8;
	[sflag:s26] =	ssyncadd.s32 $0xFFFFFE00  }
0x206: {  	_ =	swait.ge [sflag:s8], $0x200  }
0x207: {  	s17 =	sadd.s32 $0x1, s17;
	s31 =	rddreg [dreg:$0x8]  }
0x208: {  	p0 =	sne.s32 s17, s31  }
.Ltmp11:
0x209: {  	_ = 	snop;
	(pc) =	sbr.rel @p0 .LBB2_1-.Ltmp11, $3  }
0x20a: {  	_ =	sdelay $0x1  }
0x20b: {  	[sflag:s8] =	ssyncset.done $0x0  }
0x20c: {  	[sflag:s8] =	ssyncadd.s32 $0xFFFFFE00  }
0x20d: {  	_ =	sfence.sel $0x180000  }
0x20e: {  	[bflag:$0x0] =	sbarrier.arrive $0xFFFF  }
0x20f: {  	_ =	strace $0x90000047  }
0x210: {  	s0 =	stileid.u32;
	[bflag:$0x2] =	sbarrier.arrive $0xFFFF  }
0x211: {  	p0 =	sne.s32 s0, $0x0;
	s0 =	rddreg [dreg:$0x3]  }
0x212: {  	s0 =	sadd.s32 @!p0 $0x100000, s0  }
0x213: {  	[sflag:s0] =	ssyncadd.tile.s32 @!p0 $0x1;
	_ =	shalt  }
.Lfunc_end2:
_tile_overlayer_lowered:
.L_overlay_start_2:
0x214: {  	(tag) =	ssettag $0x2  }
0x215: {  	s0 =	rddreg [dreg:$0x0];
	s2 =	stileid.u32  }
0x216: {  	s1 =	rddreg [dreg:$0x1];
	p0 =	sne.s32 s2, $0x0  }
0x217: {  	s3 =	rddreg [dreg:$0x2];
	[bflag:$0x3] =	sbarrier.arrive $0xFFFF;
	s2 =	simm.s32 @!p0 $0x1C0D  }
0x218: {  	[timem:s3], [sflag:s2] =	dma.local @!p0 [hbm:s0], s1  }
0x219: {  	s0 =	simm.s32 @!p0 $0xD  }
0x21a: {  	_ =	swait.ge @!p0 [sflag:s0], s1  }
0x21b: {  	s1 =	ssub.s32 @!p0 $0x0, s1;
	[sflag:s0] =	ssyncset.done @!p0 $0x0  }
0x21c: {  	[sflag:s0] =	ssyncadd.s32 @!p0 s1  }
0x21d: {  	[bflag:$0x3] =	sbarrier.arrive $0xFFFF  }
0x21e: {  	_ =	shalt  }

</sc_bundles>
